<compile_context>
chip_gen: v7x
topology: tpu7x:2x2x1
jax: 0.10.2.dev20260603
libtpu: 0.0.44.dev20260713+nightly
codegen_flags: <defaults>
</compile_context>

<pallas_src>
import functools

import jax
import jax.numpy as jnp
from jax import lax
from jax.experimental import pallas as pl
from jax.experimental.pallas import tpu as pltpu
from jax.experimental.pallas import tpu_sc as plsc

USER_NUM = 100000
EMB = 128

NC = 2
NS = 16
NW = NC * NS

CH = 128
NCH = 25
BPW = NCH * CH
STRIDE = 3128
BASE_MAX = USER_NUM - BPW
NBUF = 7
LEAD = 4

_mesh = plsc.VectorSubcoreMesh(core_axis_name="c", subcore_axis_name="s")


@functools.partial(
    pl.kernel,
    out_type=jax.ShapeDtypeStruct((USER_NUM, EMB), jnp.float32),
    mesh=_mesh,
    scratch_types=[
        pltpu.VMEM((BPW,), jnp.int32),
        pltpu.VMEM((NBUF, CH, EMB), jnp.float32),
        [pltpu.SemaphoreType.DMA] * NBUF,
        [pltpu.SemaphoreType.DMA] * NBUF,
    ],
)
def _gather_kernel(table_hbm, idx_hbm, out_hbm, idx_v, rows_v, gs, ws):
    wid = lax.axis_index("s") * NC + (1 - lax.axis_index("c"))
    base = pl.multiple_of(jnp.minimum(wid * STRIDE, BASE_MAX), 8)
    FIRST = LEAD * CH
    pltpu.sync_copy(idx_hbm.at[pl.ds(base, FIRST)], idx_v.at[pl.ds(0, FIRST)])

    def gather_start(i, b):
        pltpu.async_copy(
            table_hbm.at[idx_v.at[pl.ds(i * CH, CH)]], rows_v.at[b], gs[b])

    def gather_wait(i, b):
        pltpu.make_async_copy(
            table_hbm.at[idx_v.at[pl.ds(i * CH, CH)]], rows_v.at[b],
            gs[b]).wait()

    def wb_start(i, b):
        pltpu.async_copy(
            rows_v.at[b], out_hbm.at[pl.ds(base + i * CH, CH)], ws[b])

    def wb_wait(i, b):
        pltpu.make_async_copy(
            rows_v.at[b], out_hbm.at[pl.ds(base + i * CH, CH)], ws[b]).wait()

    for k in range(LEAD):
        gather_start(k, k % NBUF)
    pltpu.sync_copy(idx_hbm.at[pl.ds(base + LEAD * CH, BPW - LEAD * CH)],
                    idx_v.at[pl.ds(LEAD * CH, BPW - LEAD * CH)])
    for i in range(NCH):
        b = i % NBUF
        bl = (i + LEAD) % NBUF
        if i + LEAD < NCH:
            if i + LEAD >= NBUF:
                wb_wait(i + LEAD - NBUF, bl)
            gather_start(i + LEAD, bl)
        gather_wait(i, b)
        wb_start(i, b)
    for i in range(max(0, NCH - NBUF), NCH):
        wb_wait(i, i % NBUF)


def kernel(user_emb, user_index):
    return _gather_kernel(user_emb, user_index.astype(jnp.int32))

# --- scband reference (transcript-rebuilt; emitter-appended) ---
"""Pipeline reference for scband-user-single-domain-13606456394158 (READ-ONLY COPY).

The authoritative reference and input builder live on the scoring server;
editing this copy changes nothing except your own understanding.
"""

import jax, jax.numpy as jnp
import numpy as np

USER_NUM = 100000
EMB = 128

def setup_inputs(seed: int = 0) -> dict:
    key = jax.random.key(seed)
    k1, _ = jax.random.split(key)
    user_emb = jax.random.normal(k1, (USER_NUM, EMB), dtype=jnp.float32)
    user_index = jnp.arange(USER_NUM, dtype=jnp.int64) if jax.config.jax_enable_x64 else jnp.arange(USER_NUM, dtype=jnp.int32)
    return {"user_emb": user_emb, "user_index": user_index}

def reference(user_emb, user_index):
    # forward: Eu = [self.user_emb(self.user_index_tensor)] -> full-table gather
    Eu0 = jnp.take(user_emb, user_index, axis=0)
    return Eu0

if __name__ == "__main__":
    import jax
    _d = setup_inputs()
    print(jax.jit(kernel)(*tuple(_d.values())))

</pallas_src>

<mosaic_0001>
#map = affine_map<(d0, d1) -> (0, 0)>
#map1 = affine_map<(d0, d1) -> (0)>
module attributes {stable_mosaic.version = 14 : i64} {
  func.func @_gather_kernel(%arg0: i32, %arg1: i32, %arg2: memref<100000x128xf32, #tpu.memory_space<hbm>>, %arg3: memref<100000xi32, #tpu.memory_space<hbm>>, %arg4: memref<100000x128xf32, #tpu.memory_space<hbm>>, %arg5: memref<3200xi32, #tpu.memory_space<vmem>>, %arg6: memref<7x128x128xf32, #tpu.memory_space<vmem>>, %arg7: memref<!tpu.dma_semaphore, #tpu.memory_space<semaphore_mem>>, %arg8: memref<!tpu.dma_semaphore, #tpu.memory_space<semaphore_mem>>, %arg9: memref<!tpu.dma_semaphore, #tpu.memory_space<semaphore_mem>>, %arg10: memref<!tpu.dma_semaphore, #tpu.memory_space<semaphore_mem>>, %arg11: memref<!tpu.dma_semaphore, #tpu.memory_space<semaphore_mem>>, %arg12: memref<!tpu.dma_semaphore, #tpu.memory_space<semaphore_mem>>, %arg13: memref<!tpu.dma_semaphore, #tpu.memory_space<semaphore_mem>>, %arg14: memref<!tpu.dma_semaphore, #tpu.memory_space<semaphore_mem>>, %arg15: memref<!tpu.dma_semaphore, #tpu.memory_space<semaphore_mem>>, %arg16: memref<!tpu.dma_semaphore, #tpu.memory_space<semaphore_mem>>, %arg17: memref<!tpu.dma_semaphore, #tpu.memory_space<semaphore_mem>>, %arg18: memref<!tpu.dma_semaphore, #tpu.memory_space<semaphore_mem>>, %arg19: memref<!tpu.dma_semaphore, #tpu.memory_space<semaphore_mem>>, %arg20: memref<!tpu.dma_semaphore, #tpu.memory_space<semaphore_mem>>) attributes {dimension_semantics = [#tpu.dimension_semantics<core_parallel>, #tpu.dimension_semantics<subcore_parallel>], iteration_bounds = array<i64: 2, 16>, scalar_prefetch = 0 : i64, scratch_operands = 16 : i64, tpu.core_type = #tpu.core_type<sc_vector_subcore>, window_params = [{transform_indices = #map}, {transform_indices = #map1}, {transform_indices = #map}]} {
    %mul3A = arith.constant 2 : i32
    %mul3A_0 = arith.muli %arg1, %mul3A : i32
    %sub3A = arith.constant 1 : i32
    %sub3A_1 = arith.subi %sub3A, %arg0 : i32
    %add3A = arith.addi %mul3A_0, %sub3A_1 : i32
    %mul3A_2 = arith.constant 3128 : i32
    %mul3A_3 = arith.muli %add3A, %mul3A_2 : i32
    %min3A = arith.constant 96800 : i32
    %min3A_4 = arith.minsi %mul3A_3, %min3A : i32
    %multiple_of3A = tpu.assume_multiple %min3A_4, 8 : i32
    "tpu.region"() ({
      %run_scoped3A = tpu.sem_alloc : memref<!tpu.dma_semaphore, #tpu.memory_space<semaphore_mem>>
      %dma_start3A_1255 = arith.constant 0 : i32
      %dma_start3A_1256 = tpu.memref_slice %arg5[%dma_start3A_1255] : memref<3200xi32, #tpu.memory_space<vmem>> -> memref<512xi32, #tpu.memory_space<vmem>>
      %dma_start3A_1257 = tpu.memref_slice %arg3[%multiple_of3A] : memref<100000xi32, #tpu.memory_space<hbm>> -> memref<512xi32, #tpu.memory_space<hbm>>
      %dma_start3A_1258 = arith.constant 0 : i32
      %dma_start3A_1259 = tpu.memref_slice %arg5[%dma_start3A_1258] : memref<3200xi32, #tpu.memory_space<vmem>> -> memref<512xi32, #tpu.memory_space<vmem>>
      %dma_start3A_1260 = tpu.memref_slice %arg3[%multiple_of3A] : memref<100000xi32, #tpu.memory_space<hbm>> -> memref<512xi32, #tpu.memory_space<hbm>>
      tpu.enqueue_dma source(%dma_start3A_1260 : memref<512xi32, #tpu.memory_space<hbm>>) target(%dma_start3A_1259 : memref<512xi32, #tpu.memory_space<vmem>>) target_semaphore(%run_scoped3A : memref<!tpu.dma_semaphore, #tpu.memory_space<semaphore_mem>>)
      %dma_wait3A_1261 = arith.constant 0 : i32
      %dma_wait3A_1262 = tpu.memref_slice %arg5[%dma_wait3A_1261] : memref<3200xi32, #tpu.memory_space<vmem>> -> memref<512xi32, #tpu.memory_space<vmem>>
      %dma_wait3A_1263 = tpu.memref_slice %arg3[%multiple_of3A] : memref<100000xi32, #tpu.memory_space<hbm>> -> memref<512xi32, #tpu.memory_space<hbm>>
      %dma_wait3A_1264 = arith.constant 0 : i32
      %dma_wait3A_1265 = tpu.memref_slice %arg5[%dma_wait3A_1264] : memref<3200xi32, #tpu.memory_space<vmem>> -> memref<512xi32, #tpu.memory_space<vmem>>
      %dma_wait3A_1266 = tpu.memref_slice %arg3[%multiple_of3A] : memref<100000xi32, #tpu.memory_space<hbm>> -> memref<512xi32, #tpu.memory_space<hbm>>
      tpu.wait_dma2 semaphore(%run_scoped3A : memref<!tpu.dma_semaphore, #tpu.memory_space<semaphore_mem>>) src(%dma_wait3A_1266 : memref<512xi32, #tpu.memory_space<hbm>>) dst(%dma_wait3A_1265 : memref<512xi32, #tpu.memory_space<vmem>>)
      tpu.yield
    }) : () -> ()
    %dma_start3A = arith.constant 0 : i32
    %dma_start3A_5 = arith.constant 0 : i32
    %dma_start3A_6 = arith.constant 0 : i32
    %dma_start3A_7 = tpu.memref_slice %arg6[%dma_start3A, %dma_start3A_5, %dma_start3A_6] : memref<7x128x128xf32, #tpu.memory_space<vmem>> -> memref<1x128x128xf32, #tpu.memory_space<vmem>>
    %dma_start3A_8 = tpu.memref_squeeze %dma_start3A_7 : memref<1x128x128xf32, #tpu.memory_space<vmem>> -> memref<128x128xf32, #tpu.memory_space<vmem>>
    %dma_start3A_9 = arith.constant 0 : i32
    %dma_start3A_10 = tpu.memref_slice %arg5[%dma_start3A_9] : memref<3200xi32, #tpu.memory_space<vmem>> -> memref<128xi32, #tpu.memory_space<vmem>>
    %dma_start3A_11 = arith.constant 0 : i32
    %dma_start3A_12 = arith.constant 0 : i32
    %dma_start3A_13 = tpu.memref_slice %arg2[%dma_start3A_11, %dma_start3A_12] : memref<100000x128xf32, #tpu.memory_space<hbm>> -> memref<100000x128xf32, #tpu.memory_space<hbm>>
    tpu.enqueue_indirect_dma source(%dma_start3A_13 : memref<100000x128xf32, #tpu.memory_space<hbm>>) target(%dma_start3A_8 : memref<128x128xf32, #tpu.memory_space<vmem>>) offsets(%dma_start3A_10 : memref<128xi32, #tpu.memory_space<vmem>>) semaphore(%arg7 : memref<!tpu.dma_semaphore, #tpu.memory_space<semaphore_mem>>)
    %dma_start3A_14 = arith.constant 1 : i32
    %dma_start3A_15 = arith.constant 0 : i32
    %dma_start3A_16 = arith.constant 0 : i32
    %dma_start3A_17 = tpu.memref_slice %arg6[%dma_start3A_14, %dma_start3A_15, %dma_start3A_16] : memref<7x128x128xf32, #tpu.memory_space<vmem>> -> memref<1x128x128xf32, #tpu.memory_space<vmem>>
    %dma_start3A_18 = tpu.memref_squeeze %dma_start3A_17 : memref<1x128x128xf32, #tpu.memory_space<vmem>> -> memref<128x128xf32, #tpu.memory_space<vmem>>
    %dma_start3A_19 = arith.constant 128 : i32
    %dma_start3A_20 = tpu.memref_slice %arg5[%dma_start3A_19] : memref<3200xi32, #tpu.memory_space<vmem>> -> memref<128xi32, #tpu.memory_space<vmem>>
    %dma_start3A_21 = arith.constant 0 : i32
    %dma_start3A_22 = arith.constant 0 : i32
    %dma_start3A_23 = tpu.memref_slice %arg2[%dma_start3A_21, %dma_start3A_22] : memref<100000x128xf32, #tpu.memory_space<hbm>> -> memref<100000x128xf32, #tpu.memory_space<hbm>>
    tpu.enqueue_indirect_dma source(%dma_start3A_23 : memref<100000x128xf32, #tpu.memory_space<hbm>>) target(%dma_start3A_18 : memref<128x128xf32, #tpu.memory_space<vmem>>) offsets(%dma_start3A_20 : memref<128xi32, #tpu.memory_space<vmem>>) semaphore(%arg8 : memref<!tpu.dma_semaphore, #tpu.memory_space<semaphore_mem>>)
    %dma_start3A_24 = arith.constant 2 : i32
    %dma_start3A_25 = arith.constant 0 : i32
    %dma_start3A_26 = arith.constant 0 : i32
    %dma_start3A_27 = tpu.memref_slice %arg6[%dma_start3A_24, %dma_start3A_25, %dma_start3A_26] : memref<7x128x128xf32, #tpu.memory_space<vmem>> -> memref<1x128x128xf32, #tpu.memory_space<vmem>>
    %dma_start3A_28 = tpu.memref_squeeze %dma_start3A_27 : memref<1x128x128xf32, #tpu.memory_space<vmem>> -> memref<128x128xf32, #tpu.memory_space<vmem>>
    %dma_start3A_29 = arith.constant 256 : i32
    %dma_start3A_30 = tpu.memref_slice %arg5[%dma_start3A_29] : memref<3200xi32, #tpu.memory_space<vmem>> -> memref<128xi32, #tpu.memory_space<vmem>>
    %dma_start3A_31 = arith.constant 0 : i32
    %dma_start3A_32 = arith.constant 0 : i32
    %dma_start3A_33 = tpu.memref_slice %arg2[%dma_start3A_31, %dma_start3A_32] : memref<100000x128xf32, #tpu.memory_space<hbm>> -> memref<100000x128xf32, #tpu.memory_space<hbm>>
    tpu.enqueue_indirect_dma source(%dma_start3A_33 : memref<100000x128xf32, #tpu.memory_space<hbm>>) target(%dma_start3A_28 : memref<128x128xf32, #tpu.memory_space<vmem>>) offsets(%dma_start3A_30 : memref<128xi32, #tpu.memory_space<vmem>>) semaphore(%arg9 : memref<!tpu.dma_semaphore, #tpu.memory_space<semaphore_mem>>)
    %dma_start3A_34 = arith.constant 3 : i32
    %dma_start3A_35 = arith.constant 0 : i32
    %dma_start3A_36 = arith.constant 0 : i32
    %dma_start3A_37 = tpu.memref_slice %arg6[%dma_start3A_34, %dma_start3A_35, %dma_start3A_36] : memref<7x128x128xf32, #tpu.memory_space<vmem>> -> memref<1x128x128xf32, #tpu.memory_space<vmem>>
    %dma_start3A_38 = tpu.memref_squeeze %dma_start3A_37 : memref<1x128x128xf32, #tpu.memory_space<vmem>> -> memref<128x128xf32, #tpu.memory_space<vmem>>
    %dma_start3A_39 = arith.constant 384 : i32
    %dma_start3A_40 = tpu.memref_slice %arg5[%dma_start3A_39] : memref<3200xi32, #tpu.memory_space<vmem>> -> memref<128xi32, #tpu.memory_space<vmem>>
    %dma_start3A_41 = arith.constant 0 : i32
    %dma_start3A_42 = arith.constant 0 : i32
    %dma_start3A_43 = tpu.memref_slice %arg2[%dma_start3A_41, %dma_start3A_42] : memref<100000x128xf32, #tpu.memory_space<hbm>> -> memref<100000x128xf32, #tpu.memory_space<hbm>>
    tpu.enqueue_indirect_dma source(%dma_start3A_43 : memref<100000x128xf32, #tpu.memory_space<hbm>>) target(%dma_start3A_38 : memref<128x128xf32, #tpu.memory_space<vmem>>) offsets(%dma_start3A_40 : memref<128xi32, #tpu.memory_space<vmem>>) semaphore(%arg10 : memref<!tpu.dma_semaphore, #tpu.memory_space<semaphore_mem>>)
    %add3A_44 = arith.constant 512 : i32
    %add3A_45 = arith.addi %multiple_of3A, %add3A_44 : i32
    "tpu.region"() ({
      %run_scoped3A = tpu.sem_alloc : memref<!tpu.dma_semaphore, #tpu.memory_space<semaphore_mem>>
      %dma_start3A_1255 = arith.constant 512 : i32
      %dma_start3A_1256 = tpu.memref_slice %arg5[%dma_start3A_1255] : memref<3200xi32, #tpu.memory_space<vmem>> -> memref<2688xi32, #tpu.memory_space<vmem>>
      %dma_start3A_1257 = tpu.memref_slice %arg3[%add3A_45] : memref<100000xi32, #tpu.memory_space<hbm>> -> memref<2688xi32, #tpu.memory_space<hbm>>
      %dma_start3A_1258 = arith.constant 512 : i32
      %dma_start3A_1259 = tpu.memref_slice %arg5[%dma_start3A_1258] : memref<3200xi32, #tpu.memory_space<vmem>> -> memref<2688xi32, #tpu.memory_space<vmem>>
      %dma_start3A_1260 = tpu.memref_slice %arg3[%add3A_45] : memref<100000xi32, #tpu.memory_space<hbm>> -> memref<2688xi32, #tpu.memory_space<hbm>>
      tpu.enqueue_dma source(%dma_start3A_1260 : memref<2688xi32, #tpu.memory_space<hbm>>) target(%dma_start3A_1259 : memref<2688xi32, #tpu.memory_space<vmem>>) target_semaphore(%run_scoped3A : memref<!tpu.dma_semaphore, #tpu.memory_space<semaphore_mem>>)
      %dma_wait3A_1261 = arith.constant 512 : i32
      %dma_wait3A_1262 = tpu.memref_slice %arg5[%dma_wait3A_1261] : memref<3200xi32, #tpu.memory_space<vmem>> -> memref<2688xi32, #tpu.memory_space<vmem>>
      %dma_wait3A_1263 = tpu.memref_slice %arg3[%add3A_45] : memref<100000xi32, #tpu.memory_space<hbm>> -> memref<2688xi32, #tpu.memory_space<hbm>>
      %dma_wait3A_1264 = arith.constant 512 : i32
      %dma_wait3A_1265 = tpu.memref_slice %arg5[%dma_wait3A_1264] : memref<3200xi32, #tpu.memory_space<vmem>> -> memref<2688xi32, #tpu.memory_space<vmem>>
      %dma_wait3A_1266 = tpu.memref_slice %arg3[%add3A_45] : memref<100000xi32, #tpu.memory_space<hbm>> -> memref<2688xi32, #tpu.memory_space<hbm>>
      tpu.wait_dma2 semaphore(%run_scoped3A : memref<!tpu.dma_semaphore, #tpu.memory_space<semaphore_mem>>) src(%dma_wait3A_1266 : memref<2688xi32, #tpu.memory_space<hbm>>) dst(%dma_wait3A_1265 : memref<2688xi32, #tpu.memory_space<vmem>>)
      tpu.yield
    }) : () -> ()
    %dma_start3A_46 = arith.constant 4 : i32
    %dma_start3A_47 = arith.constant 0 : i32
    %dma_start3A_48 = arith.constant 0 : i32
    %dma_start3A_49 = tpu.memref_slice %arg6[%dma_start3A_46, %dma_start3A_47, %dma_start3A_48] : memref<7x128x128xf32, #tpu.memory_space<vmem>> -> memref<1x128x128xf32, #tpu.memory_space<vmem>>
    %dma_start3A_50 = tpu.memref_squeeze %dma_start3A_49 : memref<1x128x128xf32, #tpu.memory_space<vmem>> -> memref<128x128xf32, #tpu.memory_space<vmem>>
    %dma_start3A_51 = arith.constant 512 : i32
    %dma_start3A_52 = tpu.memref_slice %arg5[%dma_start3A_51] : memref<3200xi32, #tpu.memory_space<vmem>> -> memref<128xi32, #tpu.memory_space<vmem>>
    %dma_start3A_53 = arith.constant 0 : i32
    %dma_start3A_54 = arith.constant 0 : i32
    %dma_start3A_55 = tpu.memref_slice %arg2[%dma_start3A_53, %dma_start3A_54] : memref<100000x128xf32, #tpu.memory_space<hbm>> -> memref<100000x128xf32, #tpu.memory_space<hbm>>
    tpu.enqueue_indirect_dma source(%dma_start3A_55 : memref<100000x128xf32, #tpu.memory_space<hbm>>) target(%dma_start3A_50 : memref<128x128xf32, #tpu.memory_space<vmem>>) offsets(%dma_start3A_52 : memref<128xi32, #tpu.memory_space<vmem>>) semaphore(%arg11 : memref<!tpu.dma_semaphore, #tpu.memory_space<semaphore_mem>>)
    %dma_wait3A = arith.constant 0 : i32
    %dma_wait3A_56 = arith.constant 0 : i32
    %dma_wait3A_57 = arith.constant 0 : i32
    %dma_wait3A_58 = tpu.memref_slice %arg6[%dma_wait3A, %dma_wait3A_56, %dma_wait3A_57] : memref<7x128x128xf32, #tpu.memory_space<vmem>> -> memref<1x128x128xf32, #tpu.memory_space<vmem>>
    %dma_wait3A_59 = tpu.memref_squeeze %dma_wait3A_58 : memref<1x128x128xf32, #tpu.memory_space<vmem>> -> memref<128x128xf32, #tpu.memory_space<vmem>>
    %dma_wait3A_60 = arith.constant 0 : i32
    %dma_wait3A_61 = tpu.memref_slice %arg5[%dma_wait3A_60] : memref<3200xi32, #tpu.memory_space<vmem>> -> memref<128xi32, #tpu.memory_space<vmem>>
    %dma_wait3A_62 = arith.constant 0 : i32
    %dma_wait3A_63 = arith.constant 0 : i32
    %dma_wait3A_64 = tpu.memref_slice %arg2[%dma_wait3A_62, %dma_wait3A_63] : memref<100000x128xf32, #tpu.memory_space<hbm>> -> memref<100000x128xf32, #tpu.memory_space<hbm>>
    tpu.wait_indirect_dma semaphore(%arg7 : memref<!tpu.dma_semaphore, #tpu.memory_space<semaphore_mem>>) src(%dma_wait3A_64 : memref<100000x128xf32, #tpu.memory_space<hbm>>) dst(%dma_wait3A_59 : memref<128x128xf32, #tpu.memory_space<vmem>>)
    %add3A_65 = arith.constant 0 : i32
    %add3A_66 = arith.addi %multiple_of3A, %add3A_65 : i32
    %dma_start3A_67 = arith.constant 0 : i32
    %dma_start3A_68 = arith.constant 0 : i32
    %dma_start3A_69 = arith.constant 0 : i32
    %dma_start3A_70 = tpu.memref_slice %arg6[%dma_start3A_67, %dma_start3A_68, %dma_start3A_69] : memref<7x128x128xf32, #tpu.memory_space<vmem>> -> memref<1x128x128xf32, #tpu.memory_space<vmem>>
    %dma_start3A_71 = tpu.memref_squeeze %dma_start3A_70 : memref<1x128x128xf32, #tpu.memory_space<vmem>> -> memref<128x128xf32, #tpu.memory_space<vmem>>
    %dma_start3A_72 = arith.constant 0 : i32
    %dma_start3A_73 = tpu.memref_slice %arg4[%add3A_66, %dma_start3A_72] : memref<100000x128xf32, #tpu.memory_space<hbm>> -> memref<128x128xf32, #tpu.memory_space<hbm>>
    %dma_start3A_74 = arith.constant 0 : i32
    %dma_start3A_75 = tpu.memref_slice %arg4[%add3A_66, %dma_start3A_74] : memref<100000x128xf32, #tpu.memory_space<hbm>> -> memref<128x128xf32, #tpu.memory_space<hbm>>
    %dma_start3A_76 = arith.constant 0 : i32
    %dma_start3A_77 = arith.constant 0 : i32
    %dma_start3A_78 = tpu.memref_slice %arg6[%dma_start3A_67, %dma_start3A_76, %dma_start3A_77] : memref<7x128x128xf32, #tpu.memory_space<vmem>> -> memref<1x128x128xf32, #tpu.memory_space<vmem>>
    %dma_start3A_79 = tpu.memref_squeeze %dma_start3A_78 : memref<1x128x128xf32, #tpu.memory_space<vmem>> -> memref<128x128xf32, #tpu.memory_space<vmem>>
    tpu.enqueue_dma source(%dma_start3A_79 : memref<128x128xf32, #tpu.memory_space<vmem>>) target(%dma_start3A_75 : memref<128x128xf32, #tpu.memory_space<hbm>>) target_semaphore(%arg14 : memref<!tpu.dma_semaphore, #tpu.memory_space<semaphore_mem>>)
    %dma_start3A_80 = arith.constant 5 : i32
    %dma_start3A_81 = arith.constant 0 : i32
    %dma_start3A_82 = arith.constant 0 : i32
    %dma_start3A_83 = tpu.memref_slice %arg6[%dma_start3A_80, %dma_start3A_81, %dma_start3A_82] : memref<7x128x128xf32, #tpu.memory_space<vmem>> -> memref<1x128x128xf32, #tpu.memory_space<vmem>>
    %dma_start3A_84 = tpu.memref_squeeze %dma_start3A_83 : memref<1x128x128xf32, #tpu.memory_space<vmem>> -> memref<128x128xf32, #tpu.memory_space<vmem>>
    %dma_start3A_85 = arith.constant 640 : i32
    %dma_start3A_86 = tpu.memref_slice %arg5[%dma_start3A_85] : memref<3200xi32, #tpu.memory_space<vmem>> -> memref<128xi32, #tpu.memory_space<vmem>>
    %dma_start3A_87 = arith.constant 0 : i32
    %dma_start3A_88 = arith.constant 0 : i32
    %dma_start3A_89 = tpu.memref_slice %arg2[%dma_start3A_87, %dma_start3A_88] : memref<100000x128xf32, #tpu.memory_space<hbm>> -> memref<100000x128xf32, #tpu.memory_space<hbm>>
    tpu.enqueue_indirect_dma source(%dma_start3A_89 : memref<100000x128xf32, #tpu.memory_space<hbm>>) target(%dma_start3A_84 : memref<128x128xf32, #tpu.memory_space<vmem>>) offsets(%dma_start3A_86 : memref<128xi32, #tpu.memory_space<vmem>>) semaphore(%arg12 : memref<!tpu.dma_semaphore, #tpu.memory_space<semaphore_mem>>)
    %dma_wait3A_90 = arith.constant 1 : i32
    %dma_wait3A_91 = arith.constant 0 : i32
    %dma_wait3A_92 = arith.constant 0 : i32
    %dma_wait3A_93 = tpu.memref_slice %arg6[%dma_wait3A_90, %dma_wait3A_91, %dma_wait3A_92] : memref<7x128x128xf32, #tpu.memory_space<vmem>> -> memref<1x128x128xf32, #tpu.memory_space<vmem>>
    %dma_wait3A_94 = tpu.memref_squeeze %dma_wait3A_93 : memref<1x128x128xf32, #tpu.memory_space<vmem>> -> memref<128x128xf32, #tpu.memory_space<vmem>>
    %dma_wait3A_95 = arith.constant 128 : i32
    %dma_wait3A_96 = tpu.memref_slice %arg5[%dma_wait3A_95] : memref<3200xi32, #tpu.memory_space<vmem>> -> memref<128xi32, #tpu.memory_space<vmem>>
    %dma_wait3A_97 = arith.constant 0 : i32
    %dma_wait3A_98 = arith.constant 0 : i32
    %dma_wait3A_99 = tpu.memref_slice %arg2[%dma_wait3A_97, %dma_wait3A_98] : memref<100000x128xf32, #tpu.memory_space<hbm>> -> memref<100000x128xf32, #tpu.memory_space<hbm>>
    tpu.wait_indirect_dma semaphore(%arg8 : memref<!tpu.dma_semaphore, #tpu.memory_space<semaphore_mem>>) src(%dma_wait3A_99 : memref<100000x128xf32, #tpu.memory_space<hbm>>) dst(%dma_wait3A_94 : memref<128x128xf32, #tpu.memory_space<vmem>>)
    %add3A_100 = arith.constant 128 : i32
    %add3A_101 = arith.addi %multiple_of3A, %add3A_100 : i32
    %dma_start3A_102 = arith.constant 1 : i32
    %dma_start3A_103 = arith.constant 0 : i32
    %dma_start3A_104 = arith.constant 0 : i32
    %dma_start3A_105 = tpu.memref_slice %arg6[%dma_start3A_102, %dma_start3A_103, %dma_start3A_104] : memref<7x128x128xf32, #tpu.memory_space<vmem>> -> memref<1x128x128xf32, #tpu.memory_space<vmem>>
    %dma_start3A_106 = tpu.memref_squeeze %dma_start3A_105 : memref<1x128x128xf32, #tpu.memory_space<vmem>> -> memref<128x128xf32, #tpu.memory_space<vmem>>
    %dma_start3A_107 = arith.constant 0 : i32
    %dma_start3A_108 = tpu.memref_slice %arg4[%add3A_101, %dma_start3A_107] : memref<100000x128xf32, #tpu.memory_space<hbm>> -> memref<128x128xf32, #tpu.memory_space<hbm>>
    %dma_start3A_109 = arith.constant 0 : i32
    %dma_start3A_110 = tpu.memref_slice %arg4[%add3A_101, %dma_start3A_109] : memref<100000x128xf32, #tpu.memory_space<hbm>> -> memref<128x128xf32, #tpu.memory_space<hbm>>
    %dma_start3A_111 = arith.constant 0 : i32
    %dma_start3A_112 = arith.constant 0 : i32
    %dma_start3A_113 = tpu.memref_slice %arg6[%dma_start3A_102, %dma_start3A_111, %dma_start3A_112] : memref<7x128x128xf32, #tpu.memory_space<vmem>> -> memref<1x128x128xf32, #tpu.memory_space<vmem>>
    %dma_start3A_114 = tpu.memref_squeeze %dma_start3A_113 : memref<1x128x128xf32, #tpu.memory_space<vmem>> -> memref<128x128xf32, #tpu.memory_space<vmem>>
    tpu.enqueue_dma source(%dma_start3A_114 : memref<128x128xf32, #tpu.memory_space<vmem>>) target(%dma_start3A_110 : memref<128x128xf32, #tpu.memory_space<hbm>>) target_semaphore(%arg15 : memref<!tpu.dma_semaphore, #tpu.memory_space<semaphore_mem>>)
    %dma_start3A_115 = arith.constant 6 : i32
    %dma_start3A_116 = arith.constant 0 : i32
    %dma_start3A_117 = arith.constant 0 : i32
    %dma_start3A_118 = tpu.memref_slice %arg6[%dma_start3A_115, %dma_start3A_116, %dma_start3A_117] : memref<7x128x128xf32, #tpu.memory_space<vmem>> -> memref<1x128x128xf32, #tpu.memory_space<vmem>>
    %dma_start3A_119 = tpu.memref_squeeze %dma_start3A_118 : memref<1x128x128xf32, #tpu.memory_space<vmem>> -> memref<128x128xf32, #tpu.memory_space<vmem>>
    %dma_start3A_120 = arith.constant 768 : i32
    %dma_start3A_121 = tpu.memref_slice %arg5[%dma_start3A_120] : memref<3200xi32, #tpu.memory_space<vmem>> -> memref<128xi32, #tpu.memory_space<vmem>>
    %dma_start3A_122 = arith.constant 0 : i32
    %dma_start3A_123 = arith.constant 0 : i32
    %dma_start3A_124 = tpu.memref_slice %arg2[%dma_start3A_122, %dma_start3A_123] : memref<100000x128xf32, #tpu.memory_space<hbm>> -> memref<100000x128xf32, #tpu.memory_space<hbm>>
    tpu.enqueue_indirect_dma source(%dma_start3A_124 : memref<100000x128xf32, #tpu.memory_space<hbm>>) target(%dma_start3A_119 : memref<128x128xf32, #tpu.memory_space<vmem>>) offsets(%dma_start3A_121 : memref<128xi32, #tpu.memory_space<vmem>>) semaphore(%arg13 : memref<!tpu.dma_semaphore, #tpu.memory_space<semaphore_mem>>)
    %dma_wait3A_125 = arith.constant 2 : i32
    %dma_wait3A_126 = arith.constant 0 : i32
    %dma_wait3A_127 = arith.constant 0 : i32
    %dma_wait3A_128 = tpu.memref_slice %arg6[%dma_wait3A_125, %dma_wait3A_126, %dma_wait3A_127] : memref<7x128x128xf32, #tpu.memory_space<vmem>> -> memref<1x128x128xf32, #tpu.memory_space<vmem>>
    %dma_wait3A_129 = tpu.memref_squeeze %dma_wait3A_128 : memref<1x128x128xf32, #tpu.memory_space<vmem>> -> memref<128x128xf32, #tpu.memory_space<vmem>>
    %dma_wait3A_130 = arith.constant 256 : i32
    %dma_wait3A_131 = tpu.memref_slice %arg5[%dma_wait3A_130] : memref<3200xi32, #tpu.memory_space<vmem>> -> memref<128xi32, #tpu.memory_space<vmem>>
    %dma_wait3A_132 = arith.constant 0 : i32
    %dma_wait3A_133 = arith.constant 0 : i32
    %dma_wait3A_134 = tpu.memref_slice %arg2[%dma_wait3A_132, %dma_wait3A_133] : memref<100000x128xf32, #tpu.memory_space<hbm>> -> memref<100000x128xf32, #tpu.memory_space<hbm>>
    tpu.wait_indirect_dma semaphore(%arg9 : memref<!tpu.dma_semaphore, #tpu.memory_space<semaphore_mem>>) src(%dma_wait3A_134 : memref<100000x128xf32, #tpu.memory_space<hbm>>) dst(%dma_wait3A_129 : memref<128x128xf32, #tpu.memory_space<vmem>>)
    %add3A_135 = arith.constant 256 : i32
    %add3A_136 = arith.addi %multiple_of3A, %add3A_135 : i32
    %dma_start3A_137 = arith.constant 2 : i32
    %dma_start3A_138 = arith.constant 0 : i32
    %dma_start3A_139 = arith.constant 0 : i32
    %dma_start3A_140 = tpu.memref_slice %arg6[%dma_start3A_137, %dma_start3A_138, %dma_start3A_139] : memref<7x128x128xf32, #tpu.memory_space<vmem>> -> memref<1x128x128xf32, #tpu.memory_space<vmem>>
    %dma_start3A_141 = tpu.memref_squeeze %dma_start3A_140 : memref<1x128x128xf32, #tpu.memory_space<vmem>> -> memref<128x128xf32, #tpu.memory_space<vmem>>
    %dma_start3A_142 = arith.constant 0 : i32
    %dma_start3A_143 = tpu.memref_slice %arg4[%add3A_136, %dma_start3A_142] : memref<100000x128xf32, #tpu.memory_space<hbm>> -> memref<128x128xf32, #tpu.memory_space<hbm>>
    %dma_start3A_144 = arith.constant 0 : i32
    %dma_start3A_145 = tpu.memref_slice %arg4[%add3A_136, %dma_start3A_144] : memref<100000x128xf32, #tpu.memory_space<hbm>> -> memref<128x128xf32, #tpu.memory_space<hbm>>
    %dma_start3A_146 = arith.constant 0 : i32
    %dma_start3A_147 = arith.constant 0 : i32
    %dma_start3A_148 = tpu.memref_slice %arg6[%dma_start3A_137, %dma_start3A_146, %dma_start3A_147] : memref<7x128x128xf32, #tpu.memory_space<vmem>> -> memref<1x128x128xf32, #tpu.memory_space<vmem>>
    %dma_start3A_149 = tpu.memref_squeeze %dma_start3A_148 : memref<1x128x128xf32, #tpu.memory_space<vmem>> -> memref<128x128xf32, #tpu.memory_space<vmem>>
    tpu.enqueue_dma source(%dma_start3A_149 : memref<128x128xf32, #tpu.memory_space<vmem>>) target(%dma_start3A_145 : memref<128x128xf32, #tpu.memory_space<hbm>>) target_semaphore(%arg16 : memref<!tpu.dma_semaphore, #tpu.memory_space<semaphore_mem>>)
    %add3A_150 = arith.constant 0 : i32
    %add3A_151 = arith.addi %multiple_of3A, %add3A_150 : i32
    %dma_wait3A_152 = arith.constant 0 : i32
    %dma_wait3A_153 = arith.constant 0 : i32
    %dma_wait3A_154 = arith.constant 0 : i32
    %dma_wait3A_155 = tpu.memref_slice %arg6[%dma_wait3A_152, %dma_wait3A_153, %dma_wait3A_154] : memref<7x128x128xf32, #tpu.memory_space<vmem>> -> memref<1x128x128xf32, #tpu.memory_space<vmem>>
    %dma_wait3A_156 = tpu.memref_squeeze %dma_wait3A_155 : memref<1x128x128xf32, #tpu.memory_space<vmem>> -> memref<128x128xf32, #tpu.memory_space<vmem>>
    %dma_wait3A_157 = arith.constant 0 : i32
    %dma_wait3A_158 = tpu.memref_slice %arg4[%add3A_151, %dma_wait3A_157] : memref<100000x128xf32, #tpu.memory_space<hbm>> -> memref<128x128xf32, #tpu.memory_space<hbm>>
    %dma_wait3A_159 = arith.constant 0 : i32
    %dma_wait3A_160 = tpu.memref_slice %arg4[%add3A_151, %dma_wait3A_159] : memref<100000x128xf32, #tpu.memory_space<hbm>> -> memref<128x128xf32, #tpu.memory_space<hbm>>
    %dma_wait3A_161 = arith.constant 0 : i32
    %dma_wait3A_162 = arith.constant 0 : i32
    %dma_wait3A_163 = tpu.memref_slice %arg6[%dma_wait3A_152, %dma_wait3A_161, %dma_wait3A_162] : memref<7x128x128xf32, #tpu.memory_space<vmem>> -> memref<1x128x128xf32, #tpu.memory_space<vmem>>
    %dma_wait3A_164 = tpu.memref_squeeze %dma_wait3A_163 : memref<1x128x128xf32, #tpu.memory_space<vmem>> -> memref<128x128xf32, #tpu.memory_space<vmem>>
    tpu.wait_dma2 semaphore(%arg14 : memref<!tpu.dma_semaphore, #tpu.memory_space<semaphore_mem>>) src(%dma_wait3A_164 : memref<128x128xf32, #tpu.memory_space<vmem>>) dst(%dma_wait3A_160 : memref<128x128xf32, #tpu.memory_space<hbm>>)
    %dma_start3A_165 = arith.constant 0 : i32
    %dma_start3A_166 = arith.constant 0 : i32
    %dma_start3A_167 = arith.constant 0 : i32
    %dma_start3A_168 = tpu.memref_slice %arg6[%dma_start3A_165, %dma_start3A_166, %dma_start3A_167] : memref<7x128x128xf32, #tpu.memory_space<vmem>> -> memref<1x128x128xf32, #tpu.memory_space<vmem>>
    %dma_start3A_169 = tpu.memref_squeeze %dma_start3A_168 : memref<1x128x128xf32, #tpu.memory_space<vmem>> -> memref<128x128xf32, #tpu.memory_space<vmem>>
    %dma_start3A_170 = arith.constant 896 : i32
    %dma_start3A_171 = tpu.memref_slice %arg5[%dma_start3A_170] : memref<3200xi32, #tpu.memory_space<vmem>> -> memref<128xi32, #tpu.memory_space<vmem>>
    %dma_start3A_172 = arith.constant 0 : i32
    %dma_start3A_173 = arith.constant 0 : i32
    %dma_start3A_174 = tpu.memref_slice %arg2[%dma_start3A_172, %dma_start3A_173] : memref<100000x128xf32, #tpu.memory_space<hbm>> -> memref<100000x128xf32, #tpu.memory_space<hbm>>
    tpu.enqueue_indirect_dma source(%dma_start3A_174 : memref<100000x128xf32, #tpu.memory_space<hbm>>) target(%dma_start3A_169 : memref<128x128xf32, #tpu.memory_space<vmem>>) offsets(%dma_start3A_171 : memref<128xi32, #tpu.memory_space<vmem>>) semaphore(%arg7 : memref<!tpu.dma_semaphore, #tpu.memory_space<semaphore_mem>>)
    %dma_wait3A_175 = arith.constant 3 : i32
    %dma_wait3A_176 = arith.constant 0 : i32
    %dma_wait3A_177 = arith.constant 0 : i32
    %dma_wait3A_178 = tpu.memref_slice %arg6[%dma_wait3A_175, %dma_wait3A_176, %dma_wait3A_177] : memref<7x128x128xf32, #tpu.memory_space<vmem>> -> memref<1x128x128xf32, #tpu.memory_space<vmem>>
    %dma_wait3A_179 = tpu.memref_squeeze %dma_wait3A_178 : memref<1x128x128xf32, #tpu.memory_space<vmem>> -> memref<128x128xf32, #tpu.memory_space<vmem>>
    %dma_wait3A_180 = arith.constant 384 : i32
    %dma_wait3A_181 = tpu.memref_slice %arg5[%dma_wait3A_180] : memref<3200xi32, #tpu.memory_space<vmem>> -> memref<128xi32, #tpu.memory_space<vmem>>
    %dma_wait3A_182 = arith.constant 0 : i32
    %dma_wait3A_183 = arith.constant 0 : i32
    %dma_wait3A_184 = tpu.memref_slice %arg2[%dma_wait3A_182, %dma_wait3A_183] : memref<100000x128xf32, #tpu.memory_space<hbm>> -> memref<100000x128xf32, #tpu.memory_space<hbm>>
    tpu.wait_indirect_dma semaphore(%arg10 : memref<!tpu.dma_semaphore, #tpu.memory_space<semaphore_mem>>) src(%dma_wait3A_184 : memref<100000x128xf32, #tpu.memory_space<hbm>>) dst(%dma_wait3A_179 : memref<128x128xf32, #tpu.memory_space<vmem>>)
    %add3A_185 = arith.constant 384 : i32
    %add3A_186 = arith.addi %multiple_of3A, %add3A_185 : i32
    %dma_start3A_187 = arith.constant 3 : i32
    %dma_start3A_188 = arith.constant 0 : i32
    %dma_start3A_189 = arith.constant 0 : i32
    %dma_start3A_190 = tpu.memref_slice %arg6[%dma_start3A_187, %dma_start3A_188, %dma_start3A_189] : memref<7x128x128xf32, #tpu.memory_space<vmem>> -> memref<1x128x128xf32, #tpu.memory_space<vmem>>
    %dma_start3A_191 = tpu.memref_squeeze %dma_start3A_190 : memref<1x128x128xf32, #tpu.memory_space<vmem>> -> memref<128x128xf32, #tpu.memory_space<vmem>>
    %dma_start3A_192 = arith.constant 0 : i32
    %dma_start3A_193 = tpu.memref_slice %arg4[%add3A_186, %dma_start3A_192] : memref<100000x128xf32, #tpu.memory_space<hbm>> -> memref<128x128xf32, #tpu.memory_space<hbm>>
    %dma_start3A_194 = arith.constant 0 : i32
    %dma_start3A_195 = tpu.memref_slice %arg4[%add3A_186, %dma_start3A_194] : memref<100000x128xf32, #tpu.memory_space<hbm>> -> memref<128x128xf32, #tpu.memory_space<hbm>>
    %dma_start3A_196 = arith.constant 0 : i32
    %dma_start3A_197 = arith.constant 0 : i32
    %dma_start3A_198 = tpu.memref_slice %arg6[%dma_start3A_187, %dma_start3A_196, %dma_start3A_197] : memref<7x128x128xf32, #tpu.memory_space<vmem>> -> memref<1x128x128xf32, #tpu.memory_space<vmem>>
    %dma_start3A_199 = tpu.memref_squeeze %dma_start3A_198 : memref<1x128x128xf32, #tpu.memory_space<vmem>> -> memref<128x128xf32, #tpu.memory_space<vmem>>
    tpu.enqueue_dma source(%dma_start3A_199 : memref<128x128xf32, #tpu.memory_space<vmem>>) target(%dma_start3A_195 : memref<128x128xf32, #tpu.memory_space<hbm>>) target_semaphore(%arg17 : memref<!tpu.dma_semaphore, #tpu.memory_space<semaphore_mem>>)
    %add3A_200 = arith.constant 128 : i32
    %add3A_201 = arith.addi %multiple_of3A, %add3A_200 : i32
    %dma_wait3A_202 = arith.constant 1 : i32
    %dma_wait3A_203 = arith.constant 0 : i32
    %dma_wait3A_204 = arith.constant 0 : i32
    %dma_wait3A_205 = tpu.memref_slice %arg6[%dma_wait3A_202, %dma_wait3A_203, %dma_wait3A_204] : memref<7x128x128xf32, #tpu.memory_space<vmem>> -> memref<1x128x128xf32, #tpu.memory_space<vmem>>
    %dma_wait3A_206 = tpu.memref_squeeze %dma_wait3A_205 : memref<1x128x128xf32, #tpu.memory_space<vmem>> -> memref<128x128xf32, #tpu.memory_space<vmem>>
    %dma_wait3A_207 = arith.constant 0 : i32
    %dma_wait3A_208 = tpu.memref_slice %arg4[%add3A_201, %dma_wait3A_207] : memref<100000x128xf32, #tpu.memory_space<hbm>> -> memref<128x128xf32, #tpu.memory_space<hbm>>
    %dma_wait3A_209 = arith.constant 0 : i32
    %dma_wait3A_210 = tpu.memref_slice %arg4[%add3A_201, %dma_wait3A_209] : memref<100000x128xf32, #tpu.memory_space<hbm>> -> memref<128x128xf32, #tpu.memory_space<hbm>>
    %dma_wait3A_211 = arith.constant 0 : i32
    %dma_wait3A_212 = arith.constant 0 : i32
    %dma_wait3A_213 = tpu.memref_slice %arg6[%dma_wait3A_202, %dma_wait3A_211, %dma_wait3A_212] : memref<7x128x128xf32, #tpu.memory_space<vmem>> -> memref<1x128x128xf32, #tpu.memory_space<vmem>>
    %dma_wait3A_214 = tpu.memref_squeeze %dma_wait3A_213 : memref<1x128x128xf32, #tpu.memory_space<vmem>> -> memref<128x128xf32, #tpu.memory_space<vmem>>
    tpu.wait_dma2 semaphore(%arg15 : memref<!tpu.dma_semaphore, #tpu.memory_space<semaphore_mem>>) src(%dma_wait3A_214 : memref<128x128xf32, #tpu.memory_space<vmem>>) dst(%dma_wait3A_210 : memref<128x128xf32, #tpu.memory_space<hbm>>)
    %dma_start3A_215 = arith.constant 1 : i32
    %dma_start3A_216 = arith.constant 0 : i32
    %dma_start3A_217 = arith.constant 0 : i32
    %dma_start3A_218 = tpu.memref_slice %arg6[%dma_start3A_215, %dma_start3A_216, %dma_start3A_217] : memref<7x128x128xf32, #tpu.memory_space<vmem>> -> memref<1x128x128xf32, #tpu.memory_space<vmem>>
    %dma_start3A_219 = tpu.memref_squeeze %dma_start3A_218 : memref<1x128x128xf32, #tpu.memory_space<vmem>> -> memref<128x128xf32, #tpu.memory_space<vmem>>
    %dma_start3A_220 = arith.constant 1024 : i32
    %dma_start3A_221 = tpu.memref_slice %arg5[%dma_start3A_220] : memref<3200xi32, #tpu.memory_space<vmem>> -> memref<128xi32, #tpu.memory_space<vmem>>
    %dma_start3A_222 = arith.constant 0 : i32
    %dma_start3A_223 = arith.constant 0 : i32
    %dma_start3A_224 = tpu.memref_slice %arg2[%dma_start3A_222, %dma_start3A_223] : memref<100000x128xf32, #tpu.memory_space<hbm>> -> memref<100000x128xf32, #tpu.memory_space<hbm>>
    tpu.enqueue_indirect_dma source(%dma_start3A_224 : memref<100000x128xf32, #tpu.memory_space<hbm>>) target(%dma_start3A_219 : memref<128x128xf32, #tpu.memory_space<vmem>>) offsets(%dma_start3A_221 : memref<128xi32, #tpu.memory_space<vmem>>) semaphore(%arg8 : memref<!tpu.dma_semaphore, #tpu.memory_space<semaphore_mem>>)
    %dma_wait3A_225 = arith.constant 4 : i32
    %dma_wait3A_226 = arith.constant 0 : i32
    %dma_wait3A_227 = arith.constant 0 : i32
    %dma_wait3A_228 = tpu.memref_slice %arg6[%dma_wait3A_225, %dma_wait3A_226, %dma_wait3A_227] : memref<7x128x128xf32, #tpu.memory_space<vmem>> -> memref<1x128x128xf32, #tpu.memory_space<vmem>>
    %dma_wait3A_229 = tpu.memref_squeeze %dma_wait3A_228 : memref<1x128x128xf32, #tpu.memory_space<vmem>> -> memref<128x128xf32, #tpu.memory_space<vmem>>
    %dma_wait3A_230 = arith.constant 512 : i32
    %dma_wait3A_231 = tpu.memref_slice %arg5[%dma_wait3A_230] : memref<3200xi32, #tpu.memory_space<vmem>> -> memref<128xi32, #tpu.memory_space<vmem>>
    %dma_wait3A_232 = arith.constant 0 : i32
    %dma_wait3A_233 = arith.constant 0 : i32
    %dma_wait3A_234 = tpu.memref_slice %arg2[%dma_wait3A_232, %dma_wait3A_233] : memref<100000x128xf32, #tpu.memory_space<hbm>> -> memref<100000x128xf32, #tpu.memory_space<hbm>>
    tpu.wait_indirect_dma semaphore(%arg11 : memref<!tpu.dma_semaphore, #tpu.memory_space<semaphore_mem>>) src(%dma_wait3A_234 : memref<100000x128xf32, #tpu.memory_space<hbm>>) dst(%dma_wait3A_229 : memref<128x128xf32, #tpu.memory_space<vmem>>)
    %add3A_235 = arith.constant 512 : i32
    %add3A_236 = arith.addi %multiple_of3A, %add3A_235 : i32
    %dma_start3A_237 = arith.constant 4 : i32
    %dma_start3A_238 = arith.constant 0 : i32
    %dma_start3A_239 = arith.constant 0 : i32
    %dma_start3A_240 = tpu.memref_slice %arg6[%dma_start3A_237, %dma_start3A_238, %dma_start3A_239] : memref<7x128x128xf32, #tpu.memory_space<vmem>> -> memref<1x128x128xf32, #tpu.memory_space<vmem>>
    %dma_start3A_241 = tpu.memref_squeeze %dma_start3A_240 : memref<1x128x128xf32, #tpu.memory_space<vmem>> -> memref<128x128xf32, #tpu.memory_space<vmem>>
    %dma_start3A_242 = arith.constant 0 : i32
    %dma_start3A_243 = tpu.memref_slice %arg4[%add3A_236, %dma_start3A_242] : memref<100000x128xf32, #tpu.memory_space<hbm>> -> memref<128x128xf32, #tpu.memory_space<hbm>>
    %dma_start3A_244 = arith.constant 0 : i32
    %dma_start3A_245 = tpu.memref_slice %arg4[%add3A_236, %dma_start3A_244] : memref<100000x128xf32, #tpu.memory_space<hbm>> -> memref<128x128xf32, #tpu.memory_space<hbm>>
    %dma_start3A_246 = arith.constant 0 : i32
    %dma_start3A_247 = arith.constant 0 : i32
    %dma_start3A_248 = tpu.memref_slice %arg6[%dma_start3A_237, %dma_start3A_246, %dma_start3A_247] : memref<7x128x128xf32, #tpu.memory_space<vmem>> -> memref<1x128x128xf32, #tpu.memory_space<vmem>>
    %dma_start3A_249 = tpu.memref_squeeze %dma_start3A_248 : memref<1x128x128xf32, #tpu.memory_space<vmem>> -> memref<128x128xf32, #tpu.memory_space<vmem>>
    tpu.enqueue_dma source(%dma_start3A_249 : memref<128x128xf32, #tpu.memory_space<vmem>>) target(%dma_start3A_245 : memref<128x128xf32, #tpu.memory_space<hbm>>) target_semaphore(%arg18 : memref<!tpu.dma_semaphore, #tpu.memory_space<semaphore_mem>>)
    %add3A_250 = arith.constant 256 : i32
    %add3A_251 = arith.addi %multiple_of3A, %add3A_250 : i32
    %dma_wait3A_252 = arith.constant 2 : i32
    %dma_wait3A_253 = arith.constant 0 : i32
    %dma_wait3A_254 = arith.constant 0 : i32
    %dma_wait3A_255 = tpu.memref_slice %arg6[%dma_wait3A_252, %dma_wait3A_253, %dma_wait3A_254] : memref<7x128x128xf32, #tpu.memory_space<vmem>> -> memref<1x128x128xf32, #tpu.memory_space<vmem>>
    %dma_wait3A_256 = tpu.memref_squeeze %dma_wait3A_255 : memref<1x128x128xf32, #tpu.memory_space<vmem>> -> memref<128x128xf32, #tpu.memory_space<vmem>>
    %dma_wait3A_257 = arith.constant 0 : i32
    %dma_wait3A_258 = tpu.memref_slice %arg4[%add3A_251, %dma_wait3A_257] : memref<100000x128xf32, #tpu.memory_space<hbm>> -> memref<128x128xf32, #tpu.memory_space<hbm>>
    %dma_wait3A_259 = arith.constant 0 : i32
    %dma_wait3A_260 = tpu.memref_slice %arg4[%add3A_251, %dma_wait3A_259] : memref<100000x128xf32, #tpu.memory_space<hbm>> -> memref<128x128xf32, #tpu.memory_space<hbm>>
    %dma_wait3A_261 = arith.constant 0 : i32
    %dma_wait3A_262 = arith.constant 0 : i32
    %dma_wait3A_263 = tpu.memref_slice %arg6[%dma_wait3A_252, %dma_wait3A_261, %dma_wait3A_262] : memref<7x128x128xf32, #tpu.memory_space<vmem>> -> memref<1x128x128xf32, #tpu.memory_space<vmem>>
    %dma_wait3A_264 = tpu.memref_squeeze %dma_wait3A_263 : memref<1x128x128xf32, #tpu.memory_space<vmem>> -> memref<128x128xf32, #tpu.memory_space<vmem>>
    tpu.wait_dma2 semaphore(%arg16 : memref<!tpu.dma_semaphore, #tpu.memory_space<semaphore_mem>>) src(%dma_wait3A_264 : memref<128x128xf32, #tpu.memory_space<vmem>>) dst(%dma_wait3A_260 : memref<128x128xf32, #tpu.memory_space<hbm>>)
    %dma_start3A_265 = arith.constant 2 : i32
    %dma_start3A_266 = arith.constant 0 : i32
    %dma_start3A_267 = arith.constant 0 : i32
    %dma_start3A_268 = tpu.memref_slice %arg6[%dma_start3A_265, %dma_start3A_266, %dma_start3A_267] : memref<7x128x128xf32, #tpu.memory_space<vmem>> -> memref<1x128x128xf32, #tpu.memory_space<vmem>>
    %dma_start3A_269 = tpu.memref_squeeze %dma_start3A_268 : memref<1x128x128xf32, #tpu.memory_space<vmem>> -> memref<128x128xf32, #tpu.memory_space<vmem>>
    %dma_start3A_270 = arith.constant 1152 : i32
    %dma_start3A_271 = tpu.memref_slice %arg5[%dma_start3A_270] : memref<3200xi32, #tpu.memory_space<vmem>> -> memref<128xi32, #tpu.memory_space<vmem>>
    %dma_start3A_272 = arith.constant 0 : i32
    %dma_start3A_273 = arith.constant 0 : i32
    %dma_start3A_274 = tpu.memref_slice %arg2[%dma_start3A_272, %dma_start3A_273] : memref<100000x128xf32, #tpu.memory_space<hbm>> -> memref<100000x128xf32, #tpu.memory_space<hbm>>
    tpu.enqueue_indirect_dma source(%dma_start3A_274 : memref<100000x128xf32, #tpu.memory_space<hbm>>) target(%dma_start3A_269 : memref<128x128xf32, #tpu.memory_space<vmem>>) offsets(%dma_start3A_271 : memref<128xi32, #tpu.memory_space<vmem>>) semaphore(%arg9 : memref<!tpu.dma_semaphore, #tpu.memory_space<semaphore_mem>>)
    %dma_wait3A_275 = arith.constant 5 : i32
    %dma_wait3A_276 = arith.constant 0 : i32
    %dma_wait3A_277 = arith.constant 0 : i32
    %dma_wait3A_278 = tpu.memref_slice %arg6[%dma_wait3A_275, %dma_wait3A_276, %dma_wait3A_277] : memref<7x128x128xf32, #tpu.memory_space<vmem>> -> memref<1x128x128xf32, #tpu.memory_space<vmem>>
    %dma_wait3A_279 = tpu.memref_squeeze %dma_wait3A_278 : memref<1x128x128xf32, #tpu.memory_space<vmem>> -> memref<128x128xf32, #tpu.memory_space<vmem>>
    %dma_wait3A_280 = arith.constant 640 : i32
    %dma_wait3A_281 = tpu.memref_slice %arg5[%dma_wait3A_280] : memref<3200xi32, #tpu.memory_space<vmem>> -> memref<128xi32, #tpu.memory_space<vmem>>
    %dma_wait3A_282 = arith.constant 0 : i32
    %dma_wait3A_283 = arith.constant 0 : i32
    %dma_wait3A_284 = tpu.memref_slice %arg2[%dma_wait3A_282, %dma_wait3A_283] : memref<100000x128xf32, #tpu.memory_space<hbm>> -> memref<100000x128xf32, #tpu.memory_space<hbm>>
    tpu.wait_indirect_dma semaphore(%arg12 : memref<!tpu.dma_semaphore, #tpu.memory_space<semaphore_mem>>) src(%dma_wait3A_284 : memref<100000x128xf32, #tpu.memory_space<hbm>>) dst(%dma_wait3A_279 : memref<128x128xf32, #tpu.memory_space<vmem>>)
    %add3A_285 = arith.constant 640 : i32
    %add3A_286 = arith.addi %multiple_of3A, %add3A_285 : i32
    %dma_start3A_287 = arith.constant 5 : i32
    %dma_start3A_288 = arith.constant 0 : i32
    %dma_start3A_289 = arith.constant 0 : i32
    %dma_start3A_290 = tpu.memref_slice %arg6[%dma_start3A_287, %dma_start3A_288, %dma_start3A_289] : memref<7x128x128xf32, #tpu.memory_space<vmem>> -> memref<1x128x128xf32, #tpu.memory_space<vmem>>
    %dma_start3A_291 = tpu.memref_squeeze %dma_start3A_290 : memref<1x128x128xf32, #tpu.memory_space<vmem>> -> memref<128x128xf32, #tpu.memory_space<vmem>>
    %dma_start3A_292 = arith.constant 0 : i32
    %dma_start3A_293 = tpu.memref_slice %arg4[%add3A_286, %dma_start3A_292] : memref<100000x128xf32, #tpu.memory_space<hbm>> -> memref<128x128xf32, #tpu.memory_space<hbm>>
    %dma_start3A_294 = arith.constant 0 : i32
    %dma_start3A_295 = tpu.memref_slice %arg4[%add3A_286, %dma_start3A_294] : memref<100000x128xf32, #tpu.memory_space<hbm>> -> memref<128x128xf32, #tpu.memory_space<hbm>>
    %dma_start3A_296 = arith.constant 0 : i32
    %dma_start3A_297 = arith.constant 0 : i32
    %dma_start3A_298 = tpu.memref_slice %arg6[%dma_start3A_287, %dma_start3A_296, %dma_start3A_297] : memref<7x128x128xf32, #tpu.memory_space<vmem>> -> memref<1x128x128xf32, #tpu.memory_space<vmem>>
    %dma_start3A_299 = tpu.memref_squeeze %dma_start3A_298 : memref<1x128x128xf32, #tpu.memory_space<vmem>> -> memref<128x128xf32, #tpu.memory_space<vmem>>
    tpu.enqueue_dma source(%dma_start3A_299 : memref<128x128xf32, #tpu.memory_space<vmem>>) target(%dma_start3A_295 : memref<128x128xf32, #tpu.memory_space<hbm>>) target_semaphore(%arg19 : memref<!tpu.dma_semaphore, #tpu.memory_space<semaphore_mem>>)
    %add3A_300 = arith.constant 384 : i32
    %add3A_301 = arith.addi %multiple_of3A, %add3A_300 : i32
    %dma_wait3A_302 = arith.constant 3 : i32
    %dma_wait3A_303 = arith.constant 0 : i32
    %dma_wait3A_304 = arith.constant 0 : i32
    %dma_wait3A_305 = tpu.memref_slice %arg6[%dma_wait3A_302, %dma_wait3A_303, %dma_wait3A_304] : memref<7x128x128xf32, #tpu.memory_space<vmem>> -> memref<1x128x128xf32, #tpu.memory_space<vmem>>
    %dma_wait3A_306 = tpu.memref_squeeze %dma_wait3A_305 : memref<1x128x128xf32, #tpu.memory_space<vmem>> -> memref<128x128xf32, #tpu.memory_space<vmem>>
    %dma_wait3A_307 = arith.constant 0 : i32
    %dma_wait3A_308 = tpu.memref_slice %arg4[%add3A_301, %dma_wait3A_307] : memref<100000x128xf32, #tpu.memory_space<hbm>> -> memref<128x128xf32, #tpu.memory_space<hbm>>
    %dma_wait3A_309 = arith.constant 0 : i32
    %dma_wait3A_310 = tpu.memref_slice %arg4[%add3A_301, %dma_wait3A_309] : memref<100000x128xf32, #tpu.memory_space<hbm>> -> memref<128x128xf32, #tpu.memory_space<hbm>>
    %dma_wait3A_311 = arith.constant 0 : i32
    %dma_wait3A_312 = arith.constant 0 : i32
    %dma_wait3A_313 = tpu.memref_slice %arg6[%dma_wait3A_302, %dma_wait3A_311, %dma_wait3A_312] : memref<7x128x128xf32, #tpu.memory_space<vmem>> -> memref<1x128x128xf32, #tpu.memory_space<vmem>>
    %dma_wait3A_314 = tpu.memref_squeeze %dma_wait3A_313 : memref<1x128x128xf32, #tpu.memory_space<vmem>> -> memref<128x128xf32, #tpu.memory_space<vmem>>
    tpu.wait_dma2 semaphore(%arg17 : memref<!tpu.dma_semaphore, #tpu.memory_space<semaphore_mem>>) src(%dma_wait3A_314 : memref<128x128xf32, #tpu.memory_space<vmem>>) dst(%dma_wait3A_310 : memref<128x128xf32, #tpu.memory_space<hbm>>)
    %dma_start3A_315 = arith.constant 3 : i32
    %dma_start3A_316 = arith.constant 0 : i32
    %dma_start3A_317 = arith.constant 0 : i32
    %dma_start3A_318 = tpu.memref_slice %arg6[%dma_start3A_315, %dma_start3A_316, %dma_start3A_317] : memref<7x128x128xf32, #tpu.memory_space<vmem>> -> memref<1x128x128xf32, #tpu.memory_space<vmem>>
    %dma_start3A_319 = tpu.memref_squeeze %dma_start3A_318 : memref<1x128x128xf32, #tpu.memory_space<vmem>> -> memref<128x128xf32, #tpu.memory_space<vmem>>
    %dma_start3A_320 = arith.constant 1280 : i32
    %dma_start3A_321 = tpu.memref_slice %arg5[%dma_start3A_320] : memref<3200xi32, #tpu.memory_space<vmem>> -> memref<128xi32, #tpu.memory_space<vmem>>
    %dma_start3A_322 = arith.constant 0 : i32
    %dma_start3A_323 = arith.constant 0 : i32
    %dma_start3A_324 = tpu.memref_slice %arg2[%dma_start3A_322, %dma_start3A_323] : memref<100000x128xf32, #tpu.memory_space<hbm>> -> memref<100000x128xf32, #tpu.memory_space<hbm>>
    tpu.enqueue_indirect_dma source(%dma_start3A_324 : memref<100000x128xf32, #tpu.memory_space<hbm>>) target(%dma_start3A_319 : memref<128x128xf32, #tpu.memory_space<vmem>>) offsets(%dma_start3A_321 : memref<128xi32, #tpu.memory_space<vmem>>) semaphore(%arg10 : memref<!tpu.dma_semaphore, #tpu.memory_space<semaphore_mem>>)
    %dma_wait3A_325 = arith.constant 6 : i32
    %dma_wait3A_326 = arith.constant 0 : i32
    %dma_wait3A_327 = arith.constant 0 : i32
    %dma_wait3A_328 = tpu.memref_slice %arg6[%dma_wait3A_325, %dma_wait3A_326, %dma_wait3A_327] : memref<7x128x128xf32, #tpu.memory_space<vmem>> -> memref<1x128x128xf32, #tpu.memory_space<vmem>>
    %dma_wait3A_329 = tpu.memref_squeeze %dma_wait3A_328 : memref<1x128x128xf32, #tpu.memory_space<vmem>> -> memref<128x128xf32, #tpu.memory_space<vmem>>
    %dma_wait3A_330 = arith.constant 768 : i32
    %dma_wait3A_331 = tpu.memref_slice %arg5[%dma_wait3A_330] : memref<3200xi32, #tpu.memory_space<vmem>> -> memref<128xi32, #tpu.memory_space<vmem>>
    %dma_wait3A_332 = arith.constant 0 : i32
    %dma_wait3A_333 = arith.constant 0 : i32
    %dma_wait3A_334 = tpu.memref_slice %arg2[%dma_wait3A_332, %dma_wait3A_333] : memref<100000x128xf32, #tpu.memory_space<hbm>> -> memref<100000x128xf32, #tpu.memory_space<hbm>>
    tpu.wait_indirect_dma semaphore(%arg13 : memref<!tpu.dma_semaphore, #tpu.memory_space<semaphore_mem>>) src(%dma_wait3A_334 : memref<100000x128xf32, #tpu.memory_space<hbm>>) dst(%dma_wait3A_329 : memref<128x128xf32, #tpu.memory_space<vmem>>)
    %add3A_335 = arith.constant 768 : i32
    %add3A_336 = arith.addi %multiple_of3A, %add3A_335 : i32
    %dma_start3A_337 = arith.constant 6 : i32
    %dma_start3A_338 = arith.constant 0 : i32
    %dma_start3A_339 = arith.constant 0 : i32
    %dma_start3A_340 = tpu.memref_slice %arg6[%dma_start3A_337, %dma_start3A_338, %dma_start3A_339] : memref<7x128x128xf32, #tpu.memory_space<vmem>> -> memref<1x128x128xf32, #tpu.memory_space<vmem>>
    %dma_start3A_341 = tpu.memref_squeeze %dma_start3A_340 : memref<1x128x128xf32, #tpu.memory_space<vmem>> -> memref<128x128xf32, #tpu.memory_space<vmem>>
    %dma_start3A_342 = arith.constant 0 : i32
    %dma_start3A_343 = tpu.memref_slice %arg4[%add3A_336, %dma_start3A_342] : memref<100000x128xf32, #tpu.memory_space<hbm>> -> memref<128x128xf32, #tpu.memory_space<hbm>>
    %dma_start3A_344 = arith.constant 0 : i32
    %dma_start3A_345 = tpu.memref_slice %arg4[%add3A_336, %dma_start3A_344] : memref<100000x128xf32, #tpu.memory_space<hbm>> -> memref<128x128xf32, #tpu.memory_space<hbm>>
    %dma_start3A_346 = arith.constant 0 : i32
    %dma_start3A_347 = arith.constant 0 : i32
    %dma_start3A_348 = tpu.memref_slice %arg6[%dma_start3A_337, %dma_start3A_346, %dma_start3A_347] : memref<7x128x128xf32, #tpu.memory_space<vmem>> -> memref<1x128x128xf32, #tpu.memory_space<vmem>>
    %dma_start3A_349 = tpu.memref_squeeze %dma_start3A_348 : memref<1x128x128xf32, #tpu.memory_space<vmem>> -> memref<128x128xf32, #tpu.memory_space<vmem>>
    tpu.enqueue_dma source(%dma_start3A_349 : memref<128x128xf32, #tpu.memory_space<vmem>>) target(%dma_start3A_345 : memref<128x128xf32, #tpu.memory_space<hbm>>) target_semaphore(%arg20 : memref<!tpu.dma_semaphore, #tpu.memory_space<semaphore_mem>>)
    %add3A_350 = arith.constant 512 : i32
    %add3A_351 = arith.addi %multiple_of3A, %add3A_350 : i32
    %dma_wait3A_352 = arith.constant 4 : i32
    %dma_wait3A_353 = arith.constant 0 : i32
    %dma_wait3A_354 = arith.constant 0 : i32
    %dma_wait3A_355 = tpu.memref_slice %arg6[%dma_wait3A_352, %dma_wait3A_353, %dma_wait3A_354] : memref<7x128x128xf32, #tpu.memory_space<vmem>> -> memref<1x128x128xf32, #tpu.memory_space<vmem>>
    %dma_wait3A_356 = tpu.memref_squeeze %dma_wait3A_355 : memref<1x128x128xf32, #tpu.memory_space<vmem>> -> memref<128x128xf32, #tpu.memory_space<vmem>>
    %dma_wait3A_357 = arith.constant 0 : i32
    %dma_wait3A_358 = tpu.memref_slice %arg4[%add3A_351, %dma_wait3A_357] : memref<100000x128xf32, #tpu.memory_space<hbm>> -> memref<128x128xf32, #tpu.memory_space<hbm>>
    %dma_wait3A_359 = arith.constant 0 : i32
    %dma_wait3A_360 = tpu.memref_slice %arg4[%add3A_351, %dma_wait3A_359] : memref<100000x128xf32, #tpu.memory_space<hbm>> -> memref<128x128xf32, #tpu.memory_space<hbm>>
    %dma_wait3A_361 = arith.constant 0 : i32
    %dma_wait3A_362 = arith.constant 0 : i32
    %dma_wait3A_363 = tpu.memref_slice %arg6[%dma_wait3A_352, %dma_wait3A_361, %dma_wait3A_362] : memref<7x128x128xf32, #tpu.memory_space<vmem>> -> memref<1x128x128xf32, #tpu.memory_space<vmem>>
    %dma_wait3A_364 = tpu.memref_squeeze %dma_wait3A_363 : memref<1x128x128xf32, #tpu.memory_space<vmem>> -> memref<128x128xf32, #tpu.memory_space<vmem>>
    tpu.wait_dma2 semaphore(%arg18 : memref<!tpu.dma_semaphore, #tpu.memory_space<semaphore_mem>>) src(%dma_wait3A_364 : memref<128x128xf32, #tpu.memory_space<vmem>>) dst(%dma_wait3A_360 : memref<128x128xf32, #tpu.memory_space<hbm>>)
    %dma_start3A_365 = arith.constant 4 : i32
    %dma_start3A_366 = arith.constant 0 : i32
    %dma_start3A_367 = arith.constant 0 : i32
    %dma_start3A_368 = tpu.memref_slice %arg6[%dma_start3A_365, %dma_start3A_366, %dma_start3A_367] : memref<7x128x128xf32, #tpu.memory_space<vmem>> -> memref<1x128x128xf32, #tpu.memory_space<vmem>>
    %dma_start3A_369 = tpu.memref_squeeze %dma_start3A_368 : memref<1x128x128xf32, #tpu.memory_space<vmem>> -> memref<128x128xf32, #tpu.memory_space<vmem>>
    %dma_start3A_370 = arith.constant 1408 : i32
    %dma_start3A_371 = tpu.memref_slice %arg5[%dma_start3A_370] : memref<3200xi32, #tpu.memory_space<vmem>> -> memref<128xi32, #tpu.memory_space<vmem>>
    %dma_start3A_372 = arith.constant 0 : i32
    %dma_start3A_373 = arith.constant 0 : i32
    %dma_start3A_374 = tpu.memref_slice %arg2[%dma_start3A_372, %dma_start3A_373] : memref<100000x128xf32, #tpu.memory_space<hbm>> -> memref<100000x128xf32, #tpu.memory_space<hbm>>
    tpu.enqueue_indirect_dma source(%dma_start3A_374 : memref<100000x128xf32, #tpu.memory_space<hbm>>) target(%dma_start3A_369 : memref<128x128xf32, #tpu.memory_space<vmem>>) offsets(%dma_start3A_371 : memref<128xi32, #tpu.memory_space<vmem>>) semaphore(%arg11 : memref<!tpu.dma_semaphore, #tpu.memory_space<semaphore_mem>>)
    %dma_wait3A_375 = arith.constant 0 : i32
    %dma_wait3A_376 = arith.constant 0 : i32
    %dma_wait3A_377 = arith.constant 0 : i32
    %dma_wait3A_378 = tpu.memref_slice %arg6[%dma_wait3A_375, %dma_wait3A_376, %dma_wait3A_377] : memref<7x128x128xf32, #tpu.memory_space<vmem>> -> memref<1x128x128xf32, #tpu.memory_space<vmem>>
    %dma_wait3A_379 = tpu.memref_squeeze %dma_wait3A_378 : memref<1x128x128xf32, #tpu.memory_space<vmem>> -> memref<128x128xf32, #tpu.memory_space<vmem>>
    %dma_wait3A_380 = arith.constant 896 : i32
    %dma_wait3A_381 = tpu.memref_slice %arg5[%dma_wait3A_380] : memref<3200xi32, #tpu.memory_space<vmem>> -> memref<128xi32, #tpu.memory_space<vmem>>
    %dma_wait3A_382 = arith.constant 0 : i32
    %dma_wait3A_383 = arith.constant 0 : i32
    %dma_wait3A_384 = tpu.memref_slice %arg2[%dma_wait3A_382, %dma_wait3A_383] : memref<100000x128xf32, #tpu.memory_space<hbm>> -> memref<100000x128xf32, #tpu.memory_space<hbm>>
    tpu.wait_indirect_dma semaphore(%arg7 : memref<!tpu.dma_semaphore, #tpu.memory_space<semaphore_mem>>) src(%dma_wait3A_384 : memref<100000x128xf32, #tpu.memory_space<hbm>>) dst(%dma_wait3A_379 : memref<128x128xf32, #tpu.memory_space<vmem>>)
    %add3A_385 = arith.constant 896 : i32
    %add3A_386 = arith.addi %multiple_of3A, %add3A_385 : i32
    %dma_start3A_387 = arith.constant 0 : i32
    %dma_start3A_388 = arith.constant 0 : i32
    %dma_start3A_389 = arith.constant 0 : i32
    %dma_start3A_390 = tpu.memref_slice %arg6[%dma_start3A_387, %dma_start3A_388, %dma_start3A_389] : memref<7x128x128xf32, #tpu.memory_space<vmem>> -> memref<1x128x128xf32, #tpu.memory_space<vmem>>
    %dma_start3A_391 = tpu.memref_squeeze %dma_start3A_390 : memref<1x128x128xf32, #tpu.memory_space<vmem>> -> memref<128x128xf32, #tpu.memory_space<vmem>>
    %dma_start3A_392 = arith.constant 0 : i32
    %dma_start3A_393 = tpu.memref_slice %arg4[%add3A_386, %dma_start3A_392] : memref<100000x128xf32, #tpu.memory_space<hbm>> -> memref<128x128xf32, #tpu.memory_space<hbm>>
    %dma_start3A_394 = arith.constant 0 : i32
    %dma_start3A_395 = tpu.memref_slice %arg4[%add3A_386, %dma_start3A_394] : memref<100000x128xf32, #tpu.memory_space<hbm>> -> memref<128x128xf32, #tpu.memory_space<hbm>>
    %dma_start3A_396 = arith.constant 0 : i32
    %dma_start3A_397 = arith.constant 0 : i32
    %dma_start3A_398 = tpu.memref_slice %arg6[%dma_start3A_387, %dma_start3A_396, %dma_start3A_397] : memref<7x128x128xf32, #tpu.memory_space<vmem>> -> memref<1x128x128xf32, #tpu.memory_space<vmem>>
    %dma_start3A_399 = tpu.memref_squeeze %dma_start3A_398 : memref<1x128x128xf32, #tpu.memory_space<vmem>> -> memref<128x128xf32, #tpu.memory_space<vmem>>
    tpu.enqueue_dma source(%dma_start3A_399 : memref<128x128xf32, #tpu.memory_space<vmem>>) target(%dma_start3A_395 : memref<128x128xf32, #tpu.memory_space<hbm>>) target_semaphore(%arg14 : memref<!tpu.dma_semaphore, #tpu.memory_space<semaphore_mem>>)
    %add3A_400 = arith.constant 640 : i32
    %add3A_401 = arith.addi %multiple_of3A, %add3A_400 : i32
    %dma_wait3A_402 = arith.constant 5 : i32
    %dma_wait3A_403 = arith.constant 0 : i32
    %dma_wait3A_404 = arith.constant 0 : i32
    %dma_wait3A_405 = tpu.memref_slice %arg6[%dma_wait3A_402, %dma_wait3A_403, %dma_wait3A_404] : memref<7x128x128xf32, #tpu.memory_space<vmem>> -> memref<1x128x128xf32, #tpu.memory_space<vmem>>
    %dma_wait3A_406 = tpu.memref_squeeze %dma_wait3A_405 : memref<1x128x128xf32, #tpu.memory_space<vmem>> -> memref<128x128xf32, #tpu.memory_space<vmem>>
    %dma_wait3A_407 = arith.constant 0 : i32
    %dma_wait3A_408 = tpu.memref_slice %arg4[%add3A_401, %dma_wait3A_407] : memref<100000x128xf32, #tpu.memory_space<hbm>> -> memref<128x128xf32, #tpu.memory_space<hbm>>
    %dma_wait3A_409 = arith.constant 0 : i32
    %dma_wait3A_410 = tpu.memref_slice %arg4[%add3A_401, %dma_wait3A_409] : memref<100000x128xf32, #tpu.memory_space<hbm>> -> memref<128x128xf32, #tpu.memory_space<hbm>>
    %dma_wait3A_411 = arith.constant 0 : i32
    %dma_wait3A_412 = arith.constant 0 : i32
    %dma_wait3A_413 = tpu.memref_slice %arg6[%dma_wait3A_402, %dma_wait3A_411, %dma_wait3A_412] : memref<7x128x128xf32, #tpu.memory_space<vmem>> -> memref<1x128x128xf32, #tpu.memory_space<vmem>>
    %dma_wait3A_414 = tpu.memref_squeeze %dma_wait3A_413 : memref<1x128x128xf32, #tpu.memory_space<vmem>> -> memref<128x128xf32, #tpu.memory_space<vmem>>
    tpu.wait_dma2 semaphore(%arg19 : memref<!tpu.dma_semaphore, #tpu.memory_space<semaphore_mem>>) src(%dma_wait3A_414 : memref<128x128xf32, #tpu.memory_space<vmem>>) dst(%dma_wait3A_410 : memref<128x128xf32, #tpu.memory_space<hbm>>)
    %dma_start3A_415 = arith.constant 5 : i32
    %dma_start3A_416 = arith.constant 0 : i32
    %dma_start3A_417 = arith.constant 0 : i32
    %dma_start3A_418 = tpu.memref_slice %arg6[%dma_start3A_415, %dma_start3A_416, %dma_start3A_417] : memref<7x128x128xf32, #tpu.memory_space<vmem>> -> memref<1x128x128xf32, #tpu.memory_space<vmem>>
    %dma_start3A_419 = tpu.memref_squeeze %dma_start3A_418 : memref<1x128x128xf32, #tpu.memory_space<vmem>> -> memref<128x128xf32, #tpu.memory_space<vmem>>
    %dma_start3A_420 = arith.constant 1536 : i32
    %dma_start3A_421 = tpu.memref_slice %arg5[%dma_start3A_420] : memref<3200xi32, #tpu.memory_space<vmem>> -> memref<128xi32, #tpu.memory_space<vmem>>
    %dma_start3A_422 = arith.constant 0 : i32
    %dma_start3A_423 = arith.constant 0 : i32
    %dma_start3A_424 = tpu.memref_slice %arg2[%dma_start3A_422, %dma_start3A_423] : memref<100000x128xf32, #tpu.memory_space<hbm>> -> memref<100000x128xf32, #tpu.memory_space<hbm>>
    tpu.enqueue_indirect_dma source(%dma_start3A_424 : memref<100000x128xf32, #tpu.memory_space<hbm>>) target(%dma_start3A_419 : memref<128x128xf32, #tpu.memory_space<vmem>>) offsets(%dma_start3A_421 : memref<128xi32, #tpu.memory_space<vmem>>) semaphore(%arg12 : memref<!tpu.dma_semaphore, #tpu.memory_space<semaphore_mem>>)
    %dma_wait3A_425 = arith.constant 1 : i32
    %dma_wait3A_426 = arith.constant 0 : i32
    %dma_wait3A_427 = arith.constant 0 : i32
    %dma_wait3A_428 = tpu.memref_slice %arg6[%dma_wait3A_425, %dma_wait3A_426, %dma_wait3A_427] : memref<7x128x128xf32, #tpu.memory_space<vmem>> -> memref<1x128x128xf32, #tpu.memory_space<vmem>>
    %dma_wait3A_429 = tpu.memref_squeeze %dma_wait3A_428 : memref<1x128x128xf32, #tpu.memory_space<vmem>> -> memref<128x128xf32, #tpu.memory_space<vmem>>
    %dma_wait3A_430 = arith.constant 1024 : i32
    %dma_wait3A_431 = tpu.memref_slice %arg5[%dma_wait3A_430] : memref<3200xi32, #tpu.memory_space<vmem>> -> memref<128xi32, #tpu.memory_space<vmem>>
    %dma_wait3A_432 = arith.constant 0 : i32
    %dma_wait3A_433 = arith.constant 0 : i32
    %dma_wait3A_434 = tpu.memref_slice %arg2[%dma_wait3A_432, %dma_wait3A_433] : memref<100000x128xf32, #tpu.memory_space<hbm>> -> memref<100000x128xf32, #tpu.memory_space<hbm>>
    tpu.wait_indirect_dma semaphore(%arg8 : memref<!tpu.dma_semaphore, #tpu.memory_space<semaphore_mem>>) src(%dma_wait3A_434 : memref<100000x128xf32, #tpu.memory_space<hbm>>) dst(%dma_wait3A_429 : memref<128x128xf32, #tpu.memory_space<vmem>>)
    %add3A_435 = arith.constant 1024 : i32
    %add3A_436 = arith.addi %multiple_of3A, %add3A_435 : i32
    %dma_start3A_437 = arith.constant 1 : i32
    %dma_start3A_438 = arith.constant 0 : i32
    %dma_start3A_439 = arith.constant 0 : i32
    %dma_start3A_440 = tpu.memref_slice %arg6[%dma_start3A_437, %dma_start3A_438, %dma_start3A_439] : memref<7x128x128xf32, #tpu.memory_space<vmem>> -> memref<1x128x128xf32, #tpu.memory_space<vmem>>
    %dma_start3A_441 = tpu.memref_squeeze %dma_start3A_440 : memref<1x128x128xf32, #tpu.memory_space<vmem>> -> memref<128x128xf32, #tpu.memory_space<vmem>>
    %dma_start3A_442 = arith.constant 0 : i32
    %dma_start3A_443 = tpu.memref_slice %arg4[%add3A_436, %dma_start3A_442] : memref<100000x128xf32, #tpu.memory_space<hbm>> -> memref<128x128xf32, #tpu.memory_space<hbm>>
    %dma_start3A_444 = arith.constant 0 : i32
    %dma_start3A_445 = tpu.memref_slice %arg4[%add3A_436, %dma_start3A_444] : memref<100000x128xf32, #tpu.memory_space<hbm>> -> memref<128x128xf32, #tpu.memory_space<hbm>>
    %dma_start3A_446 = arith.constant 0 : i32
    %dma_start3A_447 = arith.constant 0 : i32
    %dma_start3A_448 = tpu.memref_slice %arg6[%dma_start3A_437, %dma_start3A_446, %dma_start3A_447] : memref<7x128x128xf32, #tpu.memory_space<vmem>> -> memref<1x128x128xf32, #tpu.memory_space<vmem>>
    %dma_start3A_449 = tpu.memref_squeeze %dma_start3A_448 : memref<1x128x128xf32, #tpu.memory_space<vmem>> -> memref<128x128xf32, #tpu.memory_space<vmem>>
    tpu.enqueue_dma source(%dma_start3A_449 : memref<128x128xf32, #tpu.memory_space<vmem>>) target(%dma_start3A_445 : memref<128x128xf32, #tpu.memory_space<hbm>>) target_semaphore(%arg15 : memref<!tpu.dma_semaphore, #tpu.memory_space<semaphore_mem>>)
    %add3A_450 = arith.constant 768 : i32
    %add3A_451 = arith.addi %multiple_of3A, %add3A_450 : i32
    %dma_wait3A_452 = arith.constant 6 : i32
    %dma_wait3A_453 = arith.constant 0 : i32
    %dma_wait3A_454 = arith.constant 0 : i32
    %dma_wait3A_455 = tpu.memref_slice %arg6[%dma_wait3A_452, %dma_wait3A_453, %dma_wait3A_454] : memref<7x128x128xf32, #tpu.memory_space<vmem>> -> memref<1x128x128xf32, #tpu.memory_space<vmem>>
    %dma_wait3A_456 = tpu.memref_squeeze %dma_wait3A_455 : memref<1x128x128xf32, #tpu.memory_space<vmem>> -> memref<128x128xf32, #tpu.memory_space<vmem>>
    %dma_wait3A_457 = arith.constant 0 : i32
    %dma_wait3A_458 = tpu.memref_slice %arg4[%add3A_451, %dma_wait3A_457] : memref<100000x128xf32, #tpu.memory_space<hbm>> -> memref<128x128xf32, #tpu.memory_space<hbm>>
    %dma_wait3A_459 = arith.constant 0 : i32
    %dma_wait3A_460 = tpu.memref_slice %arg4[%add3A_451, %dma_wait3A_459] : memref<100000x128xf32, #tpu.memory_space<hbm>> -> memref<128x128xf32, #tpu.memory_space<hbm>>
    %dma_wait3A_461 = arith.constant 0 : i32
    %dma_wait3A_462 = arith.constant 0 : i32
    %dma_wait3A_463 = tpu.memref_slice %arg6[%dma_wait3A_452, %dma_wait3A_461, %dma_wait3A_462] : memref<7x128x128xf32, #tpu.memory_space<vmem>> -> memref<1x128x128xf32, #tpu.memory_space<vmem>>
    %dma_wait3A_464 = tpu.memref_squeeze %dma_wait3A_463 : memref<1x128x128xf32, #tpu.memory_space<vmem>> -> memref<128x128xf32, #tpu.memory_space<vmem>>
    tpu.wait_dma2 semaphore(%arg20 : memref<!tpu.dma_semaphore, #tpu.memory_space<semaphore_mem>>) src(%dma_wait3A_464 : memref<128x128xf32, #tpu.memory_space<vmem>>) dst(%dma_wait3A_460 : memref<128x128xf32, #tpu.memory_space<hbm>>)
    %dma_start3A_465 = arith.constant 6 : i32
    %dma_start3A_466 = arith.constant 0 : i32
    %dma_start3A_467 = arith.constant 0 : i32
    %dma_start3A_468 = tpu.memref_slice %arg6[%dma_start3A_465, %dma_start3A_466, %dma_start3A_467] : memref<7x128x128xf32, #tpu.memory_space<vmem>> -> memref<1x128x128xf32, #tpu.memory_space<vmem>>
    %dma_start3A_469 = tpu.memref_squeeze %dma_start3A_468 : memref<1x128x128xf32, #tpu.memory_space<vmem>> -> memref<128x128xf32, #tpu.memory_space<vmem>>
    %dma_start3A_470 = arith.constant 1664 : i32
    %dma_start3A_471 = tpu.memref_slice %arg5[%dma_start3A_470] : memref<3200xi32, #tpu.memory_space<vmem>> -> memref<128xi32, #tpu.memory_space<vmem>>
    %dma_start3A_472 = arith.constant 0 : i32
    %dma_start3A_473 = arith.constant 0 : i32
    %dma_start3A_474 = tpu.memref_slice %arg2[%dma_start3A_472, %dma_start3A_473] : memref<100000x128xf32, #tpu.memory_space<hbm>> -> memref<100000x128xf32, #tpu.memory_space<hbm>>
    tpu.enqueue_indirect_dma source(%dma_start3A_474 : memref<100000x128xf32, #tpu.memory_space<hbm>>) target(%dma_start3A_469 : memref<128x128xf32, #tpu.memory_space<vmem>>) offsets(%dma_start3A_471 : memref<128xi32, #tpu.memory_space<vmem>>) semaphore(%arg13 : memref<!tpu.dma_semaphore, #tpu.memory_space<semaphore_mem>>)
    %dma_wait3A_475 = arith.constant 2 : i32
    %dma_wait3A_476 = arith.constant 0 : i32
    %dma_wait3A_477 = arith.constant 0 : i32
    %dma_wait3A_478 = tpu.memref_slice %arg6[%dma_wait3A_475, %dma_wait3A_476, %dma_wait3A_477] : memref<7x128x128xf32, #tpu.memory_space<vmem>> -> memref<1x128x128xf32, #tpu.memory_space<vmem>>
    %dma_wait3A_479 = tpu.memref_squeeze %dma_wait3A_478 : memref<1x128x128xf32, #tpu.memory_space<vmem>> -> memref<128x128xf32, #tpu.memory_space<vmem>>
    %dma_wait3A_480 = arith.constant 1152 : i32
    %dma_wait3A_481 = tpu.memref_slice %arg5[%dma_wait3A_480] : memref<3200xi32, #tpu.memory_space<vmem>> -> memref<128xi32, #tpu.memory_space<vmem>>
    %dma_wait3A_482 = arith.constant 0 : i32
    %dma_wait3A_483 = arith.constant 0 : i32
    %dma_wait3A_484 = tpu.memref_slice %arg2[%dma_wait3A_482, %dma_wait3A_483] : memref<100000x128xf32, #tpu.memory_space<hbm>> -> memref<100000x128xf32, #tpu.memory_space<hbm>>
    tpu.wait_indirect_dma semaphore(%arg9 : memref<!tpu.dma_semaphore, #tpu.memory_space<semaphore_mem>>) src(%dma_wait3A_484 : memref<100000x128xf32, #tpu.memory_space<hbm>>) dst(%dma_wait3A_479 : memref<128x128xf32, #tpu.memory_space<vmem>>)
    %add3A_485 = arith.constant 1152 : i32
    %add3A_486 = arith.addi %multiple_of3A, %add3A_485 : i32
    %dma_start3A_487 = arith.constant 2 : i32
    %dma_start3A_488 = arith.constant 0 : i32
    %dma_start3A_489 = arith.constant 0 : i32
    %dma_start3A_490 = tpu.memref_slice %arg6[%dma_start3A_487, %dma_start3A_488, %dma_start3A_489] : memref<7x128x128xf32, #tpu.memory_space<vmem>> -> memref<1x128x128xf32, #tpu.memory_space<vmem>>
    %dma_start3A_491 = tpu.memref_squeeze %dma_start3A_490 : memref<1x128x128xf32, #tpu.memory_space<vmem>> -> memref<128x128xf32, #tpu.memory_space<vmem>>
    %dma_start3A_492 = arith.constant 0 : i32
    %dma_start3A_493 = tpu.memref_slice %arg4[%add3A_486, %dma_start3A_492] : memref<100000x128xf32, #tpu.memory_space<hbm>> -> memref<128x128xf32, #tpu.memory_space<hbm>>
    %dma_start3A_494 = arith.constant 0 : i32
    %dma_start3A_495 = tpu.memref_slice %arg4[%add3A_486, %dma_start3A_494] : memref<100000x128xf32, #tpu.memory_space<hbm>> -> memref<128x128xf32, #tpu.memory_space<hbm>>
    %dma_start3A_496 = arith.constant 0 : i32
    %dma_start3A_497 = arith.constant 0 : i32
    %dma_start3A_498 = tpu.memref_slice %arg6[%dma_start3A_487, %dma_start3A_496, %dma_start3A_497] : memref<7x128x128xf32, #tpu.memory_space<vmem>> -> memref<1x128x128xf32, #tpu.memory_space<vmem>>
    %dma_start3A_499 = tpu.memref_squeeze %dma_start3A_498 : memref<1x128x128xf32, #tpu.memory_space<vmem>> -> memref<128x128xf32, #tpu.memory_space<vmem>>
    tpu.enqueue_dma source(%dma_start3A_499 : memref<128x128xf32, #tpu.memory_space<vmem>>) target(%dma_start3A_495 : memref<128x128xf32, #tpu.memory_space<hbm>>) target_semaphore(%arg16 : memref<!tpu.dma_semaphore, #tpu.memory_space<semaphore_mem>>)
    %add3A_500 = arith.constant 896 : i32
    %add3A_501 = arith.addi %multiple_of3A, %add3A_500 : i32
    %dma_wait3A_502 = arith.constant 0 : i32
    %dma_wait3A_503 = arith.constant 0 : i32
    %dma_wait3A_504 = arith.constant 0 : i32
    %dma_wait3A_505 = tpu.memref_slice %arg6[%dma_wait3A_502, %dma_wait3A_503, %dma_wait3A_504] : memref<7x128x128xf32, #tpu.memory_space<vmem>> -> memref<1x128x128xf32, #tpu.memory_space<vmem>>
    %dma_wait3A_506 = tpu.memref_squeeze %dma_wait3A_505 : memref<1x128x128xf32, #tpu.memory_space<vmem>> -> memref<128x128xf32, #tpu.memory_space<vmem>>
    %dma_wait3A_507 = arith.constant 0 : i32
    %dma_wait3A_508 = tpu.memref_slice %arg4[%add3A_501, %dma_wait3A_507] : memref<100000x128xf32, #tpu.memory_space<hbm>> -> memref<128x128xf32, #tpu.memory_space<hbm>>
    %dma_wait3A_509 = arith.constant 0 : i32
    %dma_wait3A_510 = tpu.memref_slice %arg4[%add3A_501, %dma_wait3A_509] : memref<100000x128xf32, #tpu.memory_space<hbm>> -> memref<128x128xf32, #tpu.memory_space<hbm>>
    %dma_wait3A_511 = arith.constant 0 : i32
    %dma_wait3A_512 = arith.constant 0 : i32
    %dma_wait3A_513 = tpu.memref_slice %arg6[%dma_wait3A_502, %dma_wait3A_511, %dma_wait3A_512] : memref<7x128x128xf32, #tpu.memory_space<vmem>> -> memref<1x128x128xf32, #tpu.memory_space<vmem>>
    %dma_wait3A_514 = tpu.memref_squeeze %dma_wait3A_513 : memref<1x128x128xf32, #tpu.memory_space<vmem>> -> memref<128x128xf32, #tpu.memory_space<vmem>>
    tpu.wait_dma2 semaphore(%arg14 : memref<!tpu.dma_semaphore, #tpu.memory_space<semaphore_mem>>) src(%dma_wait3A_514 : memref<128x128xf32, #tpu.memory_space<vmem>>) dst(%dma_wait3A_510 : memref<128x128xf32, #tpu.memory_space<hbm>>)
    %dma_start3A_515 = arith.constant 0 : i32
    %dma_start3A_516 = arith.constant 0 : i32
    %dma_start3A_517 = arith.constant 0 : i32
    %dma_start3A_518 = tpu.memref_slice %arg6[%dma_start3A_515, %dma_start3A_516, %dma_start3A_517] : memref<7x128x128xf32, #tpu.memory_space<vmem>> -> memref<1x128x128xf32, #tpu.memory_space<vmem>>
    %dma_start3A_519 = tpu.memref_squeeze %dma_start3A_518 : memref<1x128x128xf32, #tpu.memory_space<vmem>> -> memref<128x128xf32, #tpu.memory_space<vmem>>
    %dma_start3A_520 = arith.constant 1792 : i32
    %dma_start3A_521 = tpu.memref_slice %arg5[%dma_start3A_520] : memref<3200xi32, #tpu.memory_space<vmem>> -> memref<128xi32, #tpu.memory_space<vmem>>
    %dma_start3A_522 = arith.constant 0 : i32
    %dma_start3A_523 = arith.constant 0 : i32
    %dma_start3A_524 = tpu.memref_slice %arg2[%dma_start3A_522, %dma_start3A_523] : memref<100000x128xf32, #tpu.memory_space<hbm>> -> memref<100000x128xf32, #tpu.memory_space<hbm>>
    tpu.enqueue_indirect_dma source(%dma_start3A_524 : memref<100000x128xf32, #tpu.memory_space<hbm>>) target(%dma_start3A_519 : memref<128x128xf32, #tpu.memory_space<vmem>>) offsets(%dma_start3A_521 : memref<128xi32, #tpu.memory_space<vmem>>) semaphore(%arg7 : memref<!tpu.dma_semaphore, #tpu.memory_space<semaphore_mem>>)
    %dma_wait3A_525 = arith.constant 3 : i32
    %dma_wait3A_526 = arith.constant 0 : i32
    %dma_wait3A_527 = arith.constant 0 : i32
    %dma_wait3A_528 = tpu.memref_slice %arg6[%dma_wait3A_525, %dma_wait3A_526, %dma_wait3A_527] : memref<7x128x128xf32, #tpu.memory_space<vmem>> -> memref<1x128x128xf32, #tpu.memory_space<vmem>>
    %dma_wait3A_529 = tpu.memref_squeeze %dma_wait3A_528 : memref<1x128x128xf32, #tpu.memory_space<vmem>> -> memref<128x128xf32, #tpu.memory_space<vmem>>
    %dma_wait3A_530 = arith.constant 1280 : i32
    %dma_wait3A_531 = tpu.memref_slice %arg5[%dma_wait3A_530] : memref<3200xi32, #tpu.memory_space<vmem>> -> memref<128xi32, #tpu.memory_space<vmem>>
    %dma_wait3A_532 = arith.constant 0 : i32
    %dma_wait3A_533 = arith.constant 0 : i32
    %dma_wait3A_534 = tpu.memref_slice %arg2[%dma_wait3A_532, %dma_wait3A_533] : memref<100000x128xf32, #tpu.memory_space<hbm>> -> memref<100000x128xf32, #tpu.memory_space<hbm>>
    tpu.wait_indirect_dma semaphore(%arg10 : memref<!tpu.dma_semaphore, #tpu.memory_space<semaphore_mem>>) src(%dma_wait3A_534 : memref<100000x128xf32, #tpu.memory_space<hbm>>) dst(%dma_wait3A_529 : memref<128x128xf32, #tpu.memory_space<vmem>>)
    %add3A_535 = arith.constant 1280 : i32
    %add3A_536 = arith.addi %multiple_of3A, %add3A_535 : i32
    %dma_start3A_537 = arith.constant 3 : i32
    %dma_start3A_538 = arith.constant 0 : i32
    %dma_start3A_539 = arith.constant 0 : i32
    %dma_start3A_540 = tpu.memref_slice %arg6[%dma_start3A_537, %dma_start3A_538, %dma_start3A_539] : memref<7x128x128xf32, #tpu.memory_space<vmem>> -> memref<1x128x128xf32, #tpu.memory_space<vmem>>
    %dma_start3A_541 = tpu.memref_squeeze %dma_start3A_540 : memref<1x128x128xf32, #tpu.memory_space<vmem>> -> memref<128x128xf32, #tpu.memory_space<vmem>>
    %dma_start3A_542 = arith.constant 0 : i32
    %dma_start3A_543 = tpu.memref_slice %arg4[%add3A_536, %dma_start3A_542] : memref<100000x128xf32, #tpu.memory_space<hbm>> -> memref<128x128xf32, #tpu.memory_space<hbm>>
    %dma_start3A_544 = arith.constant 0 : i32
    %dma_start3A_545 = tpu.memref_slice %arg4[%add3A_536, %dma_start3A_544] : memref<100000x128xf32, #tpu.memory_space<hbm>> -> memref<128x128xf32, #tpu.memory_space<hbm>>
    %dma_start3A_546 = arith.constant 0 : i32
    %dma_start3A_547 = arith.constant 0 : i32
    %dma_start3A_548 = tpu.memref_slice %arg6[%dma_start3A_537, %dma_start3A_546, %dma_start3A_547] : memref<7x128x128xf32, #tpu.memory_space<vmem>> -> memref<1x128x128xf32, #tpu.memory_space<vmem>>
    %dma_start3A_549 = tpu.memref_squeeze %dma_start3A_548 : memref<1x128x128xf32, #tpu.memory_space<vmem>> -> memref<128x128xf32, #tpu.memory_space<vmem>>
    tpu.enqueue_dma source(%dma_start3A_549 : memref<128x128xf32, #tpu.memory_space<vmem>>) target(%dma_start3A_545 : memref<128x128xf32, #tpu.memory_space<hbm>>) target_semaphore(%arg17 : memref<!tpu.dma_semaphore, #tpu.memory_space<semaphore_mem>>)
    %add3A_550 = arith.constant 1024 : i32
    %add3A_551 = arith.addi %multiple_of3A, %add3A_550 : i32
    %dma_wait3A_552 = arith.constant 1 : i32
    %dma_wait3A_553 = arith.constant 0 : i32
    %dma_wait3A_554 = arith.constant 0 : i32
    %dma_wait3A_555 = tpu.memref_slice %arg6[%dma_wait3A_552, %dma_wait3A_553, %dma_wait3A_554] : memref<7x128x128xf32, #tpu.memory_space<vmem>> -> memref<1x128x128xf32, #tpu.memory_space<vmem>>
    %dma_wait3A_556 = tpu.memref_squeeze %dma_wait3A_555 : memref<1x128x128xf32, #tpu.memory_space<vmem>> -> memref<128x128xf32, #tpu.memory_space<vmem>>
    %dma_wait3A_557 = arith.constant 0 : i32
    %dma_wait3A_558 = tpu.memref_slice %arg4[%add3A_551, %dma_wait3A_557] : memref<100000x128xf32, #tpu.memory_space<hbm>> -> memref<128x128xf32, #tpu.memory_space<hbm>>
    %dma_wait3A_559 = arith.constant 0 : i32
    %dma_wait3A_560 = tpu.memref_slice %arg4[%add3A_551, %dma_wait3A_559] : memref<100000x128xf32, #tpu.memory_space<hbm>> -> memref<128x128xf32, #tpu.memory_space<hbm>>
    %dma_wait3A_561 = arith.constant 0 : i32
    %dma_wait3A_562 = arith.constant 0 : i32
    %dma_wait3A_563 = tpu.memref_slice %arg6[%dma_wait3A_552, %dma_wait3A_561, %dma_wait3A_562] : memref<7x128x128xf32, #tpu.memory_space<vmem>> -> memref<1x128x128xf32, #tpu.memory_space<vmem>>
    %dma_wait3A_564 = tpu.memref_squeeze %dma_wait3A_563 : memref<1x128x128xf32, #tpu.memory_space<vmem>> -> memref<128x128xf32, #tpu.memory_space<vmem>>
    tpu.wait_dma2 semaphore(%arg15 : memref<!tpu.dma_semaphore, #tpu.memory_space<semaphore_mem>>) src(%dma_wait3A_564 : memref<128x128xf32, #tpu.memory_space<vmem>>) dst(%dma_wait3A_560 : memref<128x128xf32, #tpu.memory_space<hbm>>)
    %dma_start3A_565 = arith.constant 1 : i32
    %dma_start3A_566 = arith.constant 0 : i32
    %dma_start3A_567 = arith.constant 0 : i32
    %dma_start3A_568 = tpu.memref_slice %arg6[%dma_start3A_565, %dma_start3A_566, %dma_start3A_567] : memref<7x128x128xf32, #tpu.memory_space<vmem>> -> memref<1x128x128xf32, #tpu.memory_space<vmem>>
    %dma_start3A_569 = tpu.memref_squeeze %dma_start3A_568 : memref<1x128x128xf32, #tpu.memory_space<vmem>> -> memref<128x128xf32, #tpu.memory_space<vmem>>
    %dma_start3A_570 = arith.constant 1920 : i32
    %dma_start3A_571 = tpu.memref_slice %arg5[%dma_start3A_570] : memref<3200xi32, #tpu.memory_space<vmem>> -> memref<128xi32, #tpu.memory_space<vmem>>
    %dma_start3A_572 = arith.constant 0 : i32
    %dma_start3A_573 = arith.constant 0 : i32
    %dma_start3A_574 = tpu.memref_slice %arg2[%dma_start3A_572, %dma_start3A_573] : memref<100000x128xf32, #tpu.memory_space<hbm>> -> memref<100000x128xf32, #tpu.memory_space<hbm>>
    tpu.enqueue_indirect_dma source(%dma_start3A_574 : memref<100000x128xf32, #tpu.memory_space<hbm>>) target(%dma_start3A_569 : memref<128x128xf32, #tpu.memory_space<vmem>>) offsets(%dma_start3A_571 : memref<128xi32, #tpu.memory_space<vmem>>) semaphore(%arg8 : memref<!tpu.dma_semaphore, #tpu.memory_space<semaphore_mem>>)
    %dma_wait3A_575 = arith.constant 4 : i32
    %dma_wait3A_576 = arith.constant 0 : i32
    %dma_wait3A_577 = arith.constant 0 : i32
    %dma_wait3A_578 = tpu.memref_slice %arg6[%dma_wait3A_575, %dma_wait3A_576, %dma_wait3A_577] : memref<7x128x128xf32, #tpu.memory_space<vmem>> -> memref<1x128x128xf32, #tpu.memory_space<vmem>>
    %dma_wait3A_579 = tpu.memref_squeeze %dma_wait3A_578 : memref<1x128x128xf32, #tpu.memory_space<vmem>> -> memref<128x128xf32, #tpu.memory_space<vmem>>
    %dma_wait3A_580 = arith.constant 1408 : i32
    %dma_wait3A_581 = tpu.memref_slice %arg5[%dma_wait3A_580] : memref<3200xi32, #tpu.memory_space<vmem>> -> memref<128xi32, #tpu.memory_space<vmem>>
    %dma_wait3A_582 = arith.constant 0 : i32
    %dma_wait3A_583 = arith.constant 0 : i32
    %dma_wait3A_584 = tpu.memref_slice %arg2[%dma_wait3A_582, %dma_wait3A_583] : memref<100000x128xf32, #tpu.memory_space<hbm>> -> memref<100000x128xf32, #tpu.memory_space<hbm>>
    tpu.wait_indirect_dma semaphore(%arg11 : memref<!tpu.dma_semaphore, #tpu.memory_space<semaphore_mem>>) src(%dma_wait3A_584 : memref<100000x128xf32, #tpu.memory_space<hbm>>) dst(%dma_wait3A_579 : memref<128x128xf32, #tpu.memory_space<vmem>>)
    %add3A_585 = arith.constant 1408 : i32
    %add3A_586 = arith.addi %multiple_of3A, %add3A_585 : i32
    %dma_start3A_587 = arith.constant 4 : i32
    %dma_start3A_588 = arith.constant 0 : i32
    %dma_start3A_589 = arith.constant 0 : i32
    %dma_start3A_590 = tpu.memref_slice %arg6[%dma_start3A_587, %dma_start3A_588, %dma_start3A_589] : memref<7x128x128xf32, #tpu.memory_space<vmem>> -> memref<1x128x128xf32, #tpu.memory_space<vmem>>
    %dma_start3A_591 = tpu.memref_squeeze %dma_start3A_590 : memref<1x128x128xf32, #tpu.memory_space<vmem>> -> memref<128x128xf32, #tpu.memory_space<vmem>>
    %dma_start3A_592 = arith.constant 0 : i32
    %dma_start3A_593 = tpu.memref_slice %arg4[%add3A_586, %dma_start3A_592] : memref<100000x128xf32, #tpu.memory_space<hbm>> -> memref<128x128xf32, #tpu.memory_space<hbm>>
    %dma_start3A_594 = arith.constant 0 : i32
    %dma_start3A_595 = tpu.memref_slice %arg4[%add3A_586, %dma_start3A_594] : memref<100000x128xf32, #tpu.memory_space<hbm>> -> memref<128x128xf32, #tpu.memory_space<hbm>>
    %dma_start3A_596 = arith.constant 0 : i32
    %dma_start3A_597 = arith.constant 0 : i32
    %dma_start3A_598 = tpu.memref_slice %arg6[%dma_start3A_587, %dma_start3A_596, %dma_start3A_597] : memref<7x128x128xf32, #tpu.memory_space<vmem>> -> memref<1x128x128xf32, #tpu.memory_space<vmem>>
    %dma_start3A_599 = tpu.memref_squeeze %dma_start3A_598 : memref<1x128x128xf32, #tpu.memory_space<vmem>> -> memref<128x128xf32, #tpu.memory_space<vmem>>
    tpu.enqueue_dma source(%dma_start3A_599 : memref<128x128xf32, #tpu.memory_space<vmem>>) target(%dma_start3A_595 : memref<128x128xf32, #tpu.memory_space<hbm>>) target_semaphore(%arg18 : memref<!tpu.dma_semaphore, #tpu.memory_space<semaphore_mem>>)
    %add3A_600 = arith.constant 1152 : i32
    %add3A_601 = arith.addi %multiple_of3A, %add3A_600 : i32
    %dma_wait3A_602 = arith.constant 2 : i32
    %dma_wait3A_603 = arith.constant 0 : i32
    %dma_wait3A_604 = arith.constant 0 : i32
    %dma_wait3A_605 = tpu.memref_slice %arg6[%dma_wait3A_602, %dma_wait3A_603, %dma_wait3A_604] : memref<7x128x128xf32, #tpu.memory_space<vmem>> -> memref<1x128x128xf32, #tpu.memory_space<vmem>>
    %dma_wait3A_606 = tpu.memref_squeeze %dma_wait3A_605 : memref<1x128x128xf32, #tpu.memory_space<vmem>> -> memref<128x128xf32, #tpu.memory_space<vmem>>
    %dma_wait3A_607 = arith.constant 0 : i32
    %dma_wait3A_608 = tpu.memref_slice %arg4[%add3A_601, %dma_wait3A_607] : memref<100000x128xf32, #tpu.memory_space<hbm>> -> memref<128x128xf32, #tpu.memory_space<hbm>>
    %dma_wait3A_609 = arith.constant 0 : i32
    %dma_wait3A_610 = tpu.memref_slice %arg4[%add3A_601, %dma_wait3A_609] : memref<100000x128xf32, #tpu.memory_space<hbm>> -> memref<128x128xf32, #tpu.memory_space<hbm>>
    %dma_wait3A_611 = arith.constant 0 : i32
    %dma_wait3A_612 = arith.constant 0 : i32
    %dma_wait3A_613 = tpu.memref_slice %arg6[%dma_wait3A_602, %dma_wait3A_611, %dma_wait3A_612] : memref<7x128x128xf32, #tpu.memory_space<vmem>> -> memref<1x128x128xf32, #tpu.memory_space<vmem>>
    %dma_wait3A_614 = tpu.memref_squeeze %dma_wait3A_613 : memref<1x128x128xf32, #tpu.memory_space<vmem>> -> memref<128x128xf32, #tpu.memory_space<vmem>>
    tpu.wait_dma2 semaphore(%arg16 : memref<!tpu.dma_semaphore, #tpu.memory_space<semaphore_mem>>) src(%dma_wait3A_614 : memref<128x128xf32, #tpu.memory_space<vmem>>) dst(%dma_wait3A_610 : memref<128x128xf32, #tpu.memory_space<hbm>>)
    %dma_start3A_615 = arith.constant 2 : i32
    %dma_start3A_616 = arith.constant 0 : i32
    %dma_start3A_617 = arith.constant 0 : i32
    %dma_start3A_618 = tpu.memref_slice %arg6[%dma_start3A_615, %dma_start3A_616, %dma_start3A_617] : memref<7x128x128xf32, #tpu.memory_space<vmem>> -> memref<1x128x128xf32, #tpu.memory_space<vmem>>
    %dma_start3A_619 = tpu.memref_squeeze %dma_start3A_618 : memref<1x128x128xf32, #tpu.memory_space<vmem>> -> memref<128x128xf32, #tpu.memory_space<vmem>>
    %dma_start3A_620 = arith.constant 2048 : i32
    %dma_start3A_621 = tpu.memref_slice %arg5[%dma_start3A_620] : memref<3200xi32, #tpu.memory_space<vmem>> -> memref<128xi32, #tpu.memory_space<vmem>>
    %dma_start3A_622 = arith.constant 0 : i32
    %dma_start3A_623 = arith.constant 0 : i32
    %dma_start3A_624 = tpu.memref_slice %arg2[%dma_start3A_622, %dma_start3A_623] : memref<100000x128xf32, #tpu.memory_space<hbm>> -> memref<100000x128xf32, #tpu.memory_space<hbm>>
    tpu.enqueue_indirect_dma source(%dma_start3A_624 : memref<100000x128xf32, #tpu.memory_space<hbm>>) target(%dma_start3A_619 : memref<128x128xf32, #tpu.memory_space<vmem>>) offsets(%dma_start3A_621 : memref<128xi32, #tpu.memory_space<vmem>>) semaphore(%arg9 : memref<!tpu.dma_semaphore, #tpu.memory_space<semaphore_mem>>)
    %dma_wait3A_625 = arith.constant 5 : i32
    %dma_wait3A_626 = arith.constant 0 : i32
    %dma_wait3A_627 = arith.constant 0 : i32
    %dma_wait3A_628 = tpu.memref_slice %arg6[%dma_wait3A_625, %dma_wait3A_626, %dma_wait3A_627] : memref<7x128x128xf32, #tpu.memory_space<vmem>> -> memref<1x128x128xf32, #tpu.memory_space<vmem>>
    %dma_wait3A_629 = tpu.memref_squeeze %dma_wait3A_628 : memref<1x128x128xf32, #tpu.memory_space<vmem>> -> memref<128x128xf32, #tpu.memory_space<vmem>>
    %dma_wait3A_630 = arith.constant 1536 : i32
    %dma_wait3A_631 = tpu.memref_slice %arg5[%dma_wait3A_630] : memref<3200xi32, #tpu.memory_space<vmem>> -> memref<128xi32, #tpu.memory_space<vmem>>
    %dma_wait3A_632 = arith.constant 0 : i32
    %dma_wait3A_633 = arith.constant 0 : i32
    %dma_wait3A_634 = tpu.memref_slice %arg2[%dma_wait3A_632, %dma_wait3A_633] : memref<100000x128xf32, #tpu.memory_space<hbm>> -> memref<100000x128xf32, #tpu.memory_space<hbm>>
    tpu.wait_indirect_dma semaphore(%arg12 : memref<!tpu.dma_semaphore, #tpu.memory_space<semaphore_mem>>) src(%dma_wait3A_634 : memref<100000x128xf32, #tpu.memory_space<hbm>>) dst(%dma_wait3A_629 : memref<128x128xf32, #tpu.memory_space<vmem>>)
    %add3A_635 = arith.constant 1536 : i32
    %add3A_636 = arith.addi %multiple_of3A, %add3A_635 : i32
    %dma_start3A_637 = arith.constant 5 : i32
    %dma_start3A_638 = arith.constant 0 : i32
    %dma_start3A_639 = arith.constant 0 : i32
    %dma_start3A_640 = tpu.memref_slice %arg6[%dma_start3A_637, %dma_start3A_638, %dma_start3A_639] : memref<7x128x128xf32, #tpu.memory_space<vmem>> -> memref<1x128x128xf32, #tpu.memory_space<vmem>>
    %dma_start3A_641 = tpu.memref_squeeze %dma_start3A_640 : memref<1x128x128xf32, #tpu.memory_space<vmem>> -> memref<128x128xf32, #tpu.memory_space<vmem>>
    %dma_start3A_642 = arith.constant 0 : i32
    %dma_start3A_643 = tpu.memref_slice %arg4[%add3A_636, %dma_start3A_642] : memref<100000x128xf32, #tpu.memory_space<hbm>> -> memref<128x128xf32, #tpu.memory_space<hbm>>
    %dma_start3A_644 = arith.constant 0 : i32
    %dma_start3A_645 = tpu.memref_slice %arg4[%add3A_636, %dma_start3A_644] : memref<100000x128xf32, #tpu.memory_space<hbm>> -> memref<128x128xf32, #tpu.memory_space<hbm>>
    %dma_start3A_646 = arith.constant 0 : i32
    %dma_start3A_647 = arith.constant 0 : i32
    %dma_start3A_648 = tpu.memref_slice %arg6[%dma_start3A_637, %dma_start3A_646, %dma_start3A_647] : memref<7x128x128xf32, #tpu.memory_space<vmem>> -> memref<1x128x128xf32, #tpu.memory_space<vmem>>
    %dma_start3A_649 = tpu.memref_squeeze %dma_start3A_648 : memref<1x128x128xf32, #tpu.memory_space<vmem>> -> memref<128x128xf32, #tpu.memory_space<vmem>>
    tpu.enqueue_dma source(%dma_start3A_649 : memref<128x128xf32, #tpu.memory_space<vmem>>) target(%dma_start3A_645 : memref<128x128xf32, #tpu.memory_space<hbm>>) target_semaphore(%arg19 : memref<!tpu.dma_semaphore, #tpu.memory_space<semaphore_mem>>)
    %add3A_650 = arith.constant 1280 : i32
    %add3A_651 = arith.addi %multiple_of3A, %add3A_650 : i32
    %dma_wait3A_652 = arith.constant 3 : i32
    %dma_wait3A_653 = arith.constant 0 : i32
    %dma_wait3A_654 = arith.constant 0 : i32
    %dma_wait3A_655 = tpu.memref_slice %arg6[%dma_wait3A_652, %dma_wait3A_653, %dma_wait3A_654] : memref<7x128x128xf32, #tpu.memory_space<vmem>> -> memref<1x128x128xf32, #tpu.memory_space<vmem>>
    %dma_wait3A_656 = tpu.memref_squeeze %dma_wait3A_655 : memref<1x128x128xf32, #tpu.memory_space<vmem>> -> memref<128x128xf32, #tpu.memory_space<vmem>>
    %dma_wait3A_657 = arith.constant 0 : i32
    %dma_wait3A_658 = tpu.memref_slice %arg4[%add3A_651, %dma_wait3A_657] : memref<100000x128xf32, #tpu.memory_space<hbm>> -> memref<128x128xf32, #tpu.memory_space<hbm>>
    %dma_wait3A_659 = arith.constant 0 : i32
    %dma_wait3A_660 = tpu.memref_slice %arg4[%add3A_651, %dma_wait3A_659] : memref<100000x128xf32, #tpu.memory_space<hbm>> -> memref<128x128xf32, #tpu.memory_space<hbm>>
    %dma_wait3A_661 = arith.constant 0 : i32
    %dma_wait3A_662 = arith.constant 0 : i32
    %dma_wait3A_663 = tpu.memref_slice %arg6[%dma_wait3A_652, %dma_wait3A_661, %dma_wait3A_662] : memref<7x128x128xf32, #tpu.memory_space<vmem>> -> memref<1x128x128xf32, #tpu.memory_space<vmem>>
    %dma_wait3A_664 = tpu.memref_squeeze %dma_wait3A_663 : memref<1x128x128xf32, #tpu.memory_space<vmem>> -> memref<128x128xf32, #tpu.memory_space<vmem>>
    tpu.wait_dma2 semaphore(%arg17 : memref<!tpu.dma_semaphore, #tpu.memory_space<semaphore_mem>>) src(%dma_wait3A_664 : memref<128x128xf32, #tpu.memory_space<vmem>>) dst(%dma_wait3A_660 : memref<128x128xf32, #tpu.memory_space<hbm>>)
    %dma_start3A_665 = arith.constant 3 : i32
    %dma_start3A_666 = arith.constant 0 : i32
    %dma_start3A_667 = arith.constant 0 : i32
    %dma_start3A_668 = tpu.memref_slice %arg6[%dma_start3A_665, %dma_start3A_666, %dma_start3A_667] : memref<7x128x128xf32, #tpu.memory_space<vmem>> -> memref<1x128x128xf32, #tpu.memory_space<vmem>>
    %dma_start3A_669 = tpu.memref_squeeze %dma_start3A_668 : memref<1x128x128xf32, #tpu.memory_space<vmem>> -> memref<128x128xf32, #tpu.memory_space<vmem>>
    %dma_start3A_670 = arith.constant 2176 : i32
    %dma_start3A_671 = tpu.memref_slice %arg5[%dma_start3A_670] : memref<3200xi32, #tpu.memory_space<vmem>> -> memref<128xi32, #tpu.memory_space<vmem>>
    %dma_start3A_672 = arith.constant 0 : i32
    %dma_start3A_673 = arith.constant 0 : i32
    %dma_start3A_674 = tpu.memref_slice %arg2[%dma_start3A_672, %dma_start3A_673] : memref<100000x128xf32, #tpu.memory_space<hbm>> -> memref<100000x128xf32, #tpu.memory_space<hbm>>
    tpu.enqueue_indirect_dma source(%dma_start3A_674 : memref<100000x128xf32, #tpu.memory_space<hbm>>) target(%dma_start3A_669 : memref<128x128xf32, #tpu.memory_space<vmem>>) offsets(%dma_start3A_671 : memref<128xi32, #tpu.memory_space<vmem>>) semaphore(%arg10 : memref<!tpu.dma_semaphore, #tpu.memory_space<semaphore_mem>>)
    %dma_wait3A_675 = arith.constant 6 : i32
    %dma_wait3A_676 = arith.constant 0 : i32
    %dma_wait3A_677 = arith.constant 0 : i32
    %dma_wait3A_678 = tpu.memref_slice %arg6[%dma_wait3A_675, %dma_wait3A_676, %dma_wait3A_677] : memref<7x128x128xf32, #tpu.memory_space<vmem>> -> memref<1x128x128xf32, #tpu.memory_space<vmem>>
    %dma_wait3A_679 = tpu.memref_squeeze %dma_wait3A_678 : memref<1x128x128xf32, #tpu.memory_space<vmem>> -> memref<128x128xf32, #tpu.memory_space<vmem>>
    %dma_wait3A_680 = arith.constant 1664 : i32
    %dma_wait3A_681 = tpu.memref_slice %arg5[%dma_wait3A_680] : memref<3200xi32, #tpu.memory_space<vmem>> -> memref<128xi32, #tpu.memory_space<vmem>>
    %dma_wait3A_682 = arith.constant 0 : i32
    %dma_wait3A_683 = arith.constant 0 : i32
    %dma_wait3A_684 = tpu.memref_slice %arg2[%dma_wait3A_682, %dma_wait3A_683] : memref<100000x128xf32, #tpu.memory_space<hbm>> -> memref<100000x128xf32, #tpu.memory_space<hbm>>
    tpu.wait_indirect_dma semaphore(%arg13 : memref<!tpu.dma_semaphore, #tpu.memory_space<semaphore_mem>>) src(%dma_wait3A_684 : memref<100000x128xf32, #tpu.memory_space<hbm>>) dst(%dma_wait3A_679 : memref<128x128xf32, #tpu.memory_space<vmem>>)
    %add3A_685 = arith.constant 1664 : i32
    %add3A_686 = arith.addi %multiple_of3A, %add3A_685 : i32
    %dma_start3A_687 = arith.constant 6 : i32
    %dma_start3A_688 = arith.constant 0 : i32
    %dma_start3A_689 = arith.constant 0 : i32
    %dma_start3A_690 = tpu.memref_slice %arg6[%dma_start3A_687, %dma_start3A_688, %dma_start3A_689] : memref<7x128x128xf32, #tpu.memory_space<vmem>> -> memref<1x128x128xf32, #tpu.memory_space<vmem>>
    %dma_start3A_691 = tpu.memref_squeeze %dma_start3A_690 : memref<1x128x128xf32, #tpu.memory_space<vmem>> -> memref<128x128xf32, #tpu.memory_space<vmem>>
    %dma_start3A_692 = arith.constant 0 : i32
    %dma_start3A_693 = tpu.memref_slice %arg4[%add3A_686, %dma_start3A_692] : memref<100000x128xf32, #tpu.memory_space<hbm>> -> memref<128x128xf32, #tpu.memory_space<hbm>>
    %dma_start3A_694 = arith.constant 0 : i32
    %dma_start3A_695 = tpu.memref_slice %arg4[%add3A_686, %dma_start3A_694] : memref<100000x128xf32, #tpu.memory_space<hbm>> -> memref<128x128xf32, #tpu.memory_space<hbm>>
    %dma_start3A_696 = arith.constant 0 : i32
    %dma_start3A_697 = arith.constant 0 : i32
    %dma_start3A_698 = tpu.memref_slice %arg6[%dma_start3A_687, %dma_start3A_696, %dma_start3A_697] : memref<7x128x128xf32, #tpu.memory_space<vmem>> -> memref<1x128x128xf32, #tpu.memory_space<vmem>>
    %dma_start3A_699 = tpu.memref_squeeze %dma_start3A_698 : memref<1x128x128xf32, #tpu.memory_space<vmem>> -> memref<128x128xf32, #tpu.memory_space<vmem>>
    tpu.enqueue_dma source(%dma_start3A_699 : memref<128x128xf32, #tpu.memory_space<vmem>>) target(%dma_start3A_695 : memref<128x128xf32, #tpu.memory_space<hbm>>) target_semaphore(%arg20 : memref<!tpu.dma_semaphore, #tpu.memory_space<semaphore_mem>>)
    %add3A_700 = arith.constant 1408 : i32
    %add3A_701 = arith.addi %multiple_of3A, %add3A_700 : i32
    %dma_wait3A_702 = arith.constant 4 : i32
    %dma_wait3A_703 = arith.constant 0 : i32
    %dma_wait3A_704 = arith.constant 0 : i32
    %dma_wait3A_705 = tpu.memref_slice %arg6[%dma_wait3A_702, %dma_wait3A_703, %dma_wait3A_704] : memref<7x128x128xf32, #tpu.memory_space<vmem>> -> memref<1x128x128xf32, #tpu.memory_space<vmem>>
    %dma_wait3A_706 = tpu.memref_squeeze %dma_wait3A_705 : memref<1x128x128xf32, #tpu.memory_space<vmem>> -> memref<128x128xf32, #tpu.memory_space<vmem>>
    %dma_wait3A_707 = arith.constant 0 : i32
    %dma_wait3A_708 = tpu.memref_slice %arg4[%add3A_701, %dma_wait3A_707] : memref<100000x128xf32, #tpu.memory_space<hbm>> -> memref<128x128xf32, #tpu.memory_space<hbm>>
    %dma_wait3A_709 = arith.constant 0 : i32
    %dma_wait3A_710 = tpu.memref_slice %arg4[%add3A_701, %dma_wait3A_709] : memref<100000x128xf32, #tpu.memory_space<hbm>> -> memref<128x128xf32, #tpu.memory_space<hbm>>
    %dma_wait3A_711 = arith.constant 0 : i32
    %dma_wait3A_712 = arith.constant 0 : i32
    %dma_wait3A_713 = tpu.memref_slice %arg6[%dma_wait3A_702, %dma_wait3A_711, %dma_wait3A_712] : memref<7x128x128xf32, #tpu.memory_space<vmem>> -> memref<1x128x128xf32, #tpu.memory_space<vmem>>
    %dma_wait3A_714 = tpu.memref_squeeze %dma_wait3A_713 : memref<1x128x128xf32, #tpu.memory_space<vmem>> -> memref<128x128xf32, #tpu.memory_space<vmem>>
    tpu.wait_dma2 semaphore(%arg18 : memref<!tpu.dma_semaphore, #tpu.memory_space<semaphore_mem>>) src(%dma_wait3A_714 : memref<128x128xf32, #tpu.memory_space<vmem>>) dst(%dma_wait3A_710 : memref<128x128xf32, #tpu.memory_space<hbm>>)
    %dma_start3A_715 = arith.constant 4 : i32
    %dma_start3A_716 = arith.constant 0 : i32
    %dma_start3A_717 = arith.constant 0 : i32
    %dma_start3A_718 = tpu.memref_slice %arg6[%dma_start3A_715, %dma_start3A_716, %dma_start3A_717] : memref<7x128x128xf32, #tpu.memory_space<vmem>> -> memref<1x128x128xf32, #tpu.memory_space<vmem>>
    %dma_start3A_719 = tpu.memref_squeeze %dma_start3A_718 : memref<1x128x128xf32, #tpu.memory_space<vmem>> -> memref<128x128xf32, #tpu.memory_space<vmem>>
    %dma_start3A_720 = arith.constant 2304 : i32
    %dma_start3A_721 = tpu.memref_slice %arg5[%dma_start3A_720] : memref<3200xi32, #tpu.memory_space<vmem>> -> memref<128xi32, #tpu.memory_space<vmem>>
    %dma_start3A_722 = arith.constant 0 : i32
    %dma_start3A_723 = arith.constant 0 : i32
    %dma_start3A_724 = tpu.memref_slice %arg2[%dma_start3A_722, %dma_start3A_723] : memref<100000x128xf32, #tpu.memory_space<hbm>> -> memref<100000x128xf32, #tpu.memory_space<hbm>>
    tpu.enqueue_indirect_dma source(%dma_start3A_724 : memref<100000x128xf32, #tpu.memory_space<hbm>>) target(%dma_start3A_719 : memref<128x128xf32, #tpu.memory_space<vmem>>) offsets(%dma_start3A_721 : memref<128xi32, #tpu.memory_space<vmem>>) semaphore(%arg11 : memref<!tpu.dma_semaphore, #tpu.memory_space<semaphore_mem>>)
    %dma_wait3A_725 = arith.constant 0 : i32
    %dma_wait3A_726 = arith.constant 0 : i32
    %dma_wait3A_727 = arith.constant 0 : i32
    %dma_wait3A_728 = tpu.memref_slice %arg6[%dma_wait3A_725, %dma_wait3A_726, %dma_wait3A_727] : memref<7x128x128xf32, #tpu.memory_space<vmem>> -> memref<1x128x128xf32, #tpu.memory_space<vmem>>
    %dma_wait3A_729 = tpu.memref_squeeze %dma_wait3A_728 : memref<1x128x128xf32, #tpu.memory_space<vmem>> -> memref<128x128xf32, #tpu.memory_space<vmem>>
    %dma_wait3A_730 = arith.constant 1792 : i32
    %dma_wait3A_731 = tpu.memref_slice %arg5[%dma_wait3A_730] : memref<3200xi32, #tpu.memory_space<vmem>> -> memref<128xi32, #tpu.memory_space<vmem>>
    %dma_wait3A_732 = arith.constant 0 : i32
    %dma_wait3A_733 = arith.constant 0 : i32
    %dma_wait3A_734 = tpu.memref_slice %arg2[%dma_wait3A_732, %dma_wait3A_733] : memref<100000x128xf32, #tpu.memory_space<hbm>> -> memref<100000x128xf32, #tpu.memory_space<hbm>>
    tpu.wait_indirect_dma semaphore(%arg7 : memref<!tpu.dma_semaphore, #tpu.memory_space<semaphore_mem>>) src(%dma_wait3A_734 : memref<100000x128xf32, #tpu.memory_space<hbm>>) dst(%dma_wait3A_729 : memref<128x128xf32, #tpu.memory_space<vmem>>)
    %add3A_735 = arith.constant 1792 : i32
    %add3A_736 = arith.addi %multiple_of3A, %add3A_735 : i32
    %dma_start3A_737 = arith.constant 0 : i32
    %dma_start3A_738 = arith.constant 0 : i32
    %dma_start3A_739 = arith.constant 0 : i32
    %dma_start3A_740 = tpu.memref_slice %arg6[%dma_start3A_737, %dma_start3A_738, %dma_start3A_739] : memref<7x128x128xf32, #tpu.memory_space<vmem>> -> memref<1x128x128xf32, #tpu.memory_space<vmem>>
    %dma_start3A_741 = tpu.memref_squeeze %dma_start3A_740 : memref<1x128x128xf32, #tpu.memory_space<vmem>> -> memref<128x128xf32, #tpu.memory_space<vmem>>
    %dma_start3A_742 = arith.constant 0 : i32
    %dma_start3A_743 = tpu.memref_slice %arg4[%add3A_736, %dma_start3A_742] : memref<100000x128xf32, #tpu.memory_space<hbm>> -> memref<128x128xf32, #tpu.memory_space<hbm>>
    %dma_start3A_744 = arith.constant 0 : i32
    %dma_start3A_745 = tpu.memref_slice %arg4[%add3A_736, %dma_start3A_744] : memref<100000x128xf32, #tpu.memory_space<hbm>> -> memref<128x128xf32, #tpu.memory_space<hbm>>
    %dma_start3A_746 = arith.constant 0 : i32
    %dma_start3A_747 = arith.constant 0 : i32
    %dma_start3A_748 = tpu.memref_slice %arg6[%dma_start3A_737, %dma_start3A_746, %dma_start3A_747] : memref<7x128x128xf32, #tpu.memory_space<vmem>> -> memref<1x128x128xf32, #tpu.memory_space<vmem>>
    %dma_start3A_749 = tpu.memref_squeeze %dma_start3A_748 : memref<1x128x128xf32, #tpu.memory_space<vmem>> -> memref<128x128xf32, #tpu.memory_space<vmem>>
    tpu.enqueue_dma source(%dma_start3A_749 : memref<128x128xf32, #tpu.memory_space<vmem>>) target(%dma_start3A_745 : memref<128x128xf32, #tpu.memory_space<hbm>>) target_semaphore(%arg14 : memref<!tpu.dma_semaphore, #tpu.memory_space<semaphore_mem>>)
    %add3A_750 = arith.constant 1536 : i32
    %add3A_751 = arith.addi %multiple_of3A, %add3A_750 : i32
    %dma_wait3A_752 = arith.constant 5 : i32
    %dma_wait3A_753 = arith.constant 0 : i32
    %dma_wait3A_754 = arith.constant 0 : i32
    %dma_wait3A_755 = tpu.memref_slice %arg6[%dma_wait3A_752, %dma_wait3A_753, %dma_wait3A_754] : memref<7x128x128xf32, #tpu.memory_space<vmem>> -> memref<1x128x128xf32, #tpu.memory_space<vmem>>
    %dma_wait3A_756 = tpu.memref_squeeze %dma_wait3A_755 : memref<1x128x128xf32, #tpu.memory_space<vmem>> -> memref<128x128xf32, #tpu.memory_space<vmem>>
    %dma_wait3A_757 = arith.constant 0 : i32
    %dma_wait3A_758 = tpu.memref_slice %arg4[%add3A_751, %dma_wait3A_757] : memref<100000x128xf32, #tpu.memory_space<hbm>> -> memref<128x128xf32, #tpu.memory_space<hbm>>
    %dma_wait3A_759 = arith.constant 0 : i32
    %dma_wait3A_760 = tpu.memref_slice %arg4[%add3A_751, %dma_wait3A_759] : memref<100000x128xf32, #tpu.memory_space<hbm>> -> memref<128x128xf32, #tpu.memory_space<hbm>>
    %dma_wait3A_761 = arith.constant 0 : i32
    %dma_wait3A_762 = arith.constant 0 : i32
    %dma_wait3A_763 = tpu.memref_slice %arg6[%dma_wait3A_752, %dma_wait3A_761, %dma_wait3A_762] : memref<7x128x128xf32, #tpu.memory_space<vmem>> -> memref<1x128x128xf32, #tpu.memory_space<vmem>>
    %dma_wait3A_764 = tpu.memref_squeeze %dma_wait3A_763 : memref<1x128x128xf32, #tpu.memory_space<vmem>> -> memref<128x128xf32, #tpu.memory_space<vmem>>
    tpu.wait_dma2 semaphore(%arg19 : memref<!tpu.dma_semaphore, #tpu.memory_space<semaphore_mem>>) src(%dma_wait3A_764 : memref<128x128xf32, #tpu.memory_space<vmem>>) dst(%dma_wait3A_760 : memref<128x128xf32, #tpu.memory_space<hbm>>)
    %dma_start3A_765 = arith.constant 5 : i32
    %dma_start3A_766 = arith.constant 0 : i32
    %dma_start3A_767 = arith.constant 0 : i32
    %dma_start3A_768 = tpu.memref_slice %arg6[%dma_start3A_765, %dma_start3A_766, %dma_start3A_767] : memref<7x128x128xf32, #tpu.memory_space<vmem>> -> memref<1x128x128xf32, #tpu.memory_space<vmem>>
    %dma_start3A_769 = tpu.memref_squeeze %dma_start3A_768 : memref<1x128x128xf32, #tpu.memory_space<vmem>> -> memref<128x128xf32, #tpu.memory_space<vmem>>
    %dma_start3A_770 = arith.constant 2432 : i32
    %dma_start3A_771 = tpu.memref_slice %arg5[%dma_start3A_770] : memref<3200xi32, #tpu.memory_space<vmem>> -> memref<128xi32, #tpu.memory_space<vmem>>
    %dma_start3A_772 = arith.constant 0 : i32
    %dma_start3A_773 = arith.constant 0 : i32
    %dma_start3A_774 = tpu.memref_slice %arg2[%dma_start3A_772, %dma_start3A_773] : memref<100000x128xf32, #tpu.memory_space<hbm>> -> memref<100000x128xf32, #tpu.memory_space<hbm>>
    tpu.enqueue_indirect_dma source(%dma_start3A_774 : memref<100000x128xf32, #tpu.memory_space<hbm>>) target(%dma_start3A_769 : memref<128x128xf32, #tpu.memory_space<vmem>>) offsets(%dma_start3A_771 : memref<128xi32, #tpu.memory_space<vmem>>) semaphore(%arg12 : memref<!tpu.dma_semaphore, #tpu.memory_space<semaphore_mem>>)
    %dma_wait3A_775 = arith.constant 1 : i32
    %dma_wait3A_776 = arith.constant 0 : i32
    %dma_wait3A_777 = arith.constant 0 : i32
    %dma_wait3A_778 = tpu.memref_slice %arg6[%dma_wait3A_775, %dma_wait3A_776, %dma_wait3A_777] : memref<7x128x128xf32, #tpu.memory_space<vmem>> -> memref<1x128x128xf32, #tpu.memory_space<vmem>>
    %dma_wait3A_779 = tpu.memref_squeeze %dma_wait3A_778 : memref<1x128x128xf32, #tpu.memory_space<vmem>> -> memref<128x128xf32, #tpu.memory_space<vmem>>
    %dma_wait3A_780 = arith.constant 1920 : i32
    %dma_wait3A_781 = tpu.memref_slice %arg5[%dma_wait3A_780] : memref<3200xi32, #tpu.memory_space<vmem>> -> memref<128xi32, #tpu.memory_space<vmem>>
    %dma_wait3A_782 = arith.constant 0 : i32
    %dma_wait3A_783 = arith.constant 0 : i32
    %dma_wait3A_784 = tpu.memref_slice %arg2[%dma_wait3A_782, %dma_wait3A_783] : memref<100000x128xf32, #tpu.memory_space<hbm>> -> memref<100000x128xf32, #tpu.memory_space<hbm>>
    tpu.wait_indirect_dma semaphore(%arg8 : memref<!tpu.dma_semaphore, #tpu.memory_space<semaphore_mem>>) src(%dma_wait3A_784 : memref<100000x128xf32, #tpu.memory_space<hbm>>) dst(%dma_wait3A_779 : memref<128x128xf32, #tpu.memory_space<vmem>>)
    %add3A_785 = arith.constant 1920 : i32
    %add3A_786 = arith.addi %multiple_of3A, %add3A_785 : i32
    %dma_start3A_787 = arith.constant 1 : i32
    %dma_start3A_788 = arith.constant 0 : i32
    %dma_start3A_789 = arith.constant 0 : i32
    %dma_start3A_790 = tpu.memref_slice %arg6[%dma_start3A_787, %dma_start3A_788, %dma_start3A_789] : memref<7x128x128xf32, #tpu.memory_space<vmem>> -> memref<1x128x128xf32, #tpu.memory_space<vmem>>
    %dma_start3A_791 = tpu.memref_squeeze %dma_start3A_790 : memref<1x128x128xf32, #tpu.memory_space<vmem>> -> memref<128x128xf32, #tpu.memory_space<vmem>>
    %dma_start3A_792 = arith.constant 0 : i32
    %dma_start3A_793 = tpu.memref_slice %arg4[%add3A_786, %dma_start3A_792] : memref<100000x128xf32, #tpu.memory_space<hbm>> -> memref<128x128xf32, #tpu.memory_space<hbm>>
    %dma_start3A_794 = arith.constant 0 : i32
    %dma_start3A_795 = tpu.memref_slice %arg4[%add3A_786, %dma_start3A_794] : memref<100000x128xf32, #tpu.memory_space<hbm>> -> memref<128x128xf32, #tpu.memory_space<hbm>>
    %dma_start3A_796 = arith.constant 0 : i32
    %dma_start3A_797 = arith.constant 0 : i32
    %dma_start3A_798 = tpu.memref_slice %arg6[%dma_start3A_787, %dma_start3A_796, %dma_start3A_797] : memref<7x128x128xf32, #tpu.memory_space<vmem>> -> memref<1x128x128xf32, #tpu.memory_space<vmem>>
    %dma_start3A_799 = tpu.memref_squeeze %dma_start3A_798 : memref<1x128x128xf32, #tpu.memory_space<vmem>> -> memref<128x128xf32, #tpu.memory_space<vmem>>
    tpu.enqueue_dma source(%dma_start3A_799 : memref<128x128xf32, #tpu.memory_space<vmem>>) target(%dma_start3A_795 : memref<128x128xf32, #tpu.memory_space<hbm>>) target_semaphore(%arg15 : memref<!tpu.dma_semaphore, #tpu.memory_space<semaphore_mem>>)
    %add3A_800 = arith.constant 1664 : i32
    %add3A_801 = arith.addi %multiple_of3A, %add3A_800 : i32
    %dma_wait3A_802 = arith.constant 6 : i32
    %dma_wait3A_803 = arith.constant 0 : i32
    %dma_wait3A_804 = arith.constant 0 : i32
    %dma_wait3A_805 = tpu.memref_slice %arg6[%dma_wait3A_802, %dma_wait3A_803, %dma_wait3A_804] : memref<7x128x128xf32, #tpu.memory_space<vmem>> -> memref<1x128x128xf32, #tpu.memory_space<vmem>>
    %dma_wait3A_806 = tpu.memref_squeeze %dma_wait3A_805 : memref<1x128x128xf32, #tpu.memory_space<vmem>> -> memref<128x128xf32, #tpu.memory_space<vmem>>
    %dma_wait3A_807 = arith.constant 0 : i32
    %dma_wait3A_808 = tpu.memref_slice %arg4[%add3A_801, %dma_wait3A_807] : memref<100000x128xf32, #tpu.memory_space<hbm>> -> memref<128x128xf32, #tpu.memory_space<hbm>>
    %dma_wait3A_809 = arith.constant 0 : i32
    %dma_wait3A_810 = tpu.memref_slice %arg4[%add3A_801, %dma_wait3A_809] : memref<100000x128xf32, #tpu.memory_space<hbm>> -> memref<128x128xf32, #tpu.memory_space<hbm>>
    %dma_wait3A_811 = arith.constant 0 : i32
    %dma_wait3A_812 = arith.constant 0 : i32
    %dma_wait3A_813 = tpu.memref_slice %arg6[%dma_wait3A_802, %dma_wait3A_811, %dma_wait3A_812] : memref<7x128x128xf32, #tpu.memory_space<vmem>> -> memref<1x128x128xf32, #tpu.memory_space<vmem>>
    %dma_wait3A_814 = tpu.memref_squeeze %dma_wait3A_813 : memref<1x128x128xf32, #tpu.memory_space<vmem>> -> memref<128x128xf32, #tpu.memory_space<vmem>>
    tpu.wait_dma2 semaphore(%arg20 : memref<!tpu.dma_semaphore, #tpu.memory_space<semaphore_mem>>) src(%dma_wait3A_814 : memref<128x128xf32, #tpu.memory_space<vmem>>) dst(%dma_wait3A_810 : memref<128x128xf32, #tpu.memory_space<hbm>>)
    %dma_start3A_815 = arith.constant 6 : i32
    %dma_start3A_816 = arith.constant 0 : i32
    %dma_start3A_817 = arith.constant 0 : i32
    %dma_start3A_818 = tpu.memref_slice %arg6[%dma_start3A_815, %dma_start3A_816, %dma_start3A_817] : memref<7x128x128xf32, #tpu.memory_space<vmem>> -> memref<1x128x128xf32, #tpu.memory_space<vmem>>
    %dma_start3A_819 = tpu.memref_squeeze %dma_start3A_818 : memref<1x128x128xf32, #tpu.memory_space<vmem>> -> memref<128x128xf32, #tpu.memory_space<vmem>>
    %dma_start3A_820 = arith.constant 2560 : i32
    %dma_start3A_821 = tpu.memref_slice %arg5[%dma_start3A_820] : memref<3200xi32, #tpu.memory_space<vmem>> -> memref<128xi32, #tpu.memory_space<vmem>>
    %dma_start3A_822 = arith.constant 0 : i32
    %dma_start3A_823 = arith.constant 0 : i32
    %dma_start3A_824 = tpu.memref_slice %arg2[%dma_start3A_822, %dma_start3A_823] : memref<100000x128xf32, #tpu.memory_space<hbm>> -> memref<100000x128xf32, #tpu.memory_space<hbm>>
    tpu.enqueue_indirect_dma source(%dma_start3A_824 : memref<100000x128xf32, #tpu.memory_space<hbm>>) target(%dma_start3A_819 : memref<128x128xf32, #tpu.memory_space<vmem>>) offsets(%dma_start3A_821 : memref<128xi32, #tpu.memory_space<vmem>>) semaphore(%arg13 : memref<!tpu.dma_semaphore, #tpu.memory_space<semaphore_mem>>)
    %dma_wait3A_825 = arith.constant 2 : i32
    %dma_wait3A_826 = arith.constant 0 : i32
    %dma_wait3A_827 = arith.constant 0 : i32
    %dma_wait3A_828 = tpu.memref_slice %arg6[%dma_wait3A_825, %dma_wait3A_826, %dma_wait3A_827] : memref<7x128x128xf32, #tpu.memory_space<vmem>> -> memref<1x128x128xf32, #tpu.memory_space<vmem>>
    %dma_wait3A_829 = tpu.memref_squeeze %dma_wait3A_828 : memref<1x128x128xf32, #tpu.memory_space<vmem>> -> memref<128x128xf32, #tpu.memory_space<vmem>>
    %dma_wait3A_830 = arith.constant 2048 : i32
    %dma_wait3A_831 = tpu.memref_slice %arg5[%dma_wait3A_830] : memref<3200xi32, #tpu.memory_space<vmem>> -> memref<128xi32, #tpu.memory_space<vmem>>
    %dma_wait3A_832 = arith.constant 0 : i32
    %dma_wait3A_833 = arith.constant 0 : i32
    %dma_wait3A_834 = tpu.memref_slice %arg2[%dma_wait3A_832, %dma_wait3A_833] : memref<100000x128xf32, #tpu.memory_space<hbm>> -> memref<100000x128xf32, #tpu.memory_space<hbm>>
    tpu.wait_indirect_dma semaphore(%arg9 : memref<!tpu.dma_semaphore, #tpu.memory_space<semaphore_mem>>) src(%dma_wait3A_834 : memref<100000x128xf32, #tpu.memory_space<hbm>>) dst(%dma_wait3A_829 : memref<128x128xf32, #tpu.memory_space<vmem>>)
    %add3A_835 = arith.constant 2048 : i32
    %add3A_836 = arith.addi %multiple_of3A, %add3A_835 : i32
    %dma_start3A_837 = arith.constant 2 : i32
    %dma_start3A_838 = arith.constant 0 : i32
    %dma_start3A_839 = arith.constant 0 : i32
    %dma_start3A_840 = tpu.memref_slice %arg6[%dma_start3A_837, %dma_start3A_838, %dma_start3A_839] : memref<7x128x128xf32, #tpu.memory_space<vmem>> -> memref<1x128x128xf32, #tpu.memory_space<vmem>>
    %dma_start3A_841 = tpu.memref_squeeze %dma_start3A_840 : memref<1x128x128xf32, #tpu.memory_space<vmem>> -> memref<128x128xf32, #tpu.memory_space<vmem>>
    %dma_start3A_842 = arith.constant 0 : i32
    %dma_start3A_843 = tpu.memref_slice %arg4[%add3A_836, %dma_start3A_842] : memref<100000x128xf32, #tpu.memory_space<hbm>> -> memref<128x128xf32, #tpu.memory_space<hbm>>
    %dma_start3A_844 = arith.constant 0 : i32
    %dma_start3A_845 = tpu.memref_slice %arg4[%add3A_836, %dma_start3A_844] : memref<100000x128xf32, #tpu.memory_space<hbm>> -> memref<128x128xf32, #tpu.memory_space<hbm>>
    %dma_start3A_846 = arith.constant 0 : i32
    %dma_start3A_847 = arith.constant 0 : i32
    %dma_start3A_848 = tpu.memref_slice %arg6[%dma_start3A_837, %dma_start3A_846, %dma_start3A_847] : memref<7x128x128xf32, #tpu.memory_space<vmem>> -> memref<1x128x128xf32, #tpu.memory_space<vmem>>
    %dma_start3A_849 = tpu.memref_squeeze %dma_start3A_848 : memref<1x128x128xf32, #tpu.memory_space<vmem>> -> memref<128x128xf32, #tpu.memory_space<vmem>>
    tpu.enqueue_dma source(%dma_start3A_849 : memref<128x128xf32, #tpu.memory_space<vmem>>) target(%dma_start3A_845 : memref<128x128xf32, #tpu.memory_space<hbm>>) target_semaphore(%arg16 : memref<!tpu.dma_semaphore, #tpu.memory_space<semaphore_mem>>)
    %add3A_850 = arith.constant 1792 : i32
    %add3A_851 = arith.addi %multiple_of3A, %add3A_850 : i32
    %dma_wait3A_852 = arith.constant 0 : i32
    %dma_wait3A_853 = arith.constant 0 : i32
    %dma_wait3A_854 = arith.constant 0 : i32
    %dma_wait3A_855 = tpu.memref_slice %arg6[%dma_wait3A_852, %dma_wait3A_853, %dma_wait3A_854] : memref<7x128x128xf32, #tpu.memory_space<vmem>> -> memref<1x128x128xf32, #tpu.memory_space<vmem>>
    %dma_wait3A_856 = tpu.memref_squeeze %dma_wait3A_855 : memref<1x128x128xf32, #tpu.memory_space<vmem>> -> memref<128x128xf32, #tpu.memory_space<vmem>>
    %dma_wait3A_857 = arith.constant 0 : i32
    %dma_wait3A_858 = tpu.memref_slice %arg4[%add3A_851, %dma_wait3A_857] : memref<100000x128xf32, #tpu.memory_space<hbm>> -> memref<128x128xf32, #tpu.memory_space<hbm>>
    %dma_wait3A_859 = arith.constant 0 : i32
    %dma_wait3A_860 = tpu.memref_slice %arg4[%add3A_851, %dma_wait3A_859] : memref<100000x128xf32, #tpu.memory_space<hbm>> -> memref<128x128xf32, #tpu.memory_space<hbm>>
    %dma_wait3A_861 = arith.constant 0 : i32
    %dma_wait3A_862 = arith.constant 0 : i32
    %dma_wait3A_863 = tpu.memref_slice %arg6[%dma_wait3A_852, %dma_wait3A_861, %dma_wait3A_862] : memref<7x128x128xf32, #tpu.memory_space<vmem>> -> memref<1x128x128xf32, #tpu.memory_space<vmem>>
    %dma_wait3A_864 = tpu.memref_squeeze %dma_wait3A_863 : memref<1x128x128xf32, #tpu.memory_space<vmem>> -> memref<128x128xf32, #tpu.memory_space<vmem>>
    tpu.wait_dma2 semaphore(%arg14 : memref<!tpu.dma_semaphore, #tpu.memory_space<semaphore_mem>>) src(%dma_wait3A_864 : memref<128x128xf32, #tpu.memory_space<vmem>>) dst(%dma_wait3A_860 : memref<128x128xf32, #tpu.memory_space<hbm>>)
    %dma_start3A_865 = arith.constant 0 : i32
    %dma_start3A_866 = arith.constant 0 : i32
    %dma_start3A_867 = arith.constant 0 : i32
    %dma_start3A_868 = tpu.memref_slice %arg6[%dma_start3A_865, %dma_start3A_866, %dma_start3A_867] : memref<7x128x128xf32, #tpu.memory_space<vmem>> -> memref<1x128x128xf32, #tpu.memory_space<vmem>>
    %dma_start3A_869 = tpu.memref_squeeze %dma_start3A_868 : memref<1x128x128xf32, #tpu.memory_space<vmem>> -> memref<128x128xf32, #tpu.memory_space<vmem>>
    %dma_start3A_870 = arith.constant 2688 : i32
    %dma_start3A_871 = tpu.memref_slice %arg5[%dma_start3A_870] : memref<3200xi32, #tpu.memory_space<vmem>> -> memref<128xi32, #tpu.memory_space<vmem>>
    %dma_start3A_872 = arith.constant 0 : i32
    %dma_start3A_873 = arith.constant 0 : i32
    %dma_start3A_874 = tpu.memref_slice %arg2[%dma_start3A_872, %dma_start3A_873] : memref<100000x128xf32, #tpu.memory_space<hbm>> -> memref<100000x128xf32, #tpu.memory_space<hbm>>
    tpu.enqueue_indirect_dma source(%dma_start3A_874 : memref<100000x128xf32, #tpu.memory_space<hbm>>) target(%dma_start3A_869 : memref<128x128xf32, #tpu.memory_space<vmem>>) offsets(%dma_start3A_871 : memref<128xi32, #tpu.memory_space<vmem>>) semaphore(%arg7 : memref<!tpu.dma_semaphore, #tpu.memory_space<semaphore_mem>>)
    %dma_wait3A_875 = arith.constant 3 : i32
    %dma_wait3A_876 = arith.constant 0 : i32
    %dma_wait3A_877 = arith.constant 0 : i32
    %dma_wait3A_878 = tpu.memref_slice %arg6[%dma_wait3A_875, %dma_wait3A_876, %dma_wait3A_877] : memref<7x128x128xf32, #tpu.memory_space<vmem>> -> memref<1x128x128xf32, #tpu.memory_space<vmem>>
    %dma_wait3A_879 = tpu.memref_squeeze %dma_wait3A_878 : memref<1x128x128xf32, #tpu.memory_space<vmem>> -> memref<128x128xf32, #tpu.memory_space<vmem>>
    %dma_wait3A_880 = arith.constant 2176 : i32
    %dma_wait3A_881 = tpu.memref_slice %arg5[%dma_wait3A_880] : memref<3200xi32, #tpu.memory_space<vmem>> -> memref<128xi32, #tpu.memory_space<vmem>>
    %dma_wait3A_882 = arith.constant 0 : i32
    %dma_wait3A_883 = arith.constant 0 : i32
    %dma_wait3A_884 = tpu.memref_slice %arg2[%dma_wait3A_882, %dma_wait3A_883] : memref<100000x128xf32, #tpu.memory_space<hbm>> -> memref<100000x128xf32, #tpu.memory_space<hbm>>
    tpu.wait_indirect_dma semaphore(%arg10 : memref<!tpu.dma_semaphore, #tpu.memory_space<semaphore_mem>>) src(%dma_wait3A_884 : memref<100000x128xf32, #tpu.memory_space<hbm>>) dst(%dma_wait3A_879 : memref<128x128xf32, #tpu.memory_space<vmem>>)
    %add3A_885 = arith.constant 2176 : i32
    %add3A_886 = arith.addi %multiple_of3A, %add3A_885 : i32
    %dma_start3A_887 = arith.constant 3 : i32
    %dma_start3A_888 = arith.constant 0 : i32
    %dma_start3A_889 = arith.constant 0 : i32
    %dma_start3A_890 = tpu.memref_slice %arg6[%dma_start3A_887, %dma_start3A_888, %dma_start3A_889] : memref<7x128x128xf32, #tpu.memory_space<vmem>> -> memref<1x128x128xf32, #tpu.memory_space<vmem>>
    %dma_start3A_891 = tpu.memref_squeeze %dma_start3A_890 : memref<1x128x128xf32, #tpu.memory_space<vmem>> -> memref<128x128xf32, #tpu.memory_space<vmem>>
    %dma_start3A_892 = arith.constant 0 : i32
    %dma_start3A_893 = tpu.memref_slice %arg4[%add3A_886, %dma_start3A_892] : memref<100000x128xf32, #tpu.memory_space<hbm>> -> memref<128x128xf32, #tpu.memory_space<hbm>>
    %dma_start3A_894 = arith.constant 0 : i32
    %dma_start3A_895 = tpu.memref_slice %arg4[%add3A_886, %dma_start3A_894] : memref<100000x128xf32, #tpu.memory_space<hbm>> -> memref<128x128xf32, #tpu.memory_space<hbm>>
    %dma_start3A_896 = arith.constant 0 : i32
    %dma_start3A_897 = arith.constant 0 : i32
    %dma_start3A_898 = tpu.memref_slice %arg6[%dma_start3A_887, %dma_start3A_896, %dma_start3A_897] : memref<7x128x128xf32, #tpu.memory_space<vmem>> -> memref<1x128x128xf32, #tpu.memory_space<vmem>>
    %dma_start3A_899 = tpu.memref_squeeze %dma_start3A_898 : memref<1x128x128xf32, #tpu.memory_space<vmem>> -> memref<128x128xf32, #tpu.memory_space<vmem>>
    tpu.enqueue_dma source(%dma_start3A_899 : memref<128x128xf32, #tpu.memory_space<vmem>>) target(%dma_start3A_895 : memref<128x128xf32, #tpu.memory_space<hbm>>) target_semaphore(%arg17 : memref<!tpu.dma_semaphore, #tpu.memory_space<semaphore_mem>>)
    %add3A_900 = arith.constant 1920 : i32
    %add3A_901 = arith.addi %multiple_of3A, %add3A_900 : i32
    %dma_wait3A_902 = arith.constant 1 : i32
    %dma_wait3A_903 = arith.constant 0 : i32
    %dma_wait3A_904 = arith.constant 0 : i32
    %dma_wait3A_905 = tpu.memref_slice %arg6[%dma_wait3A_902, %dma_wait3A_903, %dma_wait3A_904] : memref<7x128x128xf32, #tpu.memory_space<vmem>> -> memref<1x128x128xf32, #tpu.memory_space<vmem>>
    %dma_wait3A_906 = tpu.memref_squeeze %dma_wait3A_905 : memref<1x128x128xf32, #tpu.memory_space<vmem>> -> memref<128x128xf32, #tpu.memory_space<vmem>>
    %dma_wait3A_907 = arith.constant 0 : i32
    %dma_wait3A_908 = tpu.memref_slice %arg4[%add3A_901, %dma_wait3A_907] : memref<100000x128xf32, #tpu.memory_space<hbm>> -> memref<128x128xf32, #tpu.memory_space<hbm>>
    %dma_wait3A_909 = arith.constant 0 : i32
    %dma_wait3A_910 = tpu.memref_slice %arg4[%add3A_901, %dma_wait3A_909] : memref<100000x128xf32, #tpu.memory_space<hbm>> -> memref<128x128xf32, #tpu.memory_space<hbm>>
    %dma_wait3A_911 = arith.constant 0 : i32
    %dma_wait3A_912 = arith.constant 0 : i32
    %dma_wait3A_913 = tpu.memref_slice %arg6[%dma_wait3A_902, %dma_wait3A_911, %dma_wait3A_912] : memref<7x128x128xf32, #tpu.memory_space<vmem>> -> memref<1x128x128xf32, #tpu.memory_space<vmem>>
    %dma_wait3A_914 = tpu.memref_squeeze %dma_wait3A_913 : memref<1x128x128xf32, #tpu.memory_space<vmem>> -> memref<128x128xf32, #tpu.memory_space<vmem>>
    tpu.wait_dma2 semaphore(%arg15 : memref<!tpu.dma_semaphore, #tpu.memory_space<semaphore_mem>>) src(%dma_wait3A_914 : memref<128x128xf32, #tpu.memory_space<vmem>>) dst(%dma_wait3A_910 : memref<128x128xf32, #tpu.memory_space<hbm>>)
    %dma_start3A_915 = arith.constant 1 : i32
    %dma_start3A_916 = arith.constant 0 : i32
    %dma_start3A_917 = arith.constant 0 : i32
    %dma_start3A_918 = tpu.memref_slice %arg6[%dma_start3A_915, %dma_start3A_916, %dma_start3A_917] : memref<7x128x128xf32, #tpu.memory_space<vmem>> -> memref<1x128x128xf32, #tpu.memory_space<vmem>>
    %dma_start3A_919 = tpu.memref_squeeze %dma_start3A_918 : memref<1x128x128xf32, #tpu.memory_space<vmem>> -> memref<128x128xf32, #tpu.memory_space<vmem>>
    %dma_start3A_920 = arith.constant 2816 : i32
    %dma_start3A_921 = tpu.memref_slice %arg5[%dma_start3A_920] : memref<3200xi32, #tpu.memory_space<vmem>> -> memref<128xi32, #tpu.memory_space<vmem>>
    %dma_start3A_922 = arith.constant 0 : i32
    %dma_start3A_923 = arith.constant 0 : i32
    %dma_start3A_924 = tpu.memref_slice %arg2[%dma_start3A_922, %dma_start3A_923] : memref<100000x128xf32, #tpu.memory_space<hbm>> -> memref<100000x128xf32, #tpu.memory_space<hbm>>
    tpu.enqueue_indirect_dma source(%dma_start3A_924 : memref<100000x128xf32, #tpu.memory_space<hbm>>) target(%dma_start3A_919 : memref<128x128xf32, #tpu.memory_space<vmem>>) offsets(%dma_start3A_921 : memref<128xi32, #tpu.memory_space<vmem>>) semaphore(%arg8 : memref<!tpu.dma_semaphore, #tpu.memory_space<semaphore_mem>>)
    %dma_wait3A_925 = arith.constant 4 : i32
    %dma_wait3A_926 = arith.constant 0 : i32
    %dma_wait3A_927 = arith.constant 0 : i32
    %dma_wait3A_928 = tpu.memref_slice %arg6[%dma_wait3A_925, %dma_wait3A_926, %dma_wait3A_927] : memref<7x128x128xf32, #tpu.memory_space<vmem>> -> memref<1x128x128xf32, #tpu.memory_space<vmem>>
    %dma_wait3A_929 = tpu.memref_squeeze %dma_wait3A_928 : memref<1x128x128xf32, #tpu.memory_space<vmem>> -> memref<128x128xf32, #tpu.memory_space<vmem>>
    %dma_wait3A_930 = arith.constant 2304 : i32
    %dma_wait3A_931 = tpu.memref_slice %arg5[%dma_wait3A_930] : memref<3200xi32, #tpu.memory_space<vmem>> -> memref<128xi32, #tpu.memory_space<vmem>>
    %dma_wait3A_932 = arith.constant 0 : i32
    %dma_wait3A_933 = arith.constant 0 : i32
    %dma_wait3A_934 = tpu.memref_slice %arg2[%dma_wait3A_932, %dma_wait3A_933] : memref<100000x128xf32, #tpu.memory_space<hbm>> -> memref<100000x128xf32, #tpu.memory_space<hbm>>
    tpu.wait_indirect_dma semaphore(%arg11 : memref<!tpu.dma_semaphore, #tpu.memory_space<semaphore_mem>>) src(%dma_wait3A_934 : memref<100000x128xf32, #tpu.memory_space<hbm>>) dst(%dma_wait3A_929 : memref<128x128xf32, #tpu.memory_space<vmem>>)
    %add3A_935 = arith.constant 2304 : i32
    %add3A_936 = arith.addi %multiple_of3A, %add3A_935 : i32
    %dma_start3A_937 = arith.constant 4 : i32
    %dma_start3A_938 = arith.constant 0 : i32
    %dma_start3A_939 = arith.constant 0 : i32
    %dma_start3A_940 = tpu.memref_slice %arg6[%dma_start3A_937, %dma_start3A_938, %dma_start3A_939] : memref<7x128x128xf32, #tpu.memory_space<vmem>> -> memref<1x128x128xf32, #tpu.memory_space<vmem>>
    %dma_start3A_941 = tpu.memref_squeeze %dma_start3A_940 : memref<1x128x128xf32, #tpu.memory_space<vmem>> -> memref<128x128xf32, #tpu.memory_space<vmem>>
    %dma_start3A_942 = arith.constant 0 : i32
    %dma_start3A_943 = tpu.memref_slice %arg4[%add3A_936, %dma_start3A_942] : memref<100000x128xf32, #tpu.memory_space<hbm>> -> memref<128x128xf32, #tpu.memory_space<hbm>>
    %dma_start3A_944 = arith.constant 0 : i32
    %dma_start3A_945 = tpu.memref_slice %arg4[%add3A_936, %dma_start3A_944] : memref<100000x128xf32, #tpu.memory_space<hbm>> -> memref<128x128xf32, #tpu.memory_space<hbm>>
    %dma_start3A_946 = arith.constant 0 : i32
    %dma_start3A_947 = arith.constant 0 : i32
    %dma_start3A_948 = tpu.memref_slice %arg6[%dma_start3A_937, %dma_start3A_946, %dma_start3A_947] : memref<7x128x128xf32, #tpu.memory_space<vmem>> -> memref<1x128x128xf32, #tpu.memory_space<vmem>>
    %dma_start3A_949 = tpu.memref_squeeze %dma_start3A_948 : memref<1x128x128xf32, #tpu.memory_space<vmem>> -> memref<128x128xf32, #tpu.memory_space<vmem>>
    tpu.enqueue_dma source(%dma_start3A_949 : memref<128x128xf32, #tpu.memory_space<vmem>>) target(%dma_start3A_945 : memref<128x128xf32, #tpu.memory_space<hbm>>) target_semaphore(%arg18 : memref<!tpu.dma_semaphore, #tpu.memory_space<semaphore_mem>>)
    %add3A_950 = arith.constant 2048 : i32
    %add3A_951 = arith.addi %multiple_of3A, %add3A_950 : i32
    %dma_wait3A_952 = arith.constant 2 : i32
    %dma_wait3A_953 = arith.constant 0 : i32
    %dma_wait3A_954 = arith.constant 0 : i32
    %dma_wait3A_955 = tpu.memref_slice %arg6[%dma_wait3A_952, %dma_wait3A_953, %dma_wait3A_954] : memref<7x128x128xf32, #tpu.memory_space<vmem>> -> memref<1x128x128xf32, #tpu.memory_space<vmem>>
    %dma_wait3A_956 = tpu.memref_squeeze %dma_wait3A_955 : memref<1x128x128xf32, #tpu.memory_space<vmem>> -> memref<128x128xf32, #tpu.memory_space<vmem>>
    %dma_wait3A_957 = arith.constant 0 : i32
    %dma_wait3A_958 = tpu.memref_slice %arg4[%add3A_951, %dma_wait3A_957] : memref<100000x128xf32, #tpu.memory_space<hbm>> -> memref<128x128xf32, #tpu.memory_space<hbm>>
    %dma_wait3A_959 = arith.constant 0 : i32
    %dma_wait3A_960 = tpu.memref_slice %arg4[%add3A_951, %dma_wait3A_959] : memref<100000x128xf32, #tpu.memory_space<hbm>> -> memref<128x128xf32, #tpu.memory_space<hbm>>
    %dma_wait3A_961 = arith.constant 0 : i32
    %dma_wait3A_962 = arith.constant 0 : i32
    %dma_wait3A_963 = tpu.memref_slice %arg6[%dma_wait3A_952, %dma_wait3A_961, %dma_wait3A_962] : memref<7x128x128xf32, #tpu.memory_space<vmem>> -> memref<1x128x128xf32, #tpu.memory_space<vmem>>
    %dma_wait3A_964 = tpu.memref_squeeze %dma_wait3A_963 : memref<1x128x128xf32, #tpu.memory_space<vmem>> -> memref<128x128xf32, #tpu.memory_space<vmem>>
    tpu.wait_dma2 semaphore(%arg16 : memref<!tpu.dma_semaphore, #tpu.memory_space<semaphore_mem>>) src(%dma_wait3A_964 : memref<128x128xf32, #tpu.memory_space<vmem>>) dst(%dma_wait3A_960 : memref<128x128xf32, #tpu.memory_space<hbm>>)
    %dma_start3A_965 = arith.constant 2 : i32
    %dma_start3A_966 = arith.constant 0 : i32
    %dma_start3A_967 = arith.constant 0 : i32
    %dma_start3A_968 = tpu.memref_slice %arg6[%dma_start3A_965, %dma_start3A_966, %dma_start3A_967] : memref<7x128x128xf32, #tpu.memory_space<vmem>> -> memref<1x128x128xf32, #tpu.memory_space<vmem>>
    %dma_start3A_969 = tpu.memref_squeeze %dma_start3A_968 : memref<1x128x128xf32, #tpu.memory_space<vmem>> -> memref<128x128xf32, #tpu.memory_space<vmem>>
    %dma_start3A_970 = arith.constant 2944 : i32
    %dma_start3A_971 = tpu.memref_slice %arg5[%dma_start3A_970] : memref<3200xi32, #tpu.memory_space<vmem>> -> memref<128xi32, #tpu.memory_space<vmem>>
    %dma_start3A_972 = arith.constant 0 : i32
    %dma_start3A_973 = arith.constant 0 : i32
    %dma_start3A_974 = tpu.memref_slice %arg2[%dma_start3A_972, %dma_start3A_973] : memref<100000x128xf32, #tpu.memory_space<hbm>> -> memref<100000x128xf32, #tpu.memory_space<hbm>>
    tpu.enqueue_indirect_dma source(%dma_start3A_974 : memref<100000x128xf32, #tpu.memory_space<hbm>>) target(%dma_start3A_969 : memref<128x128xf32, #tpu.memory_space<vmem>>) offsets(%dma_start3A_971 : memref<128xi32, #tpu.memory_space<vmem>>) semaphore(%arg9 : memref<!tpu.dma_semaphore, #tpu.memory_space<semaphore_mem>>)
    %dma_wait3A_975 = arith.constant 5 : i32
    %dma_wait3A_976 = arith.constant 0 : i32
    %dma_wait3A_977 = arith.constant 0 : i32
    %dma_wait3A_978 = tpu.memref_slice %arg6[%dma_wait3A_975, %dma_wait3A_976, %dma_wait3A_977] : memref<7x128x128xf32, #tpu.memory_space<vmem>> -> memref<1x128x128xf32, #tpu.memory_space<vmem>>
    %dma_wait3A_979 = tpu.memref_squeeze %dma_wait3A_978 : memref<1x128x128xf32, #tpu.memory_space<vmem>> -> memref<128x128xf32, #tpu.memory_space<vmem>>
    %dma_wait3A_980 = arith.constant 2432 : i32
    %dma_wait3A_981 = tpu.memref_slice %arg5[%dma_wait3A_980] : memref<3200xi32, #tpu.memory_space<vmem>> -> memref<128xi32, #tpu.memory_space<vmem>>
    %dma_wait3A_982 = arith.constant 0 : i32
    %dma_wait3A_983 = arith.constant 0 : i32
    %dma_wait3A_984 = tpu.memref_slice %arg2[%dma_wait3A_982, %dma_wait3A_983] : memref<100000x128xf32, #tpu.memory_space<hbm>> -> memref<100000x128xf32, #tpu.memory_space<hbm>>
    tpu.wait_indirect_dma semaphore(%arg12 : memref<!tpu.dma_semaphore, #tpu.memory_space<semaphore_mem>>) src(%dma_wait3A_984 : memref<100000x128xf32, #tpu.memory_space<hbm>>) dst(%dma_wait3A_979 : memref<128x128xf32, #tpu.memory_space<vmem>>)
    %add3A_985 = arith.constant 2432 : i32
    %add3A_986 = arith.addi %multiple_of3A, %add3A_985 : i32
    %dma_start3A_987 = arith.constant 5 : i32
    %dma_start3A_988 = arith.constant 0 : i32
    %dma_start3A_989 = arith.constant 0 : i32
    %dma_start3A_990 = tpu.memref_slice %arg6[%dma_start3A_987, %dma_start3A_988, %dma_start3A_989] : memref<7x128x128xf32, #tpu.memory_space<vmem>> -> memref<1x128x128xf32, #tpu.memory_space<vmem>>
    %dma_start3A_991 = tpu.memref_squeeze %dma_start3A_990 : memref<1x128x128xf32, #tpu.memory_space<vmem>> -> memref<128x128xf32, #tpu.memory_space<vmem>>
    %dma_start3A_992 = arith.constant 0 : i32
    %dma_start3A_993 = tpu.memref_slice %arg4[%add3A_986, %dma_start3A_992] : memref<100000x128xf32, #tpu.memory_space<hbm>> -> memref<128x128xf32, #tpu.memory_space<hbm>>
    %dma_start3A_994 = arith.constant 0 : i32
    %dma_start3A_995 = tpu.memref_slice %arg4[%add3A_986, %dma_start3A_994] : memref<100000x128xf32, #tpu.memory_space<hbm>> -> memref<128x128xf32, #tpu.memory_space<hbm>>
    %dma_start3A_996 = arith.constant 0 : i32
    %dma_start3A_997 = arith.constant 0 : i32
    %dma_start3A_998 = tpu.memref_slice %arg6[%dma_start3A_987, %dma_start3A_996, %dma_start3A_997] : memref<7x128x128xf32, #tpu.memory_space<vmem>> -> memref<1x128x128xf32, #tpu.memory_space<vmem>>
    %dma_start3A_999 = tpu.memref_squeeze %dma_start3A_998 : memref<1x128x128xf32, #tpu.memory_space<vmem>> -> memref<128x128xf32, #tpu.memory_space<vmem>>
    tpu.enqueue_dma source(%dma_start3A_999 : memref<128x128xf32, #tpu.memory_space<vmem>>) target(%dma_start3A_995 : memref<128x128xf32, #tpu.memory_space<hbm>>) target_semaphore(%arg19 : memref<!tpu.dma_semaphore, #tpu.memory_space<semaphore_mem>>)
    %add3A_1000 = arith.constant 2176 : i32
    %add3A_1001 = arith.addi %multiple_of3A, %add3A_1000 : i32
    %dma_wait3A_1002 = arith.constant 3 : i32
    %dma_wait3A_1003 = arith.constant 0 : i32
    %dma_wait3A_1004 = arith.constant 0 : i32
    %dma_wait3A_1005 = tpu.memref_slice %arg6[%dma_wait3A_1002, %dma_wait3A_1003, %dma_wait3A_1004] : memref<7x128x128xf32, #tpu.memory_space<vmem>> -> memref<1x128x128xf32, #tpu.memory_space<vmem>>
    %dma_wait3A_1006 = tpu.memref_squeeze %dma_wait3A_1005 : memref<1x128x128xf32, #tpu.memory_space<vmem>> -> memref<128x128xf32, #tpu.memory_space<vmem>>
    %dma_wait3A_1007 = arith.constant 0 : i32
    %dma_wait3A_1008 = tpu.memref_slice %arg4[%add3A_1001, %dma_wait3A_1007] : memref<100000x128xf32, #tpu.memory_space<hbm>> -> memref<128x128xf32, #tpu.memory_space<hbm>>
    %dma_wait3A_1009 = arith.constant 0 : i32
    %dma_wait3A_1010 = tpu.memref_slice %arg4[%add3A_1001, %dma_wait3A_1009] : memref<100000x128xf32, #tpu.memory_space<hbm>> -> memref<128x128xf32, #tpu.memory_space<hbm>>
    %dma_wait3A_1011 = arith.constant 0 : i32
    %dma_wait3A_1012 = arith.constant 0 : i32
    %dma_wait3A_1013 = tpu.memref_slice %arg6[%dma_wait3A_1002, %dma_wait3A_1011, %dma_wait3A_1012] : memref<7x128x128xf32, #tpu.memory_space<vmem>> -> memref<1x128x128xf32, #tpu.memory_space<vmem>>
    %dma_wait3A_1014 = tpu.memref_squeeze %dma_wait3A_1013 : memref<1x128x128xf32, #tpu.memory_space<vmem>> -> memref<128x128xf32, #tpu.memory_space<vmem>>
    tpu.wait_dma2 semaphore(%arg17 : memref<!tpu.dma_semaphore, #tpu.memory_space<semaphore_mem>>) src(%dma_wait3A_1014 : memref<128x128xf32, #tpu.memory_space<vmem>>) dst(%dma_wait3A_1010 : memref<128x128xf32, #tpu.memory_space<hbm>>)
    %dma_start3A_1015 = arith.constant 3 : i32
    %dma_start3A_1016 = arith.constant 0 : i32
    %dma_start3A_1017 = arith.constant 0 : i32
    %dma_start3A_1018 = tpu.memref_slice %arg6[%dma_start3A_1015, %dma_start3A_1016, %dma_start3A_1017] : memref<7x128x128xf32, #tpu.memory_space<vmem>> -> memref<1x128x128xf32, #tpu.memory_space<vmem>>
    %dma_start3A_1019 = tpu.memref_squeeze %dma_start3A_1018 : memref<1x128x128xf32, #tpu.memory_space<vmem>> -> memref<128x128xf32, #tpu.memory_space<vmem>>
    %dma_start3A_1020 = arith.constant 3072 : i32
    %dma_start3A_1021 = tpu.memref_slice %arg5[%dma_start3A_1020] : memref<3200xi32, #tpu.memory_space<vmem>> -> memref<128xi32, #tpu.memory_space<vmem>>
    %dma_start3A_1022 = arith.constant 0 : i32
    %dma_start3A_1023 = arith.constant 0 : i32
    %dma_start3A_1024 = tpu.memref_slice %arg2[%dma_start3A_1022, %dma_start3A_1023] : memref<100000x128xf32, #tpu.memory_space<hbm>> -> memref<100000x128xf32, #tpu.memory_space<hbm>>
    tpu.enqueue_indirect_dma source(%dma_start3A_1024 : memref<100000x128xf32, #tpu.memory_space<hbm>>) target(%dma_start3A_1019 : memref<128x128xf32, #tpu.memory_space<vmem>>) offsets(%dma_start3A_1021 : memref<128xi32, #tpu.memory_space<vmem>>) semaphore(%arg10 : memref<!tpu.dma_semaphore, #tpu.memory_space<semaphore_mem>>)
    %dma_wait3A_1025 = arith.constant 6 : i32
    %dma_wait3A_1026 = arith.constant 0 : i32
    %dma_wait3A_1027 = arith.constant 0 : i32
    %dma_wait3A_1028 = tpu.memref_slice %arg6[%dma_wait3A_1025, %dma_wait3A_1026, %dma_wait3A_1027] : memref<7x128x128xf32, #tpu.memory_space<vmem>> -> memref<1x128x128xf32, #tpu.memory_space<vmem>>
    %dma_wait3A_1029 = tpu.memref_squeeze %dma_wait3A_1028 : memref<1x128x128xf32, #tpu.memory_space<vmem>> -> memref<128x128xf32, #tpu.memory_space<vmem>>
    %dma_wait3A_1030 = arith.constant 2560 : i32
    %dma_wait3A_1031 = tpu.memref_slice %arg5[%dma_wait3A_1030] : memref<3200xi32, #tpu.memory_space<vmem>> -> memref<128xi32, #tpu.memory_space<vmem>>
    %dma_wait3A_1032 = arith.constant 0 : i32
    %dma_wait3A_1033 = arith.constant 0 : i32
    %dma_wait3A_1034 = tpu.memref_slice %arg2[%dma_wait3A_1032, %dma_wait3A_1033] : memref<100000x128xf32, #tpu.memory_space<hbm>> -> memref<100000x128xf32, #tpu.memory_space<hbm>>
    tpu.wait_indirect_dma semaphore(%arg13 : memref<!tpu.dma_semaphore, #tpu.memory_space<semaphore_mem>>) src(%dma_wait3A_1034 : memref<100000x128xf32, #tpu.memory_space<hbm>>) dst(%dma_wait3A_1029 : memref<128x128xf32, #tpu.memory_space<vmem>>)
    %add3A_1035 = arith.constant 2560 : i32
    %add3A_1036 = arith.addi %multiple_of3A, %add3A_1035 : i32
    %dma_start3A_1037 = arith.constant 6 : i32
    %dma_start3A_1038 = arith.constant 0 : i32
    %dma_start3A_1039 = arith.constant 0 : i32
    %dma_start3A_1040 = tpu.memref_slice %arg6[%dma_start3A_1037, %dma_start3A_1038, %dma_start3A_1039] : memref<7x128x128xf32, #tpu.memory_space<vmem>> -> memref<1x128x128xf32, #tpu.memory_space<vmem>>
    %dma_start3A_1041 = tpu.memref_squeeze %dma_start3A_1040 : memref<1x128x128xf32, #tpu.memory_space<vmem>> -> memref<128x128xf32, #tpu.memory_space<vmem>>
    %dma_start3A_1042 = arith.constant 0 : i32
    %dma_start3A_1043 = tpu.memref_slice %arg4[%add3A_1036, %dma_start3A_1042] : memref<100000x128xf32, #tpu.memory_space<hbm>> -> memref<128x128xf32, #tpu.memory_space<hbm>>
    %dma_start3A_1044 = arith.constant 0 : i32
    %dma_start3A_1045 = tpu.memref_slice %arg4[%add3A_1036, %dma_start3A_1044] : memref<100000x128xf32, #tpu.memory_space<hbm>> -> memref<128x128xf32, #tpu.memory_space<hbm>>
    %dma_start3A_1046 = arith.constant 0 : i32
    %dma_start3A_1047 = arith.constant 0 : i32
    %dma_start3A_1048 = tpu.memref_slice %arg6[%dma_start3A_1037, %dma_start3A_1046, %dma_start3A_1047] : memref<7x128x128xf32, #tpu.memory_space<vmem>> -> memref<1x128x128xf32, #tpu.memory_space<vmem>>
    %dma_start3A_1049 = tpu.memref_squeeze %dma_start3A_1048 : memref<1x128x128xf32, #tpu.memory_space<vmem>> -> memref<128x128xf32, #tpu.memory_space<vmem>>
    tpu.enqueue_dma source(%dma_start3A_1049 : memref<128x128xf32, #tpu.memory_space<vmem>>) target(%dma_start3A_1045 : memref<128x128xf32, #tpu.memory_space<hbm>>) target_semaphore(%arg20 : memref<!tpu.dma_semaphore, #tpu.memory_space<semaphore_mem>>)
    %dma_wait3A_1050 = arith.constant 0 : i32
    %dma_wait3A_1051 = arith.constant 0 : i32
    %dma_wait3A_1052 = arith.constant 0 : i32
    %dma_wait3A_1053 = tpu.memref_slice %arg6[%dma_wait3A_1050, %dma_wait3A_1051, %dma_wait3A_1052] : memref<7x128x128xf32, #tpu.memory_space<vmem>> -> memref<1x128x128xf32, #tpu.memory_space<vmem>>
    %dma_wait3A_1054 = tpu.memref_squeeze %dma_wait3A_1053 : memref<1x128x128xf32, #tpu.memory_space<vmem>> -> memref<128x128xf32, #tpu.memory_space<vmem>>
    %dma_wait3A_1055 = arith.constant 2688 : i32
    %dma_wait3A_1056 = tpu.memref_slice %arg5[%dma_wait3A_1055] : memref<3200xi32, #tpu.memory_space<vmem>> -> memref<128xi32, #tpu.memory_space<vmem>>
    %dma_wait3A_1057 = arith.constant 0 : i32
    %dma_wait3A_1058 = arith.constant 0 : i32
    %dma_wait3A_1059 = tpu.memref_slice %arg2[%dma_wait3A_1057, %dma_wait3A_1058] : memref<100000x128xf32, #tpu.memory_space<hbm>> -> memref<100000x128xf32, #tpu.memory_space<hbm>>
    tpu.wait_indirect_dma semaphore(%arg7 : memref<!tpu.dma_semaphore, #tpu.memory_space<semaphore_mem>>) src(%dma_wait3A_1059 : memref<100000x128xf32, #tpu.memory_space<hbm>>) dst(%dma_wait3A_1054 : memref<128x128xf32, #tpu.memory_space<vmem>>)
    %add3A_1060 = arith.constant 2688 : i32
    %add3A_1061 = arith.addi %multiple_of3A, %add3A_1060 : i32
    %dma_start3A_1062 = arith.constant 0 : i32
    %dma_start3A_1063 = arith.constant 0 : i32
    %dma_start3A_1064 = arith.constant 0 : i32
    %dma_start3A_1065 = tpu.memref_slice %arg6[%dma_start3A_1062, %dma_start3A_1063, %dma_start3A_1064] : memref<7x128x128xf32, #tpu.memory_space<vmem>> -> memref<1x128x128xf32, #tpu.memory_space<vmem>>
    %dma_start3A_1066 = tpu.memref_squeeze %dma_start3A_1065 : memref<1x128x128xf32, #tpu.memory_space<vmem>> -> memref<128x128xf32, #tpu.memory_space<vmem>>
    %dma_start3A_1067 = arith.constant 0 : i32
    %dma_start3A_1068 = tpu.memref_slice %arg4[%add3A_1061, %dma_start3A_1067] : memref<100000x128xf32, #tpu.memory_space<hbm>> -> memref<128x128xf32, #tpu.memory_space<hbm>>
    %dma_start3A_1069 = arith.constant 0 : i32
    %dma_start3A_1070 = tpu.memref_slice %arg4[%add3A_1061, %dma_start3A_1069] : memref<100000x128xf32, #tpu.memory_space<hbm>> -> memref<128x128xf32, #tpu.memory_space<hbm>>
    %dma_start3A_1071 = arith.constant 0 : i32
    %dma_start3A_1072 = arith.constant 0 : i32
    %dma_start3A_1073 = tpu.memref_slice %arg6[%dma_start3A_1062, %dma_start3A_1071, %dma_start3A_1072] : memref<7x128x128xf32, #tpu.memory_space<vmem>> -> memref<1x128x128xf32, #tpu.memory_space<vmem>>
    %dma_start3A_1074 = tpu.memref_squeeze %dma_start3A_1073 : memref<1x128x128xf32, #tpu.memory_space<vmem>> -> memref<128x128xf32, #tpu.memory_space<vmem>>
    tpu.enqueue_dma source(%dma_start3A_1074 : memref<128x128xf32, #tpu.memory_space<vmem>>) target(%dma_start3A_1070 : memref<128x128xf32, #tpu.memory_space<hbm>>) target_semaphore(%arg14 : memref<!tpu.dma_semaphore, #tpu.memory_space<semaphore_mem>>)
    %dma_wait3A_1075 = arith.constant 1 : i32
    %dma_wait3A_1076 = arith.constant 0 : i32
    %dma_wait3A_1077 = arith.constant 0 : i32
    %dma_wait3A_1078 = tpu.memref_slice %arg6[%dma_wait3A_1075, %dma_wait3A_1076, %dma_wait3A_1077] : memref<7x128x128xf32, #tpu.memory_space<vmem>> -> memref<1x128x128xf32, #tpu.memory_space<vmem>>
    %dma_wait3A_1079 = tpu.memref_squeeze %dma_wait3A_1078 : memref<1x128x128xf32, #tpu.memory_space<vmem>> -> memref<128x128xf32, #tpu.memory_space<vmem>>
    %dma_wait3A_1080 = arith.constant 2816 : i32
    %dma_wait3A_1081 = tpu.memref_slice %arg5[%dma_wait3A_1080] : memref<3200xi32, #tpu.memory_space<vmem>> -> memref<128xi32, #tpu.memory_space<vmem>>
    %dma_wait3A_1082 = arith.constant 0 : i32
    %dma_wait3A_1083 = arith.constant 0 : i32
    %dma_wait3A_1084 = tpu.memref_slice %arg2[%dma_wait3A_1082, %dma_wait3A_1083] : memref<100000x128xf32, #tpu.memory_space<hbm>> -> memref<100000x128xf32, #tpu.memory_space<hbm>>
    tpu.wait_indirect_dma semaphore(%arg8 : memref<!tpu.dma_semaphore, #tpu.memory_space<semaphore_mem>>) src(%dma_wait3A_1084 : memref<100000x128xf32, #tpu.memory_space<hbm>>) dst(%dma_wait3A_1079 : memref<128x128xf32, #tpu.memory_space<vmem>>)
    %add3A_1085 = arith.constant 2816 : i32
    %add3A_1086 = arith.addi %multiple_of3A, %add3A_1085 : i32
    %dma_start3A_1087 = arith.constant 1 : i32
    %dma_start3A_1088 = arith.constant 0 : i32
    %dma_start3A_1089 = arith.constant 0 : i32
    %dma_start3A_1090 = tpu.memref_slice %arg6[%dma_start3A_1087, %dma_start3A_1088, %dma_start3A_1089] : memref<7x128x128xf32, #tpu.memory_space<vmem>> -> memref<1x128x128xf32, #tpu.memory_space<vmem>>
    %dma_start3A_1091 = tpu.memref_squeeze %dma_start3A_1090 : memref<1x128x128xf32, #tpu.memory_space<vmem>> -> memref<128x128xf32, #tpu.memory_space<vmem>>
    %dma_start3A_1092 = arith.constant 0 : i32
    %dma_start3A_1093 = tpu.memref_slice %arg4[%add3A_1086, %dma_start3A_1092] : memref<100000x128xf32, #tpu.memory_space<hbm>> -> memref<128x128xf32, #tpu.memory_space<hbm>>
    %dma_start3A_1094 = arith.constant 0 : i32
    %dma_start3A_1095 = tpu.memref_slice %arg4[%add3A_1086, %dma_start3A_1094] : memref<100000x128xf32, #tpu.memory_space<hbm>> -> memref<128x128xf32, #tpu.memory_space<hbm>>
    %dma_start3A_1096 = arith.constant 0 : i32
    %dma_start3A_1097 = arith.constant 0 : i32
    %dma_start3A_1098 = tpu.memref_slice %arg6[%dma_start3A_1087, %dma_start3A_1096, %dma_start3A_1097] : memref<7x128x128xf32, #tpu.memory_space<vmem>> -> memref<1x128x128xf32, #tpu.memory_space<vmem>>
    %dma_start3A_1099 = tpu.memref_squeeze %dma_start3A_1098 : memref<1x128x128xf32, #tpu.memory_space<vmem>> -> memref<128x128xf32, #tpu.memory_space<vmem>>
    tpu.enqueue_dma source(%dma_start3A_1099 : memref<128x128xf32, #tpu.memory_space<vmem>>) target(%dma_start3A_1095 : memref<128x128xf32, #tpu.memory_space<hbm>>) target_semaphore(%arg15 : memref<!tpu.dma_semaphore, #tpu.memory_space<semaphore_mem>>)
    %dma_wait3A_1100 = arith.constant 2 : i32
    %dma_wait3A_1101 = arith.constant 0 : i32
    %dma_wait3A_1102 = arith.constant 0 : i32
    %dma_wait3A_1103 = tpu.memref_slice %arg6[%dma_wait3A_1100, %dma_wait3A_1101, %dma_wait3A_1102] : memref<7x128x128xf32, #tpu.memory_space<vmem>> -> memref<1x128x128xf32, #tpu.memory_space<vmem>>
    %dma_wait3A_1104 = tpu.memref_squeeze %dma_wait3A_1103 : memref<1x128x128xf32, #tpu.memory_space<vmem>> -> memref<128x128xf32, #tpu.memory_space<vmem>>
    %dma_wait3A_1105 = arith.constant 2944 : i32
    %dma_wait3A_1106 = tpu.memref_slice %arg5[%dma_wait3A_1105] : memref<3200xi32, #tpu.memory_space<vmem>> -> memref<128xi32, #tpu.memory_space<vmem>>
    %dma_wait3A_1107 = arith.constant 0 : i32
    %dma_wait3A_1108 = arith.constant 0 : i32
    %dma_wait3A_1109 = tpu.memref_slice %arg2[%dma_wait3A_1107, %dma_wait3A_1108] : memref<100000x128xf32, #tpu.memory_space<hbm>> -> memref<100000x128xf32, #tpu.memory_space<hbm>>
    tpu.wait_indirect_dma semaphore(%arg9 : memref<!tpu.dma_semaphore, #tpu.memory_space<semaphore_mem>>) src(%dma_wait3A_1109 : memref<100000x128xf32, #tpu.memory_space<hbm>>) dst(%dma_wait3A_1104 : memref<128x128xf32, #tpu.memory_space<vmem>>)
    %add3A_1110 = arith.constant 2944 : i32
    %add3A_1111 = arith.addi %multiple_of3A, %add3A_1110 : i32
    %dma_start3A_1112 = arith.constant 2 : i32
    %dma_start3A_1113 = arith.constant 0 : i32
    %dma_start3A_1114 = arith.constant 0 : i32
    %dma_start3A_1115 = tpu.memref_slice %arg6[%dma_start3A_1112, %dma_start3A_1113, %dma_start3A_1114] : memref<7x128x128xf32, #tpu.memory_space<vmem>> -> memref<1x128x128xf32, #tpu.memory_space<vmem>>
    %dma_start3A_1116 = tpu.memref_squeeze %dma_start3A_1115 : memref<1x128x128xf32, #tpu.memory_space<vmem>> -> memref<128x128xf32, #tpu.memory_space<vmem>>
    %dma_start3A_1117 = arith.constant 0 : i32
    %dma_start3A_1118 = tpu.memref_slice %arg4[%add3A_1111, %dma_start3A_1117] : memref<100000x128xf32, #tpu.memory_space<hbm>> -> memref<128x128xf32, #tpu.memory_space<hbm>>
    %dma_start3A_1119 = arith.constant 0 : i32
    %dma_start3A_1120 = tpu.memref_slice %arg4[%add3A_1111, %dma_start3A_1119] : memref<100000x128xf32, #tpu.memory_space<hbm>> -> memref<128x128xf32, #tpu.memory_space<hbm>>
    %dma_start3A_1121 = arith.constant 0 : i32
    %dma_start3A_1122 = arith.constant 0 : i32
    %dma_start3A_1123 = tpu.memref_slice %arg6[%dma_start3A_1112, %dma_start3A_1121, %dma_start3A_1122] : memref<7x128x128xf32, #tpu.memory_space<vmem>> -> memref<1x128x128xf32, #tpu.memory_space<vmem>>
    %dma_start3A_1124 = tpu.memref_squeeze %dma_start3A_1123 : memref<1x128x128xf32, #tpu.memory_space<vmem>> -> memref<128x128xf32, #tpu.memory_space<vmem>>
    tpu.enqueue_dma source(%dma_start3A_1124 : memref<128x128xf32, #tpu.memory_space<vmem>>) target(%dma_start3A_1120 : memref<128x128xf32, #tpu.memory_space<hbm>>) target_semaphore(%arg16 : memref<!tpu.dma_semaphore, #tpu.memory_space<semaphore_mem>>)
    %dma_wait3A_1125 = arith.constant 3 : i32
    %dma_wait3A_1126 = arith.constant 0 : i32
    %dma_wait3A_1127 = arith.constant 0 : i32
    %dma_wait3A_1128 = tpu.memref_slice %arg6[%dma_wait3A_1125, %dma_wait3A_1126, %dma_wait3A_1127] : memref<7x128x128xf32, #tpu.memory_space<vmem>> -> memref<1x128x128xf32, #tpu.memory_space<vmem>>
    %dma_wait3A_1129 = tpu.memref_squeeze %dma_wait3A_1128 : memref<1x128x128xf32, #tpu.memory_space<vmem>> -> memref<128x128xf32, #tpu.memory_space<vmem>>
    %dma_wait3A_1130 = arith.constant 3072 : i32
    %dma_wait3A_1131 = tpu.memref_slice %arg5[%dma_wait3A_1130] : memref<3200xi32, #tpu.memory_space<vmem>> -> memref<128xi32, #tpu.memory_space<vmem>>
    %dma_wait3A_1132 = arith.constant 0 : i32
    %dma_wait3A_1133 = arith.constant 0 : i32
    %dma_wait3A_1134 = tpu.memref_slice %arg2[%dma_wait3A_1132, %dma_wait3A_1133] : memref<100000x128xf32, #tpu.memory_space<hbm>> -> memref<100000x128xf32, #tpu.memory_space<hbm>>
    tpu.wait_indirect_dma semaphore(%arg10 : memref<!tpu.dma_semaphore, #tpu.memory_space<semaphore_mem>>) src(%dma_wait3A_1134 : memref<100000x128xf32, #tpu.memory_space<hbm>>) dst(%dma_wait3A_1129 : memref<128x128xf32, #tpu.memory_space<vmem>>)
    %add3A_1135 = arith.constant 3072 : i32
    %add3A_1136 = arith.addi %multiple_of3A, %add3A_1135 : i32
    %dma_start3A_1137 = arith.constant 3 : i32
    %dma_start3A_1138 = arith.constant 0 : i32
    %dma_start3A_1139 = arith.constant 0 : i32
    %dma_start3A_1140 = tpu.memref_slice %arg6[%dma_start3A_1137, %dma_start3A_1138, %dma_start3A_1139] : memref<7x128x128xf32, #tpu.memory_space<vmem>> -> memref<1x128x128xf32, #tpu.memory_space<vmem>>
    %dma_start3A_1141 = tpu.memref_squeeze %dma_start3A_1140 : memref<1x128x128xf32, #tpu.memory_space<vmem>> -> memref<128x128xf32, #tpu.memory_space<vmem>>
    %dma_start3A_1142 = arith.constant 0 : i32
    %dma_start3A_1143 = tpu.memref_slice %arg4[%add3A_1136, %dma_start3A_1142] : memref<100000x128xf32, #tpu.memory_space<hbm>> -> memref<128x128xf32, #tpu.memory_space<hbm>>
    %dma_start3A_1144 = arith.constant 0 : i32
    %dma_start3A_1145 = tpu.memref_slice %arg4[%add3A_1136, %dma_start3A_1144] : memref<100000x128xf32, #tpu.memory_space<hbm>> -> memref<128x128xf32, #tpu.memory_space<hbm>>
    %dma_start3A_1146 = arith.constant 0 : i32
    %dma_start3A_1147 = arith.constant 0 : i32
    %dma_start3A_1148 = tpu.memref_slice %arg6[%dma_start3A_1137, %dma_start3A_1146, %dma_start3A_1147] : memref<7x128x128xf32, #tpu.memory_space<vmem>> -> memref<1x128x128xf32, #tpu.memory_space<vmem>>
    %dma_start3A_1149 = tpu.memref_squeeze %dma_start3A_1148 : memref<1x128x128xf32, #tpu.memory_space<vmem>> -> memref<128x128xf32, #tpu.memory_space<vmem>>
    tpu.enqueue_dma source(%dma_start3A_1149 : memref<128x128xf32, #tpu.memory_space<vmem>>) target(%dma_start3A_1145 : memref<128x128xf32, #tpu.memory_space<hbm>>) target_semaphore(%arg17 : memref<!tpu.dma_semaphore, #tpu.memory_space<semaphore_mem>>)
    %add3A_1150 = arith.constant 2304 : i32
    %add3A_1151 = arith.addi %multiple_of3A, %add3A_1150 : i32
    %dma_wait3A_1152 = arith.constant 4 : i32
    %dma_wait3A_1153 = arith.constant 0 : i32
    %dma_wait3A_1154 = arith.constant 0 : i32
    %dma_wait3A_1155 = tpu.memref_slice %arg6[%dma_wait3A_1152, %dma_wait3A_1153, %dma_wait3A_1154] : memref<7x128x128xf32, #tpu.memory_space<vmem>> -> memref<1x128x128xf32, #tpu.memory_space<vmem>>
    %dma_wait3A_1156 = tpu.memref_squeeze %dma_wait3A_1155 : memref<1x128x128xf32, #tpu.memory_space<vmem>> -> memref<128x128xf32, #tpu.memory_space<vmem>>
    %dma_wait3A_1157 = arith.constant 0 : i32
    %dma_wait3A_1158 = tpu.memref_slice %arg4[%add3A_1151, %dma_wait3A_1157] : memref<100000x128xf32, #tpu.memory_space<hbm>> -> memref<128x128xf32, #tpu.memory_space<hbm>>
    %dma_wait3A_1159 = arith.constant 0 : i32
    %dma_wait3A_1160 = tpu.memref_slice %arg4[%add3A_1151, %dma_wait3A_1159] : memref<100000x128xf32, #tpu.memory_space<hbm>> -> memref<128x128xf32, #tpu.memory_space<hbm>>
    %dma_wait3A_1161 = arith.constant 0 : i32
    %dma_wait3A_1162 = arith.constant 0 : i32
    %dma_wait3A_1163 = tpu.memref_slice %arg6[%dma_wait3A_1152, %dma_wait3A_1161, %dma_wait3A_1162] : memref<7x128x128xf32, #tpu.memory_space<vmem>> -> memref<1x128x128xf32, #tpu.memory_space<vmem>>
    %dma_wait3A_1164 = tpu.memref_squeeze %dma_wait3A_1163 : memref<1x128x128xf32, #tpu.memory_space<vmem>> -> memref<128x128xf32, #tpu.memory_space<vmem>>
    tpu.wait_dma2 semaphore(%arg18 : memref<!tpu.dma_semaphore, #tpu.memory_space<semaphore_mem>>) src(%dma_wait3A_1164 : memref<128x128xf32, #tpu.memory_space<vmem>>) dst(%dma_wait3A_1160 : memref<128x128xf32, #tpu.memory_space<hbm>>)
    %add3A_1165 = arith.constant 2432 : i32
    %add3A_1166 = arith.addi %multiple_of3A, %add3A_1165 : i32
    %dma_wait3A_1167 = arith.constant 5 : i32
    %dma_wait3A_1168 = arith.constant 0 : i32
    %dma_wait3A_1169 = arith.constant 0 : i32
    %dma_wait3A_1170 = tpu.memref_slice %arg6[%dma_wait3A_1167, %dma_wait3A_1168, %dma_wait3A_1169] : memref<7x128x128xf32, #tpu.memory_space<vmem>> -> memref<1x128x128xf32, #tpu.memory_space<vmem>>
    %dma_wait3A_1171 = tpu.memref_squeeze %dma_wait3A_1170 : memref<1x128x128xf32, #tpu.memory_space<vmem>> -> memref<128x128xf32, #tpu.memory_space<vmem>>
    %dma_wait3A_1172 = arith.constant 0 : i32
    %dma_wait3A_1173 = tpu.memref_slice %arg4[%add3A_1166, %dma_wait3A_1172] : memref<100000x128xf32, #tpu.memory_space<hbm>> -> memref<128x128xf32, #tpu.memory_space<hbm>>
    %dma_wait3A_1174 = arith.constant 0 : i32
    %dma_wait3A_1175 = tpu.memref_slice %arg4[%add3A_1166, %dma_wait3A_1174] : memref<100000x128xf32, #tpu.memory_space<hbm>> -> memref<128x128xf32, #tpu.memory_space<hbm>>
    %dma_wait3A_1176 = arith.constant 0 : i32
    %dma_wait3A_1177 = arith.constant 0 : i32
    %dma_wait3A_1178 = tpu.memref_slice %arg6[%dma_wait3A_1167, %dma_wait3A_1176, %dma_wait3A_1177] : memref<7x128x128xf32, #tpu.memory_space<vmem>> -> memref<1x128x128xf32, #tpu.memory_space<vmem>>
    %dma_wait3A_1179 = tpu.memref_squeeze %dma_wait3A_1178 : memref<1x128x128xf32, #tpu.memory_space<vmem>> -> memref<128x128xf32, #tpu.memory_space<vmem>>
    tpu.wait_dma2 semaphore(%arg19 : memref<!tpu.dma_semaphore, #tpu.memory_space<semaphore_mem>>) src(%dma_wait3A_1179 : memref<128x128xf32, #tpu.memory_space<vmem>>) dst(%dma_wait3A_1175 : memref<128x128xf32, #tpu.memory_space<hbm>>)
    %add3A_1180 = arith.constant 2560 : i32
    %add3A_1181 = arith.addi %multiple_of3A, %add3A_1180 : i32
    %dma_wait3A_1182 = arith.constant 6 : i32
    %dma_wait3A_1183 = arith.constant 0 : i32
    %dma_wait3A_1184 = arith.constant 0 : i32
    %dma_wait3A_1185 = tpu.memref_slice %arg6[%dma_wait3A_1182, %dma_wait3A_1183, %dma_wait3A_1184] : memref<7x128x128xf32, #tpu.memory_space<vmem>> -> memref<1x128x128xf32, #tpu.memory_space<vmem>>
    %dma_wait3A_1186 = tpu.memref_squeeze %dma_wait3A_1185 : memref<1x128x128xf32, #tpu.memory_space<vmem>> -> memref<128x128xf32, #tpu.memory_space<vmem>>
    %dma_wait3A_1187 = arith.constant 0 : i32
    %dma_wait3A_1188 = tpu.memref_slice %arg4[%add3A_1181, %dma_wait3A_1187] : memref<100000x128xf32, #tpu.memory_space<hbm>> -> memref<128x128xf32, #tpu.memory_space<hbm>>
    %dma_wait3A_1189 = arith.constant 0 : i32
    %dma_wait3A_1190 = tpu.memref_slice %arg4[%add3A_1181, %dma_wait3A_1189] : memref<100000x128xf32, #tpu.memory_space<hbm>> -> memref<128x128xf32, #tpu.memory_space<hbm>>
    %dma_wait3A_1191 = arith.constant 0 : i32
    %dma_wait3A_1192 = arith.constant 0 : i32
    %dma_wait3A_1193 = tpu.memref_slice %arg6[%dma_wait3A_1182, %dma_wait3A_1191, %dma_wait3A_1192] : memref<7x128x128xf32, #tpu.memory_space<vmem>> -> memref<1x128x128xf32, #tpu.memory_space<vmem>>
    %dma_wait3A_1194 = tpu.memref_squeeze %dma_wait3A_1193 : memref<1x128x128xf32, #tpu.memory_space<vmem>> -> memref<128x128xf32, #tpu.memory_space<vmem>>
    tpu.wait_dma2 semaphore(%arg20 : memref<!tpu.dma_semaphore, #tpu.memory_space<semaphore_mem>>) src(%dma_wait3A_1194 : memref<128x128xf32, #tpu.memory_space<vmem>>) dst(%dma_wait3A_1190 : memref<128x128xf32, #tpu.memory_space<hbm>>)
    %add3A_1195 = arith.constant 2688 : i32
    %add3A_1196 = arith.addi %multiple_of3A, %add3A_1195 : i32
    %dma_wait3A_1197 = arith.constant 0 : i32
    %dma_wait3A_1198 = arith.constant 0 : i32
    %dma_wait3A_1199 = arith.constant 0 : i32
    %dma_wait3A_1200 = tpu.memref_slice %arg6[%dma_wait3A_1197, %dma_wait3A_1198, %dma_wait3A_1199] : memref<7x128x128xf32, #tpu.memory_space<vmem>> -> memref<1x128x128xf32, #tpu.memory_space<vmem>>
    %dma_wait3A_1201 = tpu.memref_squeeze %dma_wait3A_1200 : memref<1x128x128xf32, #tpu.memory_space<vmem>> -> memref<128x128xf32, #tpu.memory_space<vmem>>
    %dma_wait3A_1202 = arith.constant 0 : i32
    %dma_wait3A_1203 = tpu.memref_slice %arg4[%add3A_1196, %dma_wait3A_1202] : memref<100000x128xf32, #tpu.memory_space<hbm>> -> memref<128x128xf32, #tpu.memory_space<hbm>>
    %dma_wait3A_1204 = arith.constant 0 : i32
    %dma_wait3A_1205 = tpu.memref_slice %arg4[%add3A_1196, %dma_wait3A_1204] : memref<100000x128xf32, #tpu.memory_space<hbm>> -> memref<128x128xf32, #tpu.memory_space<hbm>>
    %dma_wait3A_1206 = arith.constant 0 : i32
    %dma_wait3A_1207 = arith.constant 0 : i32
    %dma_wait3A_1208 = tpu.memref_slice %arg6[%dma_wait3A_1197, %dma_wait3A_1206, %dma_wait3A_1207] : memref<7x128x128xf32, #tpu.memory_space<vmem>> -> memref<1x128x128xf32, #tpu.memory_space<vmem>>
    %dma_wait3A_1209 = tpu.memref_squeeze %dma_wait3A_1208 : memref<1x128x128xf32, #tpu.memory_space<vmem>> -> memref<128x128xf32, #tpu.memory_space<vmem>>
    tpu.wait_dma2 semaphore(%arg14 : memref<!tpu.dma_semaphore, #tpu.memory_space<semaphore_mem>>) src(%dma_wait3A_1209 : memref<128x128xf32, #tpu.memory_space<vmem>>) dst(%dma_wait3A_1205 : memref<128x128xf32, #tpu.memory_space<hbm>>)
    %add3A_1210 = arith.constant 2816 : i32
    %add3A_1211 = arith.addi %multiple_of3A, %add3A_1210 : i32
    %dma_wait3A_1212 = arith.constant 1 : i32
    %dma_wait3A_1213 = arith.constant 0 : i32
    %dma_wait3A_1214 = arith.constant 0 : i32
    %dma_wait3A_1215 = tpu.memref_slice %arg6[%dma_wait3A_1212, %dma_wait3A_1213, %dma_wait3A_1214] : memref<7x128x128xf32, #tpu.memory_space<vmem>> -> memref<1x128x128xf32, #tpu.memory_space<vmem>>
    %dma_wait3A_1216 = tpu.memref_squeeze %dma_wait3A_1215 : memref<1x128x128xf32, #tpu.memory_space<vmem>> -> memref<128x128xf32, #tpu.memory_space<vmem>>
    %dma_wait3A_1217 = arith.constant 0 : i32
    %dma_wait3A_1218 = tpu.memref_slice %arg4[%add3A_1211, %dma_wait3A_1217] : memref<100000x128xf32, #tpu.memory_space<hbm>> -> memref<128x128xf32, #tpu.memory_space<hbm>>
    %dma_wait3A_1219 = arith.constant 0 : i32
    %dma_wait3A_1220 = tpu.memref_slice %arg4[%add3A_1211, %dma_wait3A_1219] : memref<100000x128xf32, #tpu.memory_space<hbm>> -> memref<128x128xf32, #tpu.memory_space<hbm>>
    %dma_wait3A_1221 = arith.constant 0 : i32
    %dma_wait3A_1222 = arith.constant 0 : i32
    %dma_wait3A_1223 = tpu.memref_slice %arg6[%dma_wait3A_1212, %dma_wait3A_1221, %dma_wait3A_1222] : memref<7x128x128xf32, #tpu.memory_space<vmem>> -> memref<1x128x128xf32, #tpu.memory_space<vmem>>
    %dma_wait3A_1224 = tpu.memref_squeeze %dma_wait3A_1223 : memref<1x128x128xf32, #tpu.memory_space<vmem>> -> memref<128x128xf32, #tpu.memory_space<vmem>>
    tpu.wait_dma2 semaphore(%arg15 : memref<!tpu.dma_semaphore, #tpu.memory_space<semaphore_mem>>) src(%dma_wait3A_1224 : memref<128x128xf32, #tpu.memory_space<vmem>>) dst(%dma_wait3A_1220 : memref<128x128xf32, #tpu.memory_space<hbm>>)
    %add3A_1225 = arith.constant 2944 : i32
    %add3A_1226 = arith.addi %multiple_of3A, %add3A_1225 : i32
    %dma_wait3A_1227 = arith.constant 2 : i32
    %dma_wait3A_1228 = arith.constant 0 : i32
    %dma_wait3A_1229 = arith.constant 0 : i32
    %dma_wait3A_1230 = tpu.memref_slice %arg6[%dma_wait3A_1227, %dma_wait3A_1228, %dma_wait3A_1229] : memref<7x128x128xf32, #tpu.memory_space<vmem>> -> memref<1x128x128xf32, #tpu.memory_space<vmem>>
    %dma_wait3A_1231 = tpu.memref_squeeze %dma_wait3A_1230 : memref<1x128x128xf32, #tpu.memory_space<vmem>> -> memref<128x128xf32, #tpu.memory_space<vmem>>
    %dma_wait3A_1232 = arith.constant 0 : i32
    %dma_wait3A_1233 = tpu.memref_slice %arg4[%add3A_1226, %dma_wait3A_1232] : memref<100000x128xf32, #tpu.memory_space<hbm>> -> memref<128x128xf32, #tpu.memory_space<hbm>>
    %dma_wait3A_1234 = arith.constant 0 : i32
    %dma_wait3A_1235 = tpu.memref_slice %arg4[%add3A_1226, %dma_wait3A_1234] : memref<100000x128xf32, #tpu.memory_space<hbm>> -> memref<128x128xf32, #tpu.memory_space<hbm>>
    %dma_wait3A_1236 = arith.constant 0 : i32
    %dma_wait3A_1237 = arith.constant 0 : i32
    %dma_wait3A_1238 = tpu.memref_slice %arg6[%dma_wait3A_1227, %dma_wait3A_1236, %dma_wait3A_1237] : memref<7x128x128xf32, #tpu.memory_space<vmem>> -> memref<1x128x128xf32, #tpu.memory_space<vmem>>
    %dma_wait3A_1239 = tpu.memref_squeeze %dma_wait3A_1238 : memref<1x128x128xf32, #tpu.memory_space<vmem>> -> memref<128x128xf32, #tpu.memory_space<vmem>>
    tpu.wait_dma2 semaphore(%arg16 : memref<!tpu.dma_semaphore, #tpu.memory_space<semaphore_mem>>) src(%dma_wait3A_1239 : memref<128x128xf32, #tpu.memory_space<vmem>>) dst(%dma_wait3A_1235 : memref<128x128xf32, #tpu.memory_space<hbm>>)
    %add3A_1240 = arith.constant 3072 : i32
    %add3A_1241 = arith.addi %multiple_of3A, %add3A_1240 : i32
    %dma_wait3A_1242 = arith.constant 3 : i32
    %dma_wait3A_1243 = arith.constant 0 : i32
    %dma_wait3A_1244 = arith.constant 0 : i32
    %dma_wait3A_1245 = tpu.memref_slice %arg6[%dma_wait3A_1242, %dma_wait3A_1243, %dma_wait3A_1244] : memref<7x128x128xf32, #tpu.memory_space<vmem>> -> memref<1x128x128xf32, #tpu.memory_space<vmem>>
    %dma_wait3A_1246 = tpu.memref_squeeze %dma_wait3A_1245 : memref<1x128x128xf32, #tpu.memory_space<vmem>> -> memref<128x128xf32, #tpu.memory_space<vmem>>
    %dma_wait3A_1247 = arith.constant 0 : i32
    %dma_wait3A_1248 = tpu.memref_slice %arg4[%add3A_1241, %dma_wait3A_1247] : memref<100000x128xf32, #tpu.memory_space<hbm>> -> memref<128x128xf32, #tpu.memory_space<hbm>>
    %dma_wait3A_1249 = arith.constant 0 : i32
    %dma_wait3A_1250 = tpu.memref_slice %arg4[%add3A_1241, %dma_wait3A_1249] : memref<100000x128xf32, #tpu.memory_space<hbm>> -> memref<128x128xf32, #tpu.memory_space<hbm>>
    %dma_wait3A_1251 = arith.constant 0 : i32
    %dma_wait3A_1252 = arith.constant 0 : i32
    %dma_wait3A_1253 = tpu.memref_slice %arg6[%dma_wait3A_1242, %dma_wait3A_1251, %dma_wait3A_1252] : memref<7x128x128xf32, #tpu.memory_space<vmem>> -> memref<1x128x128xf32, #tpu.memory_space<vmem>>
    %dma_wait3A_1254 = tpu.memref_squeeze %dma_wait3A_1253 : memref<1x128x128xf32, #tpu.memory_space<vmem>> -> memref<128x128xf32, #tpu.memory_space<vmem>>
    tpu.wait_dma2 semaphore(%arg17 : memref<!tpu.dma_semaphore, #tpu.memory_space<semaphore_mem>>) src(%dma_wait3A_1254 : memref<128x128xf32, #tpu.memory_space<vmem>>) dst(%dma_wait3A_1250 : memref<128x128xf32, #tpu.memory_space<hbm>>)
    return
  }
}

</mosaic_0001>

<sc_bundles>
// kernel: kernel.3.cloned.1.call-start
scs
__scs_entry_jumppad:
0x0: {  	(pc) =	sbr.rel $0x88, $3  }
0x1: {  	(tag) =	ssettag $0x0;
	lr =	simm.s32 $0x1  }
0x2: {  	[smem:$0x3F9F] =	sst lr;
	_ =	strace $0xD0000000  }
0x3: {  	_ = 	snop  }
0x4: {  	_ = 	snop  }
0x5: {  	_ = 	snop  }
0x6: {  	_ = 	snop  }
0x7: {  	_ = 	snop  }
__scs_overlays_trampoline_lowered:
0x8: {  	[smem:$0x3FAE] =	sst s0  }
0x9: {  	[smem:$0x3FAF] =	sst s1  }
0xa: {  	[smem:$0x3FB0] =	sst s2  }
0xb: {  	[smem:$0x3FB1] =	sst s3  }
0xc: {  	[smem:$0x3FB2] =	sst s4  }
0xd: {  	[smem:$0x3FB3] =	sst s5  }
0xe: {  	[smem:$0x3FB4] =	sst s6  }
0xf: {  	[smem:$0x3FB5] =	sst s7  }
0x10: {  	[smem:$0x3FB6] =	sst s8  }
0x11: {  	[smem:$0x3FB7] =	sst s9;
	s0 =	simm.s32 @!p0 $0x0  }
0x12: {  	s1 =	sld [smem:$0x3F9D];
	s0 =	simm.s32 @p0 $0x1  }
0x13: {  	[smem:$0x3FB8] =	sst s0;
	s0 =	simm.s32 @!p1 $0x0  }
0x14: {  	s2 =	sld [smem:$0x3F9C];
	s0 =	simm.s32 @p1 $0x1  }
0x15: {  	[smem:$0x3FB9] =	sst s0;
	s0 =	simm.s32 @!p2 $0x0  }
0x16: {  	s3 =	sld [smem:$0x3FDB];
	s0 =	simm.s32 @p2 $0x1  }
0x17: {  	s4 =	simm.s32 $0x1BF5;
	[smem:$0x3FBB] =	sst s0  }
0x18: {  	s0 =	sld [smem:$0x3F9E];
	_ =	swait.ge [sflag:s4], $0x0  }
0x19: {  	s7 =	sld [smem:$0x3F9F]  }
0x1a: {  	s8 =	sadd.s32 $0xFFFFE003, lr  }
0x1b: {  	s9 =	sadd.s32 $0xFFFFFEF7, lr;
	s5 =	simm.s32 $0xFFFFFFFF;
	p2 =	slt.u32 s8, $0xFFFFF086  }
0x1c: {  	p1 =	slt.u32 s9, $0xF7A;
	s5 =	simm.s32 @!p2 $0x0  }
0x1d: {  	s5 =	simm.s32 @p1 $0x1;
	p0 =	seq.s32 s7, s2  }
0x1e: {  	s7 =	smul.u32 @!p0 $0xF7A, s2;
	p2 =	seq.s32 @!p0 s5, $0x0  }
0x1f: {  	s9 =	smul.u32 $0xF7A, s1;
	s8 =	simm.s32 @!p0 $0x1BF5;
	p2 =	por !p2, p0  }
0x20: {  	[sflag:s8] =	ssyncset.s32 @!p0 $0xFFFFF086;
	s6 =	sadd.s32 @!p0 s3, s7;
	s7 =	simm.s32 @!p0 $0x108  }
0x21: {  	s3 =	sadd.s32 s3, s9;
	s6 =	sadd.s32 @!p0 $0x88, s6;
	s7 =	simm.s32 @p2 $0x1082  }
0x22: {  	[simem:s7], [sflag:s8] =	dma.local @!p0 [hbm:s6], $0xF7A  }
0x23: {  	s9 =	sor.u32 $0xD0000000, s2;
	s6 =	simm.s32 $0x108;
	_ =	swait.ge @!p0 [sflag:s8], $0x0  }
0x24: {  	s3 =	sadd.s32 $0x88, s3;
	s6 =	simm.s32 @!p1 $0x1082;
	[sflag:s4] =	ssyncset.s32 $0xFFFFF086  }
0x25: {  	[simem:s6], [sflag:s4] =	dma.local [hbm:s3], $0xF7A  }
0x26: {  	[smem:$0x3F9F] =	sst s1;
	(tag) =	ssettag s2;
	_ =	strace s9  }
0x27: {  	s1 =	sld [smem:$0x3FAF]  }
0x28: {  	s2 =	sld [smem:$0x3FB0]  }
0x29: {  	s4 =	sld [smem:$0x3FB2]  }
0x2a: {  	p0 =	seq.s32 s5, $0x0;
	s5 =	sld [smem:$0x3FB3]  }
0x2b: {  	s6 =	sld [smem:$0x3FB4]  }
0x2c: {  	s7 =	sld [smem:$0x3FB5]  }
0x2d: {  	s3 =	simm.s32 $0x108;
	s8 =	sld [smem:$0x3FB6]  }
0x2e: {  	s3 =	simm.s32 @!p0 $0x1082;
	s9 =	sld [smem:$0x3FB7]  }
0x2f: {  	lr =	sadd.s32 s0, s3;
	s0 =	sld [smem:$0x3FAE]  }
0x30: {  	s3 =	sld [smem:$0x3FB1]  }
0x31: {  	[smem:$0x3FBA] =	sst s10  }
0x32: {  	s10 =	sld [smem:$0x3FB8];
	_ =	sdelay $0x3  }
0x33: {  	p0 =	seq.s32 s10, $0x1;
	s10 =	sld [smem:$0x3FBA];
	_ =	sdelay $0x3  }
0x34: {  	[smem:$0x3FBA] =	sst s10  }
0x35: {  	s10 =	sld [smem:$0x3FB9];
	_ =	sdelay $0x3  }
0x36: {  	p1 =	seq.s32 s10, $0x1;
	s10 =	sld [smem:$0x3FBA];
	_ =	sdelay $0x3  }
0x37: {  	[smem:$0x3FBA] =	sst s10  }
0x38: {  	s10 =	sld [smem:$0x3FBB]  }
0x39: {  	_ = 	snop;
	(pc) =	sbr.ind lr, $3  }
0x3a: {  	_ = 	snop  }
0x3b: {  	_ = 	snop  }
0x3c: {  	p2 =	seq.s32 s10, $0x1;
	s10 =	sld [smem:$0x3FBA]  }
0x3d: {  	_ =	shalt  }
0x3e: {  	_ =	shalt  }
0x3f: {  	_ =	shalt  }
0x40: {  	_ =	shalt  }
0x41: {  	_ =	shalt  }
0x42: {  	_ =	shalt  }
0x43: {  	_ =	shalt  }
0x44: {  	_ =	shalt  }
0x45: {  	_ =	shalt  }
0x46: {  	_ =	shalt  }
0x47: {  	_ =	shalt  }
0x48: {  	_ =	shalt  }
0x49: {  	_ =	shalt  }
0x4a: {  	_ =	shalt  }
0x4b: {  	_ =	shalt  }
0x4c: {  	_ =	shalt  }
0x4d: {  	_ =	shalt  }
0x4e: {  	_ =	shalt  }
0x4f: {  	_ =	shalt  }
0x50: {  	_ =	shalt  }
0x51: {  	_ =	shalt  }
0x52: {  	_ =	shalt  }
0x53: {  	_ =	shalt  }
0x54: {  	_ =	shalt  }
0x55: {  	_ =	shalt  }
0x56: {  	_ =	shalt  }
0x57: {  	_ =	shalt  }
0x58: {  	_ =	shalt  }
0x59: {  	_ =	shalt  }
0x5a: {  	_ =	shalt  }
0x5b: {  	_ =	shalt  }
0x5c: {  	_ =	shalt  }
0x5d: {  	_ =	shalt  }
0x5e: {  	_ =	shalt  }
0x5f: {  	_ =	shalt  }
0x60: {  	_ =	shalt  }
0x61: {  	_ =	shalt  }
0x62: {  	_ =	shalt  }
0x63: {  	_ =	shalt  }
0x64: {  	_ =	shalt  }
0x65: {  	_ =	shalt  }
0x66: {  	_ =	shalt  }
0x67: {  	_ =	shalt  }
0x68: {  	_ =	shalt  }
0x69: {  	_ =	shalt  }
0x6a: {  	_ =	shalt  }
0x6b: {  	_ =	shalt  }
0x6c: {  	_ =	shalt  }
0x6d: {  	_ =	shalt  }
0x6e: {  	_ =	shalt  }
0x6f: {  	_ =	shalt  }
0x70: {  	_ =	shalt  }
0x71: {  	_ =	shalt  }
0x72: {  	_ =	shalt  }
0x73: {  	_ =	shalt  }
0x74: {  	_ =	shalt  }
0x75: {  	_ =	shalt  }
0x76: {  	_ =	shalt  }
0x77: {  	_ =	shalt  }
0x78: {  	_ =	shalt  }
0x79: {  	_ =	shalt  }
0x7a: {  	_ =	shalt  }
0x7b: {  	_ =	shalt  }
0x7c: {  	_ =	shalt  }
0x7d: {  	_ =	shalt  }
0x7e: {  	_ =	shalt  }
0x7f: {  	_ =	shalt  }
0x80: {  	_ =	shalt  }
0x81: {  	_ =	shalt  }
0x82: {  	_ =	shalt  }
0x83: {  	_ =	shalt  }
0x84: {  	_ =	shalt  }
0x85: {  	_ =	shalt  }
0x86: {  	_ =	shalt  }
0x87: {  	_ =	shalt  }
.Lfunc_end0:
.L_simem_size_0:
called_computation_lowered:
.L_overlay_start_0:
0x88: {  	s2 =	sld [smem:$0x3FD9]  }
0x89: {  	s3 =	sld [smem:$0x3FFE];
	_ =	sdelay $0x1  }
0x8a: {  	s1 =	srdreg.scid  }
0x8b: {  	s0 =	sand.u32 $0x1, s1  }
0x8c: {  	s18 =	sshll.u32 s0, $0xA;
	s2 =	sadd.s32 s3, s2  }
0x8d: {  	s2 =	sadd.s32 s2, s18  }
0x8e: {  	[smem:$0x3FC6] =	sst s2  }
0x8f: {  	_ = 	snop  }
0x90: {  	s2 =	sld [smem:$0x3FC9]  }
0x91: {  	s19 =	sld [smem:$0x3FC8]  }
0x92: {  	s4 =	sld [smem:$0x3FD0];
	(tm) =	ssettm $0x1  }
0x93: {  	s5 =	sld [smem:$0x3FFB];
	_ =	sdelay $0x3  }
0x94: {  	_ =	strace s5  }
0x95: {  	s5 =	sld [smem:$0x3FFC];
	_ =	sdelay $0x3  }
0x96: {  	_ =	strace s5  }
0x97: {  	s5 =	sld [smem:$0x3FFD];
	_ =	sdelay $0x3  }
0x98: {  	_ =	strace s5  }
0x99: {  	_ =	strace $0x8FFFFFFF  }
0x9a: {  	s20 =	sld [smem:$0x3FDB];
	_ =	sdelay $0x1  }
0x9b: {  	s6 =	simm.s32 $_scs_section_size  }
0x9c: {  	s7 =	simm.s32 $_size__tile_overlayer_lowered;
	s8 =	simm.s32 $_tile_overlayer_lowered  }
0x9d: {  	s23 =	simm.s32 $0x1BFF;
	s22 =	sshll.u32 s8, $0x1;
	s5 =	sadd.s32 s6, s20  }
0x9e: {  	s9 =	simm.s32 $0x0;
	s21 =	sshll.u32 s7, $0x1;
	s7 =	sadd.s32 s22, s5  }
0x9f: {  	[timem:s9], [sflag:s23] =	dma.local [hbm:s7], s21  }
0xa0: {  	_ =	swait.ge [sflag:s23], s21  }
0xa1: {  	s6 =	ssub.s32 $0x0, s21;
	[sflag:s23] =	ssyncset.done $0x0  }
0xa2: {  	[sflag:s23] =	ssyncadd.s32 s6;
	_ =	sdelay $0x1  }
0xa3: {  	s24 =	simm.s32 $0x1B8B  }
0xa4: {  	_ =	swait.ge [sflag:s24], $0x1  }
0xa5: {  	[sflag:s24] =	ssyncset.done $0x0  }
0xa6: {  	s25 =	simm.s32 $0x1B8E;
	[sflag:s24] =	ssyncadd.s32 $0xFFFFFFFF  }
0xa7: {  	s26 =	simm.s32 $execute0_lowered;
	[smem:$0x3FD2] =	sst s25  }
0xa8: {  	s6 =	sshll.u32 s26, $0x1;
	_ =	strace $0x80000046;
	[dreg:$0x1] =	wrdreg $0xFFFFFFFF  }
0xa9: {  	s28 =	simm.s32 $_size_execute0_lowered;
	s5 =	sadd.s32 s5, s6;
	[dreg:$0x0] =	wrdreg $0x0  }
0xaa: {  	s6 =	sshll.u32 s28, $0x1;
	[dreg:$0x2] =	wrdreg s5  }
0xab: {  	[dreg:$0x3] =	wrdreg s6  }
0xac: {  	[dreg:$0x4] =	wrdreg $0xC0  }
0xad: {  	_ =	task [dreg:s9], $0x5FFFF  }
0xae: {  	[dreg:$0x1] =	wrdreg $0xFFFFFFFF  }
0xaf: {  	[dreg:$0x0] =	wrdreg $0x60  }
0xb0: {  	[dreg:$0x2] =	wrdreg s2  }
0xb1: {  	[dreg:$0x3] =	wrdreg s19  }
0xb2: {  	[dreg:$0x4] =	wrdreg s4  }
0xb3: {  	[dreg:$0x5] =	wrdreg $0x9  }
0xb4: {  	_ =	task.clear_ibuf [dreg:s9], $0x6FFFF;
	_ =	strace $0x90000046  }
0xb5: {  	s29 =	simm.s32 $0x9;
	_ =	strace $0x80000048  }
0xb6: {  	_ =	swait.ge [sflag:s29], $0x1  }
0xb7: {  	[sflag:s29] =	ssyncadd.s32 $0xFFFFFFFF  }
0xb8: {  	_ =	strace $0x90000048  }
0xb9: {  	_ =	sfence  }
0xba: {  	s30 =	sld [smem:$0x0];
	_ =	sdelay $0x2  }
0xbb: {  	s31 =	sshll.u32 s1, $0xD;
	s1 =	sshrl.u32 s1, $0x2  }
0xbc: {  	s3 =	sand.u32 $0x4000, s31;
	s1 =	sadd.s32 s1, s30  }
0xbd: {  	s0 =	sor.u32 s3, s0;
	s1 =	sshll.u32 s1, $0x11  }
0xbe: {  	s0 =	sor.u32 s1, s0  }
0xbf: {  	s0 =	sadd.s32 $0x8F2B, s0  }
0xc0: {  	[sflag:s0] =	ssyncadd.remote.s32 $0x1  }
0xc1: {  	_ =	sfence.sel $0xFFFF  }
0xc2: {  	[dreg:$0x0] =	wrdreg $0xFFFFFFFF;
	(pc) =	sbr.abs _section_cstart, $3  }
0xc3: {  	[dreg:$0x1] =	wrdreg $0xFFFFFFFF  }
0xc4: {  	_ =	task.clear_ibuf [dreg:s9], $0x2FFFF;
	_ =	strace $0x9FFFFFFF  }
0xc5: {  	(tm) =	ssettm $0x7FFFFFFF  }
tec
execute0_lowered:
.L_overlay_start_1:
0x0: {  	(tag) =	ssettag $0x1  }
0x1: {  	s0 =	srdreg.scid;
	s26 =	stileid.u32  }
0x2: {  	s1 =	sand.u32 $0x1, s0;
	s7 =	sshll.u32 s26, $0x1  }
0x3: {  	s0 =	ssub.s32 s7, s1  }
0x4: {  	s0 =	smul.u32 $0xC38, s0  }
0x5: {  	s3 =	rddreg [dreg:$0x0]  }
0x6: {  	s4 =	rddreg [dreg:$0x1];
	p0 =	slt.s32 s0, $0x16DE8  }
0x7: {  	s5 =	rddreg [dreg:$0x2];
	s2 =	simm.s32 $0x0;
	s0 =	simm.s32 @!p0 $0x16DE8  }
0x8: {  	[smem:$0x7FF] =	sst s2;
	s6 =	sadd.s32 $0xC38, s0  }
0x9: {  	_ =	strace $0x80000047;
	s0 =	sadd.s32 $0xE38, s0;
	s7 =	sshrl.u32 s6, $0x3  }
0xa: {  	s8 =	sshrl.u32 s0, $0x3;
	s6 =	sshll.u32 s6, $0x4;
	s7 =	sadd.s32 s4, s7  }
0xb: {  	s0 =	sshll.u32 s0, $0x4;
	s4 =	sadd.s32 s4, s8;
	[dreg:$0x4] =	wrdreg s7  }
0xc: {  	s8 =	sand.u32 $0x1FFFFF80, s6;
	s9 =	sadd.s32 s5, s6;
	[dreg:$0x5] =	wrdreg s4  }
0xd: {  	s0 =	sadd.s32 s5, s0;
	s6 =	sadd.s32 s5, s8;
	[dreg:$0x6] =	wrdreg s9  }
0xe: {  	[dreg:$0xa] =	wrdreg s0;
	s10 =	sadd.s32 $0x800, s6  }
0xf: {  	s11 =	sadd.s32 $0x1000, s6;
	[dreg:$0x7] =	wrdreg s10  }
0x10: {  	s12 =	sadd.s32 $0x1800, s6;
	[dreg:$0x8] =	wrdreg s11  }
0x11: {  	s13 =	sadd.s32 $0x2800, s6;
	[dreg:$0x9] =	wrdreg s12  }
0x12: {  	s14 =	sadd.s32 $0x3000, s6;
	[dreg:$0xb] =	wrdreg s13  }
0x13: {  	s15 =	sadd.s32 $0x3800, s6;
	[dreg:$0xc] =	wrdreg s14  }
0x14: {  	s16 =	sadd.s32 $0x4000, s6;
	[dreg:$0xd] =	wrdreg s15  }
0x15: {  	s17 =	sadd.s32 $0x4800, s6;
	[dreg:$0xe] =	wrdreg s16  }
0x16: {  	s18 =	sadd.s32 $0x5000, s6;
	[dreg:$0xf] =	wrdreg s17  }
0x17: {  	s19 =	sadd.s32 $0x5800, s6;
	[dreg:$0x10] =	wrdreg s18  }
0x18: {  	s20 =	sadd.s32 $0x6000, s6;
	[dreg:$0x11] =	wrdreg s19  }
0x19: {  	s21 =	sadd.s32 $0x6800, s6;
	[dreg:$0x12] =	wrdreg s20  }
0x1a: {  	s22 =	sadd.s32 $0x7000, s6;
	[dreg:$0x13] =	wrdreg s21  }
0x1b: {  	s23 =	sadd.s32 $0x7800, s6;
	[dreg:$0x14] =	wrdreg s22  }
0x1c: {  	s24 =	sadd.s32 $0x8000, s6;
	[dreg:$0x15] =	wrdreg s23  }
0x1d: {  	s30 =	simm.s32 $0xF;
	s25 =	sadd.s32 $0x8800, s6;
	[dreg:$0x16] =	wrdreg s24  }
0x1e: {  	s31 =	simm.s32 $0x200;
	s4 =	sadd.s32 $0x9000, s6;
	[dreg:$0x17] =	wrdreg s25  }
0x1f: {  	s29 =	simm.s32 $0xB80;
	s5 =	sadd.s32 $0x9800, s6;
	[dreg:$0x18] =	wrdreg s4  }
0x20: {  	s28 =	simm.s32 $0xC00;
	s7 =	sadd.s32 $0xA000, s6;
	[dreg:$0x19] =	wrdreg s5  }
0x21: {  	s1 =	ssub.s32 $0x2, s1;
	s8 =	sadd.s32 $0xA800, s6;
	[dreg:$0x1a] =	wrdreg s7  }
0x22: {  	p0 =	por $0x0, $0x0;
	s9 =	sadd.s32 $0xB000, s6;
	[dreg:$0x1b] =	wrdreg s8  }
0x23: {  	s10 =	sshrl.u32 s1, $0x1;
	[dreg:$0x1c] =	wrdreg s9;
	s11 =	sadd.s32 $0xB800, s6  }
0x24: {  	s12 =	sadd.s32 $0xC000, s6;
	s9 =	simm.s32 $0x80;
	[dreg:$0x1d] =	wrdreg s11  }
0x25: {  	s13 =	simm.s32 $0x100;
	s7 =	simm.s32 $0xC80;
	[dreg:$0x1e] =	wrdreg s12  }
0x26: {  	s14 =	simm.s32 $0x180;
	s6 =	simm.s32 $0x4C80;
	[dreg:$0x1f] =	wrdreg s13  }
0x27: {  	s15 =	simm.s32 $0x280;
	s5 =	simm.s32 $0x8C80;
	[smem:$0x7EC] =	sst s14  }
0x28: {  	s16 =	simm.s32 $0x300;
	s4 =	simm.s32 $0xCC80;
	[smem:$0x7ED] =	sst s15  }
0x29: {  	s17 =	simm.s32 $0x380;
	s18 =	simm.s32 $0x400;
	[smem:$0x7EE] =	sst s16  }
0x2a: {  	s20 =	simm.s32 $0x10C80;
	s19 =	simm.s32 $0x480;
	[smem:$0x7EF] =	sst s17  }
0x2b: {  	s21 =	simm.s32 $0x500;
	s22 =	simm.s32 $0x580;
	[smem:$0x7F0] =	sst s18  }
0x2c: {  	s23 =	simm.s32 $0x600;
	s24 =	simm.s32 $0x680;
	[smem:$0x7F1] =	sst s19  }
0x2d: {  	s25 =	simm.s32 $0x700;
	s8 =	simm.s32 $0x8;
	[smem:$0x7F2] =	sst s21  }
0x2e: {  	s1 =	ssub.s32 s1, s10;
	s13 =	simm.s32 $0x1;
	[smem:$0x7F3] =	sst s22  }
0x2f: {  	s18 =	simm.s32 $0x14C80;
	s14 =	simm.s32 $0x2;
	[smem:$0x7F4] =	sst s23  }
0x30: {  	s17 =	simm.s32 $0x18C80;
	s15 =	simm.s32 $0x3;
	[smem:$0x7F5] =	sst s24  }
0x31: {  	[smem:$0x7F6] =	sst s25;
	s10 =	simm.s32 $0x780;
	s16 =	simm.s32 $0x4  }
0x32: {  	s11 =	simm.s32 $0x800;
	s12 =	simm.s32 $0x880;
	[smem:$0x7F7] =	sst s10  }
0x33: {  	s25 =	simm.s32 $0x5;
	s19 =	simm.s32 $0x900;
	[smem:$0x7F8] =	sst s11  }
0x34: {  	s21 =	simm.s32 $0x980;
	s0 =	smax.u32 s1, $0x1;
	[smem:$0x7F9] =	sst s12  }
0x35: {  	s24 =	simm.s32 $0x6;
	[smem:$0x7FA] =	sst s19;
	p1 =	sne.s32 s0, $0x1  }
.Ltmp0:
0x36: {  	s22 =	simm.s32 $0xA00;
	[smem:$0x7FB] =	sst s21;
	(pc) =	sbr.rel @!p1 .LBB2_1-.Ltmp0, $4  }
0x37: {  	s23 =	simm.s32 $0xA80;
	s10 =	simm.s32 $0x9;
	[smem:$0x7FC] =	sst s22  }
0x38: {  	s11 =	simm.s32 $0xA;
	s12 =	simm.s32 $0xB;
	[smem:$0x7FD] =	sst s23  }
0x39: {  	s23 =	simm.s32 $0x7;
	s22 =	simm.s32 $0xC;
	s21 =	simm.s32 $0xD  }
0x3a: {  	s19 =	simm.s32 $0xE;
	s1 =	sadd.s32 $0xFFFFFFFF, s0;
	s0 =	rddreg [dreg:$0x4]  }
0x3b: {  	[tilespmem:s2], [sflag:$0xF] =	stream.linear.gather [hbm4b:s0+s2], $0x200, $0x38;
	[tilespmem:$0x1CC80] =	vst v63  }
0x3c: {  	_ =	swait.ge [sflag:s30], $0x200  }
0x3d: {  	[sflag:s30] =	ssyncset.done $0x0  }
0x3e: {  	[sflag:s30] =	ssyncadd.s32 $0xFFFFFE00  }
0x3f: {  	[tilespmem:s7], [sflag:$0x1] =	stream.indirect.gather [hbm4b:s3+s9], $0x80, s2, s9, $0xb8;
	[tilespmem:$0x1CC80] =	vst v63  }
0x40: {  	s0 =	rddreg [dreg:$0x1f]  }
0x41: {  	[tilespmem:s6], [sflag:$0x2] =	stream.indirect.gather [hbm4b:s3+s9], $0x80, s9, s9, $0xb8;
	[tilespmem:$0x1CC80] =	vst v63  }
0x42: {  	s26 =	smov.u32 s1;
	s1 =	sld [smem:$0x7EC]  }
0x43: {  	[tilespmem:s5], [sflag:$0x3] =	stream.indirect.gather [hbm4b:s3+s9], $0x80, s0, s9, $0xb8;
	[tilespmem:$0x1CC80] =	vst v63  }
0x44: {  	_ = 	snop  }
0x45: {  	[tilespmem:s4], [sflag:$0x4] =	stream.indirect.gather [hbm4b:s3+s9], $0x80, s1, s9, $0xb8;
	[tilespmem:$0x1CC80] =	vst v63  }
0x46: {  	s0 =	rddreg [dreg:$0x5]  }
0x47: {  	[tilespmem:s31], [sflag:$0xF] =	stream.linear.gather [hbm4b:s0+s2], $0xA80, $0x38;
	[tilespmem:$0x1CC80] =	vst v63  }
0x48: {  	_ =	swait.ge [sflag:s30], $0xA80  }
0x49: {  	[sflag:s30] =	ssyncset.done $0x0  }
0x4a: {  	[sflag:s30] =	ssyncadd.s32 $0xFFFFF580  }
0x4b: {  	[tilespmem:s20], [sflag:$0x5] =	stream.indirect.gather [hbm4b:s3+s9], $0x80, s31, s9, $0xb8;
	[tilespmem:$0x1CC80] =	vst v63  }
0x4c: {  	_ =	swait.ge [sflag:s13], $0x4000  }
0x4d: {  	s0 =	rddreg [dreg:$0x6];
	[sflag:s13] =	ssyncset.done $0x0  }
0x4e: {  	s1 =	sld [smem:$0x7ED];
	[sflag:s13] =	ssyncadd.s32 $0xFFFFC000  }
0x4f: {  	[hbm4b:s0+s2] =	stream.linear.scatter [tilespmem:s7], [sflag:$0x8], $0x4000, $0x38;
	[tilespmem:$0x1CC80] =	vst v63  }
0x50: {  	_ = 	snop  }
0x51: {  	[tilespmem:s18], [sflag:$0x6] =	stream.indirect.gather [hbm4b:s3+s9], $0x80, s1, s9, $0xb8;
	[tilespmem:$0x1CC80] =	vst v63  }
0x52: {  	_ =	swait.ge [sflag:s14], $0x4000  }
0x53: {  	s0 =	rddreg [dreg:$0x7];
	[sflag:s14] =	ssyncset.done $0x0  }
0x54: {  	s1 =	sld [smem:$0x7EE];
	[sflag:s14] =	ssyncadd.s32 $0xFFFFC000  }
0x55: {  	[hbm4b:s0+s2] =	stream.linear.scatter [tilespmem:s6], [sflag:$0x9], $0x4000, $0x38;
	[tilespmem:$0x1CC80] =	vst v63  }
0x56: {  	_ = 	snop  }
0x57: {  	[tilespmem:s17], [sflag:$0x7] =	stream.indirect.gather [hbm4b:s3+s9], $0x80, s1, s9, $0xb8;
	[tilespmem:$0x1CC80] =	vst v63  }
0x58: {  	_ =	swait.ge [sflag:s15], $0x4000  }
0x59: {  	[sflag:s15] =	ssyncset.done $0x0  }
0x5a: {  	s1 =	rddreg [dreg:$0x8];
	[sflag:s15] =	ssyncadd.s32 $0xFFFFC000  }
0x5b: {  	[hbm4b:s1+s2] =	stream.linear.scatter [tilespmem:s5], [sflag:$0xA], $0x4000, $0x38;
	[tilespmem:$0x1CC80] =	vst v63  }
0x5c: {  	_ =	swait.ge [sflag:s8], $0x4000  }
0x5d: {  	s1 =	sld [smem:$0x7EF]  }
0x5e: {  	[sflag:s8] =	ssyncset.done $0x0  }
0x5f: {  	[sflag:s8] =	ssyncadd.s32 $0xFFFFC000  }
0x60: {  	[tilespmem:s7], [sflag:$0x1] =	stream.indirect.gather [hbm4b:s3+s9], $0x80, s1, s9, $0xb8;
	[tilespmem:$0x1CC80] =	vst v63  }
0x61: {  	_ =	swait.ge [sflag:s16], $0x4000  }
0x62: {  	[sflag:s16] =	ssyncset.done $0x0  }
0x63: {  	s1 =	rddreg [dreg:$0x9];
	[sflag:s16] =	ssyncadd.s32 $0xFFFFC000  }
0x64: {  	[hbm4b:s1+s2] =	stream.linear.scatter [tilespmem:s4], [sflag:$0xB], $0x4000, $0x38;
	[tilespmem:$0x1CC80] =	vst v63  }
0x65: {  	_ =	swait.ge [sflag:s10], $0x4000  }
0x66: {  	s1 =	sld [smem:$0x7F0]  }
0x67: {  	[sflag:s10] =	ssyncset.done $0x0  }
0x68: {  	[sflag:s10] =	ssyncadd.s32 $0xFFFFC000  }
0x69: {  	[tilespmem:s6], [sflag:$0x2] =	stream.indirect.gather [hbm4b:s3+s9], $0x80, s1, s9, $0xb8;
	[tilespmem:$0x1CC80] =	vst v63  }
0x6a: {  	_ =	swait.ge [sflag:s25], $0x4000  }
0x6b: {  	[sflag:s25] =	ssyncset.done $0x0  }
0x6c: {  	s1 =	rddreg [dreg:$0xa];
	[sflag:s25] =	ssyncadd.s32 $0xFFFFC000  }
0x6d: {  	[hbm4b:s1+s2] =	stream.linear.scatter [tilespmem:s20], [sflag:$0xC], $0x4000, $0x38;
	[tilespmem:$0x1CC80] =	vst v63  }
0x6e: {  	_ =	swait.ge [sflag:s11], $0x4000  }
0x6f: {  	s1 =	sld [smem:$0x7F1]  }
0x70: {  	[sflag:s11] =	ssyncset.done $0x0  }
0x71: {  	[sflag:s11] =	ssyncadd.s32 $0xFFFFC000  }
0x72: {  	[tilespmem:s5], [sflag:$0x3] =	stream.indirect.gather [hbm4b:s3+s9], $0x80, s1, s9, $0xb8;
	[tilespmem:$0x1CC80] =	vst v63  }
0x73: {  	_ =	swait.ge [sflag:s24], $0x4000  }
0x74: {  	[sflag:s24] =	ssyncset.done $0x0  }
0x75: {  	s1 =	rddreg [dreg:$0xb];
	[sflag:s24] =	ssyncadd.s32 $0xFFFFC000  }
0x76: {  	[hbm4b:s1+s2] =	stream.linear.scatter [tilespmem:s18], [sflag:$0xD], $0x4000, $0x38;
	[tilespmem:$0x1CC80] =	vst v63  }
0x77: {  	_ =	swait.ge [sflag:s12], $0x4000  }
0x78: {  	s1 =	sld [smem:$0x7F2]  }
0x79: {  	[sflag:s12] =	ssyncset.done $0x0  }
0x7a: {  	[sflag:s12] =	ssyncadd.s32 $0xFFFFC000  }
0x7b: {  	[tilespmem:s4], [sflag:$0x4] =	stream.indirect.gather [hbm4b:s3+s9], $0x80, s1, s9, $0xb8;
	[tilespmem:$0x1CC80] =	vst v63  }
0x7c: {  	_ =	swait.ge [sflag:s23], $0x4000  }
0x7d: {  	[sflag:s23] =	ssyncset.done $0x0  }
0x7e: {  	s1 =	rddreg [dreg:$0xc];
	[sflag:s23] =	ssyncadd.s32 $0xFFFFC000  }
0x7f: {  	[hbm4b:s1+s2] =	stream.linear.scatter [tilespmem:s17], [sflag:$0xE], $0x4000, $0x38;
	[tilespmem:$0x1CC80] =	vst v63  }
0x80: {  	_ =	swait.ge [sflag:s22], $0x4000  }
0x81: {  	s1 =	sld [smem:$0x7F3]  }
0x82: {  	[sflag:s22] =	ssyncset.done $0x0  }
0x83: {  	[sflag:s22] =	ssyncadd.s32 $0xFFFFC000  }
0x84: {  	[tilespmem:s20], [sflag:$0x5] =	stream.indirect.gather [hbm4b:s3+s9], $0x80, s1, s9, $0xb8;
	[tilespmem:$0x1CC80] =	vst v63  }
0x85: {  	_ =	swait.ge [sflag:s13], $0x4000  }
0x86: {  	[sflag:s13] =	ssyncset.done $0x0  }
0x87: {  	s1 =	rddreg [dreg:$0xd];
	[sflag:s13] =	ssyncadd.s32 $0xFFFFC000  }
0x88: {  	[hbm4b:s1+s2] =	stream.linear.scatter [tilespmem:s7], [sflag:$0x8], $0x4000, $0x38;
	[tilespmem:$0x1CC80] =	vst v63  }
0x89: {  	_ =	swait.ge [sflag:s21], $0x4000  }
0x8a: {  	s1 =	sld [smem:$0x7F4]  }
0x8b: {  	[sflag:s21] =	ssyncset.done $0x0  }
0x8c: {  	[sflag:s21] =	ssyncadd.s32 $0xFFFFC000  }
0x8d: {  	[tilespmem:s18], [sflag:$0x6] =	stream.indirect.gather [hbm4b:s3+s9], $0x80, s1, s9, $0xb8;
	[tilespmem:$0x1CC80] =	vst v63  }
0x8e: {  	_ =	swait.ge [sflag:s14], $0x4000  }
0x8f: {  	[sflag:s14] =	ssyncset.done $0x0  }
0x90: {  	s1 =	rddreg [dreg:$0xe];
	[sflag:s14] =	ssyncadd.s32 $0xFFFFC000  }
0x91: {  	[hbm4b:s1+s2] =	stream.linear.scatter [tilespmem:s6], [sflag:$0x9], $0x4000, $0x38;
	[tilespmem:$0x1CC80] =	vst v63  }
0x92: {  	_ =	swait.ge [sflag:s19], $0x4000  }
0x93: {  	s1 =	sld [smem:$0x7F5]  }
0x94: {  	[sflag:s19] =	ssyncset.done $0x0  }
0x95: {  	[sflag:s19] =	ssyncadd.s32 $0xFFFFC000  }
0x96: {  	[tilespmem:s17], [sflag:$0x7] =	stream.indirect.gather [hbm4b:s3+s9], $0x80, s1, s9, $0xb8;
	[tilespmem:$0x1CC80] =	vst v63  }
0x97: {  	_ =	swait.ge [sflag:s15], $0x4000  }
0x98: {  	[sflag:s15] =	ssyncset.done $0x0  }
0x99: {  	s1 =	rddreg [dreg:$0xf];
	[sflag:s15] =	ssyncadd.s32 $0xFFFFC000  }
0x9a: {  	[hbm4b:s1+s2] =	stream.linear.scatter [tilespmem:s5], [sflag:$0xA], $0x4000, $0x38;
	[tilespmem:$0x1CC80] =	vst v63  }
0x9b: {  	_ =	swait.ge [sflag:s8], $0x4000  }
0x9c: {  	s1 =	sld [smem:$0x7F6]  }
0x9d: {  	[sflag:s8] =	ssyncset.done $0x0  }
0x9e: {  	[sflag:s8] =	ssyncadd.s32 $0xFFFFC000  }
0x9f: {  	[tilespmem:s7], [sflag:$0x1] =	stream.indirect.gather [hbm4b:s3+s9], $0x80, s1, s9, $0xb8;
	[tilespmem:$0x1CC80] =	vst v63  }
0xa0: {  	_ =	swait.ge [sflag:s16], $0x4000  }
0xa1: {  	[sflag:s16] =	ssyncset.done $0x0  }
0xa2: {  	s1 =	rddreg [dreg:$0x10];
	[sflag:s16] =	ssyncadd.s32 $0xFFFFC000  }
0xa3: {  	[hbm4b:s1+s2] =	stream.linear.scatter [tilespmem:s4], [sflag:$0xB], $0x4000, $0x38;
	[tilespmem:$0x1CC80] =	vst v63  }
0xa4: {  	_ =	swait.ge [sflag:s10], $0x4000  }
0xa5: {  	s1 =	sld [smem:$0x7F7]  }
0xa6: {  	[sflag:s10] =	ssyncset.done $0x0  }
0xa7: {  	[sflag:s10] =	ssyncadd.s32 $0xFFFFC000  }
0xa8: {  	[tilespmem:s6], [sflag:$0x2] =	stream.indirect.gather [hbm4b:s3+s9], $0x80, s1, s9, $0xb8;
	[tilespmem:$0x1CC80] =	vst v63  }
0xa9: {  	_ =	swait.ge [sflag:s25], $0x4000  }
0xaa: {  	[sflag:s25] =	ssyncset.done $0x0  }
0xab: {  	s1 =	rddreg [dreg:$0x11];
	[sflag:s25] =	ssyncadd.s32 $0xFFFFC000  }
0xac: {  	[hbm4b:s1+s2] =	stream.linear.scatter [tilespmem:s20], [sflag:$0xC], $0x4000, $0x38;
	[tilespmem:$0x1CC80] =	vst v63  }
0xad: {  	_ =	swait.ge [sflag:s11], $0x4000  }
0xae: {  	s1 =	sld [smem:$0x7F8]  }
0xaf: {  	[sflag:s11] =	ssyncset.done $0x0  }
0xb0: {  	[sflag:s11] =	ssyncadd.s32 $0xFFFFC000  }
0xb1: {  	[tilespmem:s5], [sflag:$0x3] =	stream.indirect.gather [hbm4b:s3+s9], $0x80, s1, s9, $0xb8;
	[tilespmem:$0x1CC80] =	vst v63  }
0xb2: {  	_ =	swait.ge [sflag:s24], $0x4000  }
0xb3: {  	[sflag:s24] =	ssyncset.done $0x0  }
0xb4: {  	s1 =	rddreg [dreg:$0x12];
	[sflag:s24] =	ssyncadd.s32 $0xFFFFC000  }
0xb5: {  	[hbm4b:s1+s2] =	stream.linear.scatter [tilespmem:s18], [sflag:$0xD], $0x4000, $0x38;
	[tilespmem:$0x1CC80] =	vst v63  }
0xb6: {  	_ =	swait.ge [sflag:s12], $0x4000  }
0xb7: {  	s1 =	sld [smem:$0x7F9]  }
0xb8: {  	[sflag:s12] =	ssyncset.done $0x0  }
0xb9: {  	[sflag:s12] =	ssyncadd.s32 $0xFFFFC000  }
0xba: {  	[tilespmem:s4], [sflag:$0x4] =	stream.indirect.gather [hbm4b:s3+s9], $0x80, s1, s9, $0xb8;
	[tilespmem:$0x1CC80] =	vst v63  }
0xbb: {  	_ =	swait.ge [sflag:s23], $0x4000  }
0xbc: {  	[sflag:s23] =	ssyncset.done $0x0  }
0xbd: {  	s1 =	rddreg [dreg:$0x13];
	[sflag:s23] =	ssyncadd.s32 $0xFFFFC000  }
0xbe: {  	[hbm4b:s1+s2] =	stream.linear.scatter [tilespmem:s17], [sflag:$0xE], $0x4000, $0x38;
	[tilespmem:$0x1CC80] =	vst v63  }
0xbf: {  	_ =	swait.ge [sflag:s22], $0x4000  }
0xc0: {  	s1 =	sld [smem:$0x7FA]  }
0xc1: {  	[sflag:s22] =	ssyncset.done $0x0  }
0xc2: {  	[sflag:s22] =	ssyncadd.s32 $0xFFFFC000  }
0xc3: {  	[tilespmem:s20], [sflag:$0x5] =	stream.indirect.gather [hbm4b:s3+s9], $0x80, s1, s9, $0xb8;
	[tilespmem:$0x1CC80] =	vst v63  }
0xc4: {  	_ =	swait.ge [sflag:s13], $0x4000  }
0xc5: {  	[sflag:s13] =	ssyncset.done $0x0  }
0xc6: {  	s1 =	rddreg [dreg:$0x14];
	[sflag:s13] =	ssyncadd.s32 $0xFFFFC000  }
0xc7: {  	[hbm4b:s1+s2] =	stream.linear.scatter [tilespmem:s7], [sflag:$0x8], $0x4000, $0x38;
	[tilespmem:$0x1CC80] =	vst v63  }
0xc8: {  	_ =	swait.ge [sflag:s21], $0x4000  }
0xc9: {  	s1 =	sld [smem:$0x7FB]  }
0xca: {  	[sflag:s21] =	ssyncset.done $0x0  }
0xcb: {  	[sflag:s21] =	ssyncadd.s32 $0xFFFFC000  }
0xcc: {  	[tilespmem:s18], [sflag:$0x6] =	stream.indirect.gather [hbm4b:s3+s9], $0x80, s1, s9, $0xb8;
	[tilespmem:$0x1CC80] =	vst v63  }
0xcd: {  	_ =	swait.ge [sflag:s14], $0x4000  }
0xce: {  	[sflag:s14] =	ssyncset.done $0x0  }
0xcf: {  	s1 =	rddreg [dreg:$0x15];
	[sflag:s14] =	ssyncadd.s32 $0xFFFFC000  }
0xd0: {  	[hbm4b:s1+s2] =	stream.linear.scatter [tilespmem:s6], [sflag:$0x9], $0x4000, $0x38;
	[tilespmem:$0x1CC80] =	vst v63  }
0xd1: {  	_ =	swait.ge [sflag:s19], $0x4000  }
0xd2: {  	s1 =	sld [smem:$0x7FC]  }
0xd3: {  	[sflag:s19] =	ssyncset.done $0x0  }
0xd4: {  	[sflag:s19] =	ssyncadd.s32 $0xFFFFC000  }
0xd5: {  	[tilespmem:s17], [sflag:$0x7] =	stream.indirect.gather [hbm4b:s3+s9], $0x80, s1, s9, $0xb8;
	[tilespmem:$0x1CC80] =	vst v63  }
0xd6: {  	_ =	swait.ge [sflag:s15], $0x4000  }
0xd7: {  	[sflag:s15] =	ssyncset.done $0x0  }
0xd8: {  	s1 =	rddreg [dreg:$0x16];
	[sflag:s15] =	ssyncadd.s32 $0xFFFFC000  }
0xd9: {  	[hbm4b:s1+s2] =	stream.linear.scatter [tilespmem:s5], [sflag:$0xA], $0x4000, $0x38;
	[tilespmem:$0x1CC80] =	vst v63  }
0xda: {  	_ =	swait.ge [sflag:s8], $0x4000  }
0xdb: {  	s1 =	sld [smem:$0x7FD]  }
0xdc: {  	[sflag:s8] =	ssyncset.done $0x0  }
0xdd: {  	[sflag:s8] =	ssyncadd.s32 $0xFFFFC000  }
0xde: {  	[tilespmem:s7], [sflag:$0x1] =	stream.indirect.gather [hbm4b:s3+s9], $0x80, s1, s9, $0xb8;
	[tilespmem:$0x1CC80] =	vst v63  }
0xdf: {  	_ =	swait.ge [sflag:s16], $0x4000  }
0xe0: {  	[sflag:s16] =	ssyncset.done $0x0  }
0xe1: {  	s1 =	rddreg [dreg:$0x17];
	[sflag:s16] =	ssyncadd.s32 $0xFFFFC000  }
0xe2: {  	[hbm4b:s1+s2] =	stream.linear.scatter [tilespmem:s4], [sflag:$0xB], $0x4000, $0x38;
	[tilespmem:$0x1CC80] =	vst v63  }
0xe3: {  	_ =	swait.ge [sflag:s10], $0x4000  }
0xe4: {  	[sflag:s10] =	ssyncset.done $0x0  }
0xe5: {  	s1 =	simm.s32 $0xB00;
	[sflag:s10] =	ssyncadd.s32 $0xFFFFC000  }
0xe6: {  	[tilespmem:s6], [sflag:$0x2] =	stream.indirect.gather [hbm4b:s3+s9], $0x80, s1, s9, $0xb8;
	[tilespmem:$0x1CC80] =	vst v63  }
0xe7: {  	_ =	swait.ge [sflag:s25], $0x4000  }
0xe8: {  	[sflag:s25] =	ssyncset.done $0x0  }
0xe9: {  	s1 =	rddreg [dreg:$0x18];
	[sflag:s25] =	ssyncadd.s32 $0xFFFFC000  }
0xea: {  	[hbm4b:s1+s2] =	stream.linear.scatter [tilespmem:s20], [sflag:$0xC], $0x4000, $0x38;
	[tilespmem:$0x1CC80] =	vst v63  }
0xeb: {  	_ =	swait.ge [sflag:s11], $0x4000  }
0xec: {  	[sflag:s11] =	ssyncset.done $0x0  }
0xed: {  	[sflag:s11] =	ssyncadd.s32 $0xFFFFC000  }
0xee: {  	[tilespmem:s5], [sflag:$0x3] =	stream.indirect.gather [hbm4b:s3+s9], $0x80, s29, s9, $0xb8;
	[tilespmem:$0x1CC80] =	vst v63  }
0xef: {  	_ =	swait.ge [sflag:s24], $0x4000  }
0xf0: {  	[sflag:s24] =	ssyncset.done $0x0  }
0xf1: {  	s1 =	rddreg [dreg:$0x19];
	[sflag:s24] =	ssyncadd.s32 $0xFFFFC000  }
0xf2: {  	[hbm4b:s1+s2] =	stream.linear.scatter [tilespmem:s18], [sflag:$0xD], $0x4000, $0x38;
	[tilespmem:$0x1CC80] =	vst v63  }
0xf3: {  	_ =	swait.ge [sflag:s12], $0x4000  }
0xf4: {  	[sflag:s12] =	ssyncset.done $0x0  }
0xf5: {  	[sflag:s12] =	ssyncadd.s32 $0xFFFFC000  }
0xf6: {  	[tilespmem:s4], [sflag:$0x4] =	stream.indirect.gather [hbm4b:s3+s9], $0x80, s28, s9, $0xb8;
	[tilespmem:$0x1CC80] =	vst v63  }
0xf7: {  	_ =	swait.ge [sflag:s23], $0x4000  }
0xf8: {  	[sflag:s23] =	ssyncset.done $0x0  }
0xf9: {  	s1 =	rddreg [dreg:$0x1a];
	[sflag:s23] =	ssyncadd.s32 $0xFFFFC000  }
0xfa: {  	[hbm4b:s1+s2] =	stream.linear.scatter [tilespmem:s17], [sflag:$0xE], $0x4000, $0x38;
	[tilespmem:$0x1CC80] =	vst v63  }
0xfb: {  	_ =	swait.ge [sflag:s13], $0x4000  }
0xfc: {  	[sflag:s13] =	ssyncset.done $0x0  }
0xfd: {  	s1 =	rddreg [dreg:$0x1b];
	[sflag:s13] =	ssyncadd.s32 $0xFFFFC000  }
0xfe: {  	[hbm4b:s1+s2] =	stream.linear.scatter [tilespmem:s7], [sflag:$0x8], $0x4000, $0x38;
	[tilespmem:$0x1CC80] =	vst v63  }
0xff: {  	_ =	swait.ge [sflag:s14], $0x4000  }
0x100: {  	[sflag:s14] =	ssyncset.done $0x0  }
0x101: {  	s1 =	rddreg [dreg:$0x1c];
	[sflag:s14] =	ssyncadd.s32 $0xFFFFC000  }
0x102: {  	[hbm4b:s1+s2] =	stream.linear.scatter [tilespmem:s6], [sflag:$0x9], $0x4000, $0x38;
	[tilespmem:$0x1CC80] =	vst v63  }
0x103: {  	_ =	swait.ge [sflag:s15], $0x4000  }
0x104: {  	[sflag:s15] =	ssyncset.done $0x0  }
0x105: {  	s1 =	rddreg [dreg:$0x1d];
	[sflag:s15] =	ssyncadd.s32 $0xFFFFC000  }
0x106: {  	[hbm4b:s1+s2] =	stream.linear.scatter [tilespmem:s5], [sflag:$0xA], $0x4000, $0x38;
	[tilespmem:$0x1CC80] =	vst v63  }
0x107: {  	_ =	swait.ge [sflag:s16], $0x4000  }
0x108: {  	[sflag:s16] =	ssyncset.done $0x0  }
0x109: {  	s1 =	rddreg [dreg:$0x1e];
	[sflag:s16] =	ssyncadd.s32 $0xFFFFC000  }
0x10a: {  	[hbm4b:s1+s2] =	stream.linear.scatter [tilespmem:s4], [sflag:$0xB], $0x4000, $0x38;
	[tilespmem:$0x1CC80] =	vst v63  }
0x10b: {  	_ =	swait.ge [sflag:s22], $0x4000  }
0x10c: {  	[sflag:s22] =	ssyncset.done $0x0  }
0x10d: {  	[sflag:s22] =	ssyncadd.s32 $0xFFFFC000  }
0x10e: {  	_ =	swait.ge [sflag:s21], $0x4000  }
0x10f: {  	[sflag:s21] =	ssyncset.done $0x0  }
0x110: {  	[sflag:s21] =	ssyncadd.s32 $0xFFFFC000  }
0x111: {  	_ =	swait.ge [sflag:s19], $0x4000  }
0x112: {  	[sflag:s19] =	ssyncset.done $0x0  }
0x113: {  	[sflag:s19] =	ssyncadd.s32 $0xFFFFC000  }
0x114: {  	_ =	swait.ge [sflag:s8], $0x4000  }
0x115: {  	[sflag:s8] =	ssyncset.done $0x0  }
0x116: {  	[sflag:s8] =	ssyncadd.s32 $0xFFFFC000  }
0x117: {  	_ =	swait.ge [sflag:s10], $0x4000  }
0x118: {  	[sflag:s10] =	ssyncset.done $0x0  }
0x119: {  	p1 =	sne.s32 s26, $0x1;
	[sflag:s10] =	ssyncadd.s32 $0xFFFFC000  }
.Ltmp1:
0x11a: {  	_ =	swait.ge [sflag:s11], $0x4000;
	(pc) =	sbr.rel @!p1 .LBB2_3-.Ltmp1, $4  }
0x11b: {  	[sflag:s11] =	ssyncset.done $0x0  }
0x11c: {  	[sflag:s11] =	ssyncadd.s32 $0xFFFFC000  }
0x11d: {  	p0 =	por $0x1, $0x1;
	_ =	swait.ge [sflag:s12], $0x4000  }
0x11e: {  	s1 =	sadd.s32 $0xFFFFFFFF, s26;
	s0 =	rddreg [dreg:$0x4];
	[sflag:s12] =	ssyncset.done $0x0  }
.LBB2_4:
0x11f: {  	[sflag:s12] =	ssyncadd.s32 $0xFFFFC000  }
0x120: {  	[tilespmem:s2], [sflag:$0xF] =	stream.linear.gather [hbm4b:s0+s2], $0x200, $0x38;
	[tilespmem:$0x1CC80] =	vst v63  }
0x121: {  	_ =	swait.ge [sflag:s30], $0x200  }
0x122: {  	[sflag:s30] =	ssyncset.done $0x0  }
0x123: {  	[sflag:s30] =	ssyncadd.s32 $0xFFFFFE00  }
0x124: {  	[tilespmem:s7], [sflag:$0x1] =	stream.indirect.gather [hbm4b:s3+s9], $0x80, s2, s9, $0xb8;
	[tilespmem:$0x1CC80] =	vst v63  }
0x125: {  	s0 =	rddreg [dreg:$0x1f]  }
0x126: {  	[tilespmem:s6], [sflag:$0x2] =	stream.indirect.gather [hbm4b:s3+s9], $0x80, s9, s9, $0xb8;
	[tilespmem:$0x1CC80] =	vst v63  }
0x127: {  	s26 =	sld [smem:$0x7EC]  }
0x128: {  	[tilespmem:s5], [sflag:$0x3] =	stream.indirect.gather [hbm4b:s3+s9], $0x80, s0, s9, $0xb8;
	[tilespmem:$0x1CC80] =	vst v63  }
0x129: {  	_ = 	snop  }
0x12a: {  	[tilespmem:s4], [sflag:$0x4] =	stream.indirect.gather [hbm4b:s3+s9], $0x80, s26, s9, $0xb8;
	[tilespmem:$0x1CC80] =	vst v63  }
0x12b: {  	s0 =	rddreg [dreg:$0x5]  }
0x12c: {  	[tilespmem:s31], [sflag:$0xF] =	stream.linear.gather [hbm4b:s0+s2], $0xA80, $0x38;
	[tilespmem:$0x1CC80] =	vst v63  }
0x12d: {  	_ =	swait.ge [sflag:s30], $0xA80  }
0x12e: {  	[sflag:s30] =	ssyncset.done $0x0  }
0x12f: {  	[sflag:s30] =	ssyncadd.s32 $0xFFFFF580  }
0x130: {  	[tilespmem:s20], [sflag:$0x5] =	stream.indirect.gather [hbm4b:s3+s9], $0x80, s31, s9, $0xb8;
	[tilespmem:$0x1CC80] =	vst v63  }
0x131: {  	_ =	swait.ge [sflag:s13], $0x4000  }
0x132: {  	s0 =	rddreg [dreg:$0x6];
	[sflag:s13] =	ssyncset.done $0x0  }
0x133: {  	s26 =	sld [smem:$0x7ED];
	[sflag:s13] =	ssyncadd.s32 $0xFFFFC000  }
0x134: {  	[hbm4b:s0+s2] =	stream.linear.scatter [tilespmem:s7], [sflag:$0x8], $0x4000, $0x38;
	[tilespmem:$0x1CC80] =	vst v63  }
0x135: {  	_ = 	snop  }
0x136: {  	[tilespmem:s18], [sflag:$0x6] =	stream.indirect.gather [hbm4b:s3+s9], $0x80, s26, s9, $0xb8;
	[tilespmem:$0x1CC80] =	vst v63  }
0x137: {  	_ =	swait.ge [sflag:s14], $0x4000  }
0x138: {  	s0 =	rddreg [dreg:$0x7];
	[sflag:s14] =	ssyncset.done $0x0  }
0x139: {  	s26 =	sld [smem:$0x7EE];
	[sflag:s14] =	ssyncadd.s32 $0xFFFFC000  }
0x13a: {  	[hbm4b:s0+s2] =	stream.linear.scatter [tilespmem:s6], [sflag:$0x9], $0x4000, $0x38;
	[tilespmem:$0x1CC80] =	vst v63  }
0x13b: {  	_ = 	snop  }
0x13c: {  	[tilespmem:s17], [sflag:$0x7] =	stream.indirect.gather [hbm4b:s3+s9], $0x80, s26, s9, $0xb8;
	[tilespmem:$0x1CC80] =	vst v63  }
0x13d: {  	_ =	swait.ge [sflag:s15], $0x4000  }
0x13e: {  	[sflag:s15] =	ssyncset.done $0x0  }
0x13f: {  	s26 =	rddreg [dreg:$0x8];
	[sflag:s15] =	ssyncadd.s32 $0xFFFFC000  }
0x140: {  	[hbm4b:s26+s2] =	stream.linear.scatter [tilespmem:s5], [sflag:$0xA], $0x4000, $0x38;
	[tilespmem:$0x1CC80] =	vst v63  }
0x141: {  	_ =	swait.ge [sflag:s8], $0x4000  }
0x142: {  	s26 =	sld [smem:$0x7EF]  }
0x143: {  	[sflag:s8] =	ssyncset.done $0x0  }
0x144: {  	[sflag:s8] =	ssyncadd.s32 $0xFFFFC000  }
0x145: {  	[tilespmem:s7], [sflag:$0x1] =	stream.indirect.gather [hbm4b:s3+s9], $0x80, s26, s9, $0xb8;
	[tilespmem:$0x1CC80] =	vst v63  }
0x146: {  	_ =	swait.ge [sflag:s16], $0x4000  }
0x147: {  	[sflag:s16] =	ssyncset.done $0x0  }
0x148: {  	s26 =	rddreg [dreg:$0x9];
	[sflag:s16] =	ssyncadd.s32 $0xFFFFC000  }
0x149: {  	[hbm4b:s26+s2] =	stream.linear.scatter [tilespmem:s4], [sflag:$0xB], $0x4000, $0x38;
	[tilespmem:$0x1CC80] =	vst v63  }
0x14a: {  	_ =	swait.ge [sflag:s10], $0x4000  }
0x14b: {  	s26 =	sld [smem:$0x7F0]  }
0x14c: {  	[sflag:s10] =	ssyncset.done $0x0  }
0x14d: {  	[sflag:s10] =	ssyncadd.s32 $0xFFFFC000  }
0x14e: {  	[tilespmem:s6], [sflag:$0x2] =	stream.indirect.gather [hbm4b:s3+s9], $0x80, s26, s9, $0xb8;
	[tilespmem:$0x1CC80] =	vst v63  }
0x14f: {  	_ =	swait.ge [sflag:s25], $0x4000  }
0x150: {  	[sflag:s25] =	ssyncset.done $0x0  }
0x151: {  	s26 =	rddreg [dreg:$0xa];
	[sflag:s25] =	ssyncadd.s32 $0xFFFFC000  }
0x152: {  	[hbm4b:s26+s2] =	stream.linear.scatter [tilespmem:s20], [sflag:$0xC], $0x4000, $0x38;
	[tilespmem:$0x1CC80] =	vst v63  }
0x153: {  	_ =	swait.ge [sflag:s11], $0x4000  }
0x154: {  	s26 =	sld [smem:$0x7F1]  }
0x155: {  	[sflag:s11] =	ssyncset.done $0x0  }
0x156: {  	[sflag:s11] =	ssyncadd.s32 $0xFFFFC000  }
0x157: {  	[tilespmem:s5], [sflag:$0x3] =	stream.indirect.gather [hbm4b:s3+s9], $0x80, s26, s9, $0xb8;
	[tilespmem:$0x1CC80] =	vst v63  }
0x158: {  	_ =	swait.ge [sflag:s24], $0x4000  }
0x159: {  	[sflag:s24] =	ssyncset.done $0x0  }
0x15a: {  	s26 =	rddreg [dreg:$0xb];
	[sflag:s24] =	ssyncadd.s32 $0xFFFFC000  }
0x15b: {  	[hbm4b:s26+s2] =	stream.linear.scatter [tilespmem:s18], [sflag:$0xD], $0x4000, $0x38;
	[tilespmem:$0x1CC80] =	vst v63  }
0x15c: {  	_ =	swait.ge [sflag:s12], $0x4000  }
0x15d: {  	s26 =	sld [smem:$0x7F2]  }
0x15e: {  	[sflag:s12] =	ssyncset.done $0x0  }
0x15f: {  	[sflag:s12] =	ssyncadd.s32 $0xFFFFC000  }
0x160: {  	[tilespmem:s4], [sflag:$0x4] =	stream.indirect.gather [hbm4b:s3+s9], $0x80, s26, s9, $0xb8;
	[tilespmem:$0x1CC80] =	vst v63  }
0x161: {  	_ =	swait.ge [sflag:s23], $0x4000  }
0x162: {  	[sflag:s23] =	ssyncset.done $0x0  }
0x163: {  	s26 =	rddreg [dreg:$0xc];
	[sflag:s23] =	ssyncadd.s32 $0xFFFFC000  }
0x164: {  	[hbm4b:s26+s2] =	stream.linear.scatter [tilespmem:s17], [sflag:$0xE], $0x4000, $0x38;
	[tilespmem:$0x1CC80] =	vst v63  }
0x165: {  	_ =	swait.ge [sflag:s22], $0x4000  }
0x166: {  	s26 =	sld [smem:$0x7F3]  }
0x167: {  	[sflag:s22] =	ssyncset.done $0x0  }
0x168: {  	[sflag:s22] =	ssyncadd.s32 $0xFFFFC000  }
0x169: {  	[tilespmem:s20], [sflag:$0x5] =	stream.indirect.gather [hbm4b:s3+s9], $0x80, s26, s9, $0xb8;
	[tilespmem:$0x1CC80] =	vst v63  }
0x16a: {  	_ =	swait.ge [sflag:s13], $0x4000  }
0x16b: {  	[sflag:s13] =	ssyncset.done $0x0  }
0x16c: {  	s26 =	rddreg [dreg:$0xd];
	[sflag:s13] =	ssyncadd.s32 $0xFFFFC000  }
0x16d: {  	[hbm4b:s26+s2] =	stream.linear.scatter [tilespmem:s7], [sflag:$0x8], $0x4000, $0x38;
	[tilespmem:$0x1CC80] =	vst v63  }
0x16e: {  	_ =	swait.ge [sflag:s21], $0x4000  }
0x16f: {  	s26 =	sld [smem:$0x7F4]  }
0x170: {  	[sflag:s21] =	ssyncset.done $0x0  }
0x171: {  	[sflag:s21] =	ssyncadd.s32 $0xFFFFC000  }
0x172: {  	[tilespmem:s18], [sflag:$0x6] =	stream.indirect.gather [hbm4b:s3+s9], $0x80, s26, s9, $0xb8;
	[tilespmem:$0x1CC80] =	vst v63  }
0x173: {  	_ =	swait.ge [sflag:s14], $0x4000  }
0x174: {  	[sflag:s14] =	ssyncset.done $0x0  }
0x175: {  	s26 =	rddreg [dreg:$0xe];
	[sflag:s14] =	ssyncadd.s32 $0xFFFFC000  }
0x176: {  	[hbm4b:s26+s2] =	stream.linear.scatter [tilespmem:s6], [sflag:$0x9], $0x4000, $0x38;
	[tilespmem:$0x1CC80] =	vst v63  }
0x177: {  	_ =	swait.ge [sflag:s19], $0x4000  }
0x178: {  	s26 =	sld [smem:$0x7F5]  }
0x179: {  	[sflag:s19] =	ssyncset.done $0x0  }
0x17a: {  	[sflag:s19] =	ssyncadd.s32 $0xFFFFC000  }
0x17b: {  	[tilespmem:s17], [sflag:$0x7] =	stream.indirect.gather [hbm4b:s3+s9], $0x80, s26, s9, $0xb8;
	[tilespmem:$0x1CC80] =	vst v63  }
0x17c: {  	_ =	swait.ge [sflag:s15], $0x4000  }
0x17d: {  	[sflag:s15] =	ssyncset.done $0x0  }
0x17e: {  	s26 =	rddreg [dreg:$0xf];
	[sflag:s15] =	ssyncadd.s32 $0xFFFFC000  }
0x17f: {  	[hbm4b:s26+s2] =	stream.linear.scatter [tilespmem:s5], [sflag:$0xA], $0x4000, $0x38;
	[tilespmem:$0x1CC80] =	vst v63  }
0x180: {  	_ =	swait.ge [sflag:s8], $0x4000  }
0x181: {  	s26 =	sld [smem:$0x7F6]  }
0x182: {  	[sflag:s8] =	ssyncset.done $0x0  }
0x183: {  	[sflag:s8] =	ssyncadd.s32 $0xFFFFC000  }
0x184: {  	[tilespmem:s7], [sflag:$0x1] =	stream.indirect.gather [hbm4b:s3+s9], $0x80, s26, s9, $0xb8;
	[tilespmem:$0x1CC80] =	vst v63  }
0x185: {  	_ =	swait.ge [sflag:s16], $0x4000  }
0x186: {  	[sflag:s16] =	ssyncset.done $0x0  }
0x187: {  	s26 =	rddreg [dreg:$0x10];
	[sflag:s16] =	ssyncadd.s32 $0xFFFFC000  }
0x188: {  	[hbm4b:s26+s2] =	stream.linear.scatter [tilespmem:s4], [sflag:$0xB], $0x4000, $0x38;
	[tilespmem:$0x1CC80] =	vst v63  }
0x189: {  	_ =	swait.ge [sflag:s10], $0x4000  }
0x18a: {  	s26 =	sld [smem:$0x7F7]  }
0x18b: {  	[sflag:s10] =	ssyncset.done $0x0  }
0x18c: {  	[sflag:s10] =	ssyncadd.s32 $0xFFFFC000  }
0x18d: {  	[tilespmem:s6], [sflag:$0x2] =	stream.indirect.gather [hbm4b:s3+s9], $0x80, s26, s9, $0xb8;
	[tilespmem:$0x1CC80] =	vst v63  }
0x18e: {  	_ =	swait.ge [sflag:s25], $0x4000  }
0x18f: {  	[sflag:s25] =	ssyncset.done $0x0  }
0x190: {  	s26 =	rddreg [dreg:$0x11];
	[sflag:s25] =	ssyncadd.s32 $0xFFFFC000  }
0x191: {  	[hbm4b:s26+s2] =	stream.linear.scatter [tilespmem:s20], [sflag:$0xC], $0x4000, $0x38;
	[tilespmem:$0x1CC80] =	vst v63  }
0x192: {  	_ =	swait.ge [sflag:s11], $0x4000  }
0x193: {  	s26 =	sld [smem:$0x7F8]  }
0x194: {  	[sflag:s11] =	ssyncset.done $0x0  }
0x195: {  	[sflag:s11] =	ssyncadd.s32 $0xFFFFC000  }
0x196: {  	[tilespmem:s5], [sflag:$0x3] =	stream.indirect.gather [hbm4b:s3+s9], $0x80, s26, s9, $0xb8;
	[tilespmem:$0x1CC80] =	vst v63  }
0x197: {  	_ =	swait.ge [sflag:s24], $0x4000  }
0x198: {  	[sflag:s24] =	ssyncset.done $0x0  }
0x199: {  	s26 =	rddreg [dreg:$0x12];
	[sflag:s24] =	ssyncadd.s32 $0xFFFFC000  }
0x19a: {  	[hbm4b:s26+s2] =	stream.linear.scatter [tilespmem:s18], [sflag:$0xD], $0x4000, $0x38;
	[tilespmem:$0x1CC80] =	vst v63  }
0x19b: {  	_ =	swait.ge [sflag:s12], $0x4000  }
0x19c: {  	s26 =	sld [smem:$0x7F9]  }
0x19d: {  	[sflag:s12] =	ssyncset.done $0x0  }
0x19e: {  	[sflag:s12] =	ssyncadd.s32 $0xFFFFC000  }
0x19f: {  	[tilespmem:s4], [sflag:$0x4] =	stream.indirect.gather [hbm4b:s3+s9], $0x80, s26, s9, $0xb8;
	[tilespmem:$0x1CC80] =	vst v63  }
0x1a0: {  	_ =	swait.ge [sflag:s23], $0x4000  }
0x1a1: {  	[sflag:s23] =	ssyncset.done $0x0  }
0x1a2: {  	s26 =	rddreg [dreg:$0x13];
	[sflag:s23] =	ssyncadd.s32 $0xFFFFC000  }
0x1a3: {  	[hbm4b:s26+s2] =	stream.linear.scatter [tilespmem:s17], [sflag:$0xE], $0x4000, $0x38;
	[tilespmem:$0x1CC80] =	vst v63  }
0x1a4: {  	_ =	swait.ge [sflag:s22], $0x4000  }
0x1a5: {  	s26 =	sld [smem:$0x7FA]  }
0x1a6: {  	[sflag:s22] =	ssyncset.done $0x0  }
0x1a7: {  	[sflag:s22] =	ssyncadd.s32 $0xFFFFC000  }
0x1a8: {  	[tilespmem:s20], [sflag:$0x5] =	stream.indirect.gather [hbm4b:s3+s9], $0x80, s26, s9, $0xb8;
	[tilespmem:$0x1CC80] =	vst v63  }
0x1a9: {  	_ =	swait.ge [sflag:s13], $0x4000  }
0x1aa: {  	[sflag:s13] =	ssyncset.done $0x0  }
0x1ab: {  	s26 =	rddreg [dreg:$0x14];
	[sflag:s13] =	ssyncadd.s32 $0xFFFFC000  }
0x1ac: {  	[hbm4b:s26+s2] =	stream.linear.scatter [tilespmem:s7], [sflag:$0x8], $0x4000, $0x38;
	[tilespmem:$0x1CC80] =	vst v63  }
0x1ad: {  	_ =	swait.ge [sflag:s21], $0x4000  }
0x1ae: {  	s26 =	sld [smem:$0x7FB]  }
0x1af: {  	[sflag:s21] =	ssyncset.done $0x0  }
0x1b0: {  	[sflag:s21] =	ssyncadd.s32 $0xFFFFC000  }
0x1b1: {  	[tilespmem:s18], [sflag:$0x6] =	stream.indirect.gather [hbm4b:s3+s9], $0x80, s26, s9, $0xb8;
	[tilespmem:$0x1CC80] =	vst v63  }
0x1b2: {  	_ =	swait.ge [sflag:s14], $0x4000  }
0x1b3: {  	[sflag:s14] =	ssyncset.done $0x0  }
0x1b4: {  	s26 =	rddreg [dreg:$0x15];
	[sflag:s14] =	ssyncadd.s32 $0xFFFFC000  }
0x1b5: {  	[hbm4b:s26+s2] =	stream.linear.scatter [tilespmem:s6], [sflag:$0x9], $0x4000, $0x38;
	[tilespmem:$0x1CC80] =	vst v63  }
0x1b6: {  	_ =	swait.ge [sflag:s19], $0x4000  }
0x1b7: {  	s26 =	sld [smem:$0x7FC]  }
0x1b8: {  	[sflag:s19] =	ssyncset.done $0x0  }
0x1b9: {  	[sflag:s19] =	ssyncadd.s32 $0xFFFFC000  }
0x1ba: {  	[tilespmem:s17], [sflag:$0x7] =	stream.indirect.gather [hbm4b:s3+s9], $0x80, s26, s9, $0xb8;
	[tilespmem:$0x1CC80] =	vst v63  }
0x1bb: {  	_ =	swait.ge [sflag:s15], $0x4000  }
0x1bc: {  	[sflag:s15] =	ssyncset.done $0x0  }
0x1bd: {  	s26 =	rddreg [dreg:$0x16];
	[sflag:s15] =	ssyncadd.s32 $0xFFFFC000  }
0x1be: {  	[hbm4b:s26+s2] =	stream.linear.scatter [tilespmem:s5], [sflag:$0xA], $0x4000, $0x38;
	[tilespmem:$0x1CC80] =	vst v63  }
0x1bf: {  	_ =	swait.ge [sflag:s8], $0x4000  }
0x1c0: {  	s26 =	sld [smem:$0x7FD]  }
0x1c1: {  	[sflag:s8] =	ssyncset.done $0x0  }
0x1c2: {  	[sflag:s8] =	ssyncadd.s32 $0xFFFFC000  }
0x1c3: {  	[tilespmem:s7], [sflag:$0x1] =	stream.indirect.gather [hbm4b:s3+s9], $0x80, s26, s9, $0xb8;
	[tilespmem:$0x1CC80] =	vst v63  }
0x1c4: {  	_ =	swait.ge [sflag:s16], $0x4000  }
0x1c5: {  	[sflag:s16] =	ssyncset.done $0x0  }
0x1c6: {  	s26 =	rddreg [dreg:$0x17];
	[sflag:s16] =	ssyncadd.s32 $0xFFFFC000  }
0x1c7: {  	[hbm4b:s26+s2] =	stream.linear.scatter [tilespmem:s4], [sflag:$0xB], $0x4000, $0x38;
	[tilespmem:$0x1CC80] =	vst v63  }
0x1c8: {  	_ =	swait.ge [sflag:s10], $0x4000  }
0x1c9: {  	[sflag:s10] =	ssyncset.done $0x0  }
0x1ca: {  	s26 =	simm.s32 $0xB00;
	[sflag:s10] =	ssyncadd.s32 $0xFFFFC000  }
0x1cb: {  	[tilespmem:s6], [sflag:$0x2] =	stream.indirect.gather [hbm4b:s3+s9], $0x80, s26, s9, $0xb8;
	[tilespmem:$0x1CC80] =	vst v63  }
0x1cc: {  	_ =	swait.ge [sflag:s25], $0x4000  }
0x1cd: {  	[sflag:s25] =	ssyncset.done $0x0  }
0x1ce: {  	s26 =	rddreg [dreg:$0x18];
	[sflag:s25] =	ssyncadd.s32 $0xFFFFC000  }
0x1cf: {  	[hbm4b:s26+s2] =	stream.linear.scatter [tilespmem:s20], [sflag:$0xC], $0x4000, $0x38;
	[tilespmem:$0x1CC80] =	vst v63  }
0x1d0: {  	_ =	swait.ge [sflag:s11], $0x4000  }
0x1d1: {  	[sflag:s11] =	ssyncset.done $0x0  }
0x1d2: {  	[sflag:s11] =	ssyncadd.s32 $0xFFFFC000  }
0x1d3: {  	[tilespmem:s5], [sflag:$0x3] =	stream.indirect.gather [hbm4b:s3+s9], $0x80, s29, s9, $0xb8;
	[tilespmem:$0x1CC80] =	vst v63  }
0x1d4: {  	_ =	swait.ge [sflag:s24], $0x4000  }
0x1d5: {  	[sflag:s24] =	ssyncset.done $0x0  }
0x1d6: {  	s26 =	rddreg [dreg:$0x19];
	[sflag:s24] =	ssyncadd.s32 $0xFFFFC000  }
0x1d7: {  	[hbm4b:s26+s2] =	stream.linear.scatter [tilespmem:s18], [sflag:$0xD], $0x4000, $0x38;
	[tilespmem:$0x1CC80] =	vst v63  }
0x1d8: {  	_ =	swait.ge [sflag:s12], $0x4000  }
0x1d9: {  	[sflag:s12] =	ssyncset.done $0x0  }
0x1da: {  	[sflag:s12] =	ssyncadd.s32 $0xFFFFC000  }
0x1db: {  	[tilespmem:s4], [sflag:$0x4] =	stream.indirect.gather [hbm4b:s3+s9], $0x80, s28, s9, $0xb8;
	[tilespmem:$0x1CC80] =	vst v63  }
0x1dc: {  	_ =	swait.ge [sflag:s23], $0x4000  }
0x1dd: {  	[sflag:s23] =	ssyncset.done $0x0  }
0x1de: {  	s26 =	rddreg [dreg:$0x1a];
	[sflag:s23] =	ssyncadd.s32 $0xFFFFC000  }
0x1df: {  	[hbm4b:s26+s2] =	stream.linear.scatter [tilespmem:s17], [sflag:$0xE], $0x4000, $0x38;
	[tilespmem:$0x1CC80] =	vst v63  }
0x1e0: {  	_ =	swait.ge [sflag:s13], $0x4000  }
0x1e1: {  	[sflag:s13] =	ssyncset.done $0x0  }
0x1e2: {  	s26 =	rddreg [dreg:$0x1b];
	[sflag:s13] =	ssyncadd.s32 $0xFFFFC000  }
0x1e3: {  	[hbm4b:s26+s2] =	stream.linear.scatter [tilespmem:s7], [sflag:$0x8], $0x4000, $0x38;
	[tilespmem:$0x1CC80] =	vst v63  }
0x1e4: {  	_ =	swait.ge [sflag:s14], $0x4000  }
0x1e5: {  	[sflag:s14] =	ssyncset.done $0x0  }
0x1e6: {  	s26 =	rddreg [dreg:$0x1c];
	[sflag:s14] =	ssyncadd.s32 $0xFFFFC000  }
0x1e7: {  	[hbm4b:s26+s2] =	stream.linear.scatter [tilespmem:s6], [sflag:$0x9], $0x4000, $0x38;
	[tilespmem:$0x1CC80] =	vst v63  }
0x1e8: {  	_ =	swait.ge [sflag:s15], $0x4000  }
0x1e9: {  	[sflag:s15] =	ssyncset.done $0x0  }
0x1ea: {  	s26 =	rddreg [dreg:$0x1d];
	[sflag:s15] =	ssyncadd.s32 $0xFFFFC000  }
0x1eb: {  	[hbm4b:s26+s2] =	stream.linear.scatter [tilespmem:s5], [sflag:$0xA], $0x4000, $0x38;
	[tilespmem:$0x1CC80] =	vst v63  }
0x1ec: {  	_ =	swait.ge [sflag:s16], $0x4000  }
0x1ed: {  	[sflag:s16] =	ssyncset.done $0x0  }
0x1ee: {  	s26 =	rddreg [dreg:$0x1e];
	[sflag:s16] =	ssyncadd.s32 $0xFFFFC000  }
0x1ef: {  	[hbm4b:s26+s2] =	stream.linear.scatter [tilespmem:s4], [sflag:$0xB], $0x4000, $0x38;
	[tilespmem:$0x1CC80] =	vst v63  }
0x1f0: {  	_ =	swait.ge [sflag:s22], $0x4000  }
0x1f1: {  	[sflag:s22] =	ssyncset.done $0x0  }
0x1f2: {  	[sflag:s22] =	ssyncadd.s32 $0xFFFFC000  }
0x1f3: {  	_ =	swait.ge [sflag:s21], $0x4000  }
0x1f4: {  	[sflag:s21] =	ssyncset.done $0x0  }
0x1f5: {  	[sflag:s21] =	ssyncadd.s32 $0xFFFFC000  }
0x1f6: {  	_ =	swait.ge [sflag:s19], $0x4000  }
0x1f7: {  	[sflag:s19] =	ssyncset.done $0x0  }
0x1f8: {  	[sflag:s19] =	ssyncadd.s32 $0xFFFFC000  }
0x1f9: {  	_ =	swait.ge [sflag:s8], $0x4000  }
0x1fa: {  	[sflag:s8] =	ssyncset.done $0x0  }
0x1fb: {  	[sflag:s8] =	ssyncadd.s32 $0xFFFFC000  }
0x1fc: {  	_ =	swait.ge [sflag:s10], $0x4000  }
0x1fd: {  	[sflag:s10] =	ssyncset.done $0x0  }
0x1fe: {  	p1 =	sne.s32 s1, $0x1;
	[sflag:s10] =	ssyncadd.s32 $0xFFFFC000  }
.Ltmp2:
0x1ff: {  	_ =	swait.ge [sflag:s11], $0x4000;
	(pc) =	sbr.rel @p1 .LBB2_4-.Ltmp2, $4  }
0x200: {  	[sflag:s11] =	ssyncset.done $0x0  }
0x201: {  	[sflag:s11] =	ssyncadd.s32 $0xFFFFC000  }
0x202: {  	_ =	swait.ge [sflag:s12], $0x4000  }
0x203: {  	s1 =	sadd.s32 $0xFFFFFFFF, s1;
	s0 =	rddreg [dreg:$0x4];
	[sflag:s12] =	ssyncset.done $0x0  }
0x204: {  	s28 =	simm.s32 $0xB00;
	s29 =	simm.s32 $0xB80;
	s26 =	stileid.u32  }
.LBB2_6:
0x205: {  	[sflag:s12] =	ssyncadd.s32 @p0 $0xFFFFC000  }
0x206: {  	[tilespmem:s2], [sflag:$0xF] =	stream.linear.gather [hbm4b:s0+s2], $0x200, $0x38;
	[tilespmem:$0x1CC80] =	vst v63  }
0x207: {  	_ =	swait.ge [sflag:s30], $0x200  }
0x208: {  	[sflag:s30] =	ssyncset.done $0x0  }
0x209: {  	[sflag:s30] =	ssyncadd.s32 $0xFFFFFE00  }
0x20a: {  	[tilespmem:s7], [sflag:$0x1] =	stream.indirect.gather [hbm4b:s3+s9], $0x80, s2, s9, $0xb8;
	[tilespmem:$0x1CC80] =	vst v63  }
0x20b: {  	s0 =	rddreg [dreg:$0x1f]  }
0x20c: {  	[tilespmem:s6], [sflag:$0x2] =	stream.indirect.gather [hbm4b:s3+s9], $0x80, s9, s9, $0xb8;
	[tilespmem:$0x1CC80] =	vst v63  }
0x20d: {  	s1 =	sld [smem:$0x7EC]  }
0x20e: {  	[tilespmem:s5], [sflag:$0x3] =	stream.indirect.gather [hbm4b:s3+s9], $0x80, s0, s9, $0xb8;
	[tilespmem:$0x1CC80] =	vst v63  }
0x20f: {  	_ = 	snop  }
0x210: {  	[tilespmem:s4], [sflag:$0x4] =	stream.indirect.gather [hbm4b:s3+s9], $0x80, s1, s9, $0xb8;
	[tilespmem:$0x1CC80] =	vst v63  }
0x211: {  	s0 =	rddreg [dreg:$0x5]  }
0x212: {  	[tilespmem:s31], [sflag:$0xF] =	stream.linear.gather [hbm4b:s0+s2], $0xA80, $0x38;
	[tilespmem:$0x1CC80] =	vst v63  }
0x213: {  	_ =	swait.ge [sflag:s30], $0xA80  }
0x214: {  	[sflag:s30] =	ssyncset.done $0x0  }
0x215: {  	[sflag:s30] =	ssyncadd.s32 $0xFFFFF580  }
0x216: {  	[tilespmem:s20], [sflag:$0x5] =	stream.indirect.gather [hbm4b:s3+s9], $0x80, s31, s9, $0xb8;
	[tilespmem:$0x1CC80] =	vst v63  }
0x217: {  	_ =	swait.ge [sflag:s13], $0x4000  }
0x218: {  	s30 =	rddreg [dreg:$0x6];
	[sflag:s13] =	ssyncset.done $0x0  }
0x219: {  	s31 =	sld [smem:$0x7ED];
	[sflag:s13] =	ssyncadd.s32 $0xFFFFC000  }
0x21a: {  	[hbm4b:s30+s2] =	stream.linear.scatter [tilespmem:s7], [sflag:$0x8], $0x4000, $0x38;
	[tilespmem:$0x1CC80] =	vst v63  }
0x21b: {  	_ = 	snop  }
0x21c: {  	[tilespmem:s18], [sflag:$0x6] =	stream.indirect.gather [hbm4b:s3+s9], $0x80, s31, s9, $0xb8;
	[tilespmem:$0x1CC80] =	vst v63  }
0x21d: {  	_ =	swait.ge [sflag:s14], $0x4000  }
0x21e: {  	s1 =	rddreg [dreg:$0x7];
	[sflag:s14] =	ssyncset.done $0x0  }
0x21f: {  	s30 =	sld [smem:$0x7EE];
	[sflag:s14] =	ssyncadd.s32 $0xFFFFC000  }
0x220: {  	[hbm4b:s1+s2] =	stream.linear.scatter [tilespmem:s6], [sflag:$0x9], $0x4000, $0x38;
	[tilespmem:$0x1CC80] =	vst v63  }
0x221: {  	_ = 	snop  }
0x222: {  	[tilespmem:s17], [sflag:$0x7] =	stream.indirect.gather [hbm4b:s3+s9], $0x80, s30, s9, $0xb8;
	[tilespmem:$0x1CC80] =	vst v63  }
0x223: {  	_ =	swait.ge [sflag:s15], $0x4000  }
0x224: {  	[sflag:s15] =	ssyncset.done $0x0  }
0x225: {  	s31 =	rddreg [dreg:$0x8];
	[sflag:s15] =	ssyncadd.s32 $0xFFFFC000  }
0x226: {  	[hbm4b:s31+s2] =	stream.linear.scatter [tilespmem:s5], [sflag:$0xA], $0x4000, $0x38;
	[tilespmem:$0x1CC80] =	vst v63  }
0x227: {  	_ =	swait.ge [sflag:s8], $0x4000  }
0x228: {  	s1 =	sld [smem:$0x7EF]  }
0x229: {  	[sflag:s8] =	ssyncset.done $0x0  }
0x22a: {  	[sflag:s8] =	ssyncadd.s32 $0xFFFFC000  }
0x22b: {  	[tilespmem:s7], [sflag:$0x1] =	stream.indirect.gather [hbm4b:s3+s9], $0x80, s1, s9, $0xb8;
	[tilespmem:$0x1CC80] =	vst v63  }
0x22c: {  	_ =	swait.ge [sflag:s16], $0x4000  }
0x22d: {  	[sflag:s16] =	ssyncset.done $0x0  }
0x22e: {  	s30 =	rddreg [dreg:$0x9];
	[sflag:s16] =	ssyncadd.s32 $0xFFFFC000  }
0x22f: {  	[hbm4b:s30+s2] =	stream.linear.scatter [tilespmem:s4], [sflag:$0xB], $0x4000, $0x38;
	[tilespmem:$0x1CC80] =	vst v63  }
0x230: {  	_ =	swait.ge [sflag:s10], $0x4000  }
0x231: {  	s31 =	sld [smem:$0x7F0]  }
0x232: {  	[sflag:s10] =	ssyncset.done $0x0  }
0x233: {  	[sflag:s10] =	ssyncadd.s32 $0xFFFFC000  }
0x234: {  	[tilespmem:s6], [sflag:$0x2] =	stream.indirect.gather [hbm4b:s3+s9], $0x80, s31, s9, $0xb8;
	[tilespmem:$0x1CC80] =	vst v63  }
0x235: {  	_ =	swait.ge [sflag:s25], $0x4000  }
0x236: {  	[sflag:s25] =	ssyncset.done $0x0  }
0x237: {  	s1 =	rddreg [dreg:$0xa];
	[sflag:s25] =	ssyncadd.s32 $0xFFFFC000  }
0x238: {  	[hbm4b:s1+s2] =	stream.linear.scatter [tilespmem:s20], [sflag:$0xC], $0x4000, $0x38;
	[tilespmem:$0x1CC80] =	vst v63  }
0x239: {  	_ =	swait.ge [sflag:s11], $0x4000  }
0x23a: {  	s30 =	sld [smem:$0x7F1]  }
0x23b: {  	[sflag:s11] =	ssyncset.done $0x0  }
0x23c: {  	[sflag:s11] =	ssyncadd.s32 $0xFFFFC000  }
0x23d: {  	[tilespmem:s5], [sflag:$0x3] =	stream.indirect.gather [hbm4b:s3+s9], $0x80, s30, s9, $0xb8;
	[tilespmem:$0x1CC80] =	vst v63  }
0x23e: {  	_ =	swait.ge [sflag:s24], $0x4000  }
0x23f: {  	[sflag:s24] =	ssyncset.done $0x0  }
0x240: {  	s31 =	rddreg [dreg:$0xb];
	[sflag:s24] =	ssyncadd.s32 $0xFFFFC000  }
0x241: {  	[hbm4b:s31+s2] =	stream.linear.scatter [tilespmem:s18], [sflag:$0xD], $0x4000, $0x38;
	[tilespmem:$0x1CC80] =	vst v63  }
0x242: {  	_ =	swait.ge [sflag:s12], $0x4000  }
0x243: {  	s1 =	sld [smem:$0x7F2]  }
0x244: {  	[sflag:s12] =	ssyncset.done $0x0  }
0x245: {  	[sflag:s12] =	ssyncadd.s32 $0xFFFFC000  }
0x246: {  	[tilespmem:s4], [sflag:$0x4] =	stream.indirect.gather [hbm4b:s3+s9], $0x80, s1, s9, $0xb8;
	[tilespmem:$0x1CC80] =	vst v63  }
0x247: {  	_ =	swait.ge [sflag:s23], $0x4000  }
0x248: {  	[sflag:s23] =	ssyncset.done $0x0  }
0x249: {  	s30 =	rddreg [dreg:$0xc];
	[sflag:s23] =	ssyncadd.s32 $0xFFFFC000  }
0x24a: {  	[hbm4b:s30+s2] =	stream.linear.scatter [tilespmem:s17], [sflag:$0xE], $0x4000, $0x38;
	[tilespmem:$0x1CC80] =	vst v63  }
0x24b: {  	_ =	swait.ge [sflag:s22], $0x4000  }
0x24c: {  	s31 =	sld [smem:$0x7F3]  }
0x24d: {  	[sflag:s22] =	ssyncset.done $0x0  }
0x24e: {  	[sflag:s22] =	ssyncadd.s32 $0xFFFFC000  }
0x24f: {  	[tilespmem:s20], [sflag:$0x5] =	stream.indirect.gather [hbm4b:s3+s9], $0x80, s31, s9, $0xb8;
	[tilespmem:$0x1CC80] =	vst v63  }
0x250: {  	_ =	swait.ge [sflag:s13], $0x4000  }
0x251: {  	[sflag:s13] =	ssyncset.done $0x0  }
0x252: {  	s1 =	rddreg [dreg:$0xd];
	[sflag:s13] =	ssyncadd.s32 $0xFFFFC000  }
0x253: {  	[hbm4b:s1+s2] =	stream.linear.scatter [tilespmem:s7], [sflag:$0x8], $0x4000, $0x38;
	[tilespmem:$0x1CC80] =	vst v63  }
0x254: {  	_ =	swait.ge [sflag:s21], $0x4000  }
0x255: {  	s30 =	sld [smem:$0x7F4]  }
0x256: {  	[sflag:s21] =	ssyncset.done $0x0  }
0x257: {  	[sflag:s21] =	ssyncadd.s32 $0xFFFFC000  }
0x258: {  	[tilespmem:s18], [sflag:$0x6] =	stream.indirect.gather [hbm4b:s3+s9], $0x80, s30, s9, $0xb8;
	[tilespmem:$0x1CC80] =	vst v63  }
0x259: {  	_ =	swait.ge [sflag:s14], $0x4000  }
0x25a: {  	[sflag:s14] =	ssyncset.done $0x0  }
0x25b: {  	s31 =	rddreg [dreg:$0xe];
	[sflag:s14] =	ssyncadd.s32 $0xFFFFC000  }
0x25c: {  	[hbm4b:s31+s2] =	stream.linear.scatter [tilespmem:s6], [sflag:$0x9], $0x4000, $0x38;
	[tilespmem:$0x1CC80] =	vst v63  }
0x25d: {  	_ =	swait.ge [sflag:s19], $0x4000  }
0x25e: {  	s1 =	sld [smem:$0x7F5]  }
0x25f: {  	[sflag:s19] =	ssyncset.done $0x0  }
0x260: {  	[sflag:s19] =	ssyncadd.s32 $0xFFFFC000  }
0x261: {  	[tilespmem:s17], [sflag:$0x7] =	stream.indirect.gather [hbm4b:s3+s9], $0x80, s1, s9, $0xb8;
	[tilespmem:$0x1CC80] =	vst v63  }
0x262: {  	_ =	swait.ge [sflag:s15], $0x4000  }
0x263: {  	[sflag:s15] =	ssyncset.done $0x0  }
0x264: {  	s30 =	rddreg [dreg:$0xf];
	[sflag:s15] =	ssyncadd.s32 $0xFFFFC000  }
0x265: {  	[hbm4b:s30+s2] =	stream.linear.scatter [tilespmem:s5], [sflag:$0xA], $0x4000, $0x38;
	[tilespmem:$0x1CC80] =	vst v63  }
0x266: {  	_ =	swait.ge [sflag:s8], $0x4000  }
0x267: {  	s31 =	sld [smem:$0x7F6]  }
0x268: {  	[sflag:s8] =	ssyncset.done $0x0  }
0x269: {  	[sflag:s8] =	ssyncadd.s32 $0xFFFFC000  }
0x26a: {  	[tilespmem:s7], [sflag:$0x1] =	stream.indirect.gather [hbm4b:s3+s9], $0x80, s31, s9, $0xb8;
	[tilespmem:$0x1CC80] =	vst v63  }
0x26b: {  	_ =	swait.ge [sflag:s16], $0x4000  }
0x26c: {  	[sflag:s16] =	ssyncset.done $0x0  }
0x26d: {  	s1 =	rddreg [dreg:$0x10];
	[sflag:s16] =	ssyncadd.s32 $0xFFFFC000  }
0x26e: {  	[hbm4b:s1+s2] =	stream.linear.scatter [tilespmem:s4], [sflag:$0xB], $0x4000, $0x38;
	[tilespmem:$0x1CC80] =	vst v63  }
0x26f: {  	_ =	swait.ge [sflag:s10], $0x4000  }
0x270: {  	s30 =	sld [smem:$0x7F7]  }
0x271: {  	[sflag:s10] =	ssyncset.done $0x0  }
0x272: {  	[sflag:s10] =	ssyncadd.s32 $0xFFFFC000  }
0x273: {  	[tilespmem:s6], [sflag:$0x2] =	stream.indirect.gather [hbm4b:s3+s9], $0x80, s30, s9, $0xb8;
	[tilespmem:$0x1CC80] =	vst v63  }
0x274: {  	_ =	swait.ge [sflag:s25], $0x4000  }
0x275: {  	[sflag:s25] =	ssyncset.done $0x0  }
0x276: {  	s31 =	rddreg [dreg:$0x11];
	[sflag:s25] =	ssyncadd.s32 $0xFFFFC000  }
0x277: {  	[hbm4b:s31+s2] =	stream.linear.scatter [tilespmem:s20], [sflag:$0xC], $0x4000, $0x38;
	[tilespmem:$0x1CC80] =	vst v63  }
0x278: {  	_ =	swait.ge [sflag:s11], $0x4000  }
0x279: {  	s1 =	sld [smem:$0x7F8]  }
0x27a: {  	[sflag:s11] =	ssyncset.done $0x0  }
0x27b: {  	[sflag:s11] =	ssyncadd.s32 $0xFFFFC000  }
0x27c: {  	[tilespmem:s5], [sflag:$0x3] =	stream.indirect.gather [hbm4b:s3+s9], $0x80, s1, s9, $0xb8;
	[tilespmem:$0x1CC80] =	vst v63  }
0x27d: {  	_ =	swait.ge [sflag:s24], $0x4000  }
0x27e: {  	[sflag:s24] =	ssyncset.done $0x0  }
0x27f: {  	s30 =	rddreg [dreg:$0x12];
	[sflag:s24] =	ssyncadd.s32 $0xFFFFC000  }
0x280: {  	[hbm4b:s30+s2] =	stream.linear.scatter [tilespmem:s18], [sflag:$0xD], $0x4000, $0x38;
	[tilespmem:$0x1CC80] =	vst v63  }
0x281: {  	_ =	swait.ge [sflag:s12], $0x4000  }
0x282: {  	s31 =	sld [smem:$0x7F9]  }
0x283: {  	[sflag:s12] =	ssyncset.done $0x0  }
0x284: {  	[sflag:s12] =	ssyncadd.s32 $0xFFFFC000  }
0x285: {  	[tilespmem:s4], [sflag:$0x4] =	stream.indirect.gather [hbm4b:s3+s9], $0x80, s31, s9, $0xb8;
	[tilespmem:$0x1CC80] =	vst v63  }
0x286: {  	_ =	swait.ge [sflag:s23], $0x4000  }
0x287: {  	[sflag:s23] =	ssyncset.done $0x0  }
0x288: {  	s1 =	rddreg [dreg:$0x13];
	[sflag:s23] =	ssyncadd.s32 $0xFFFFC000  }
0x289: {  	[hbm4b:s1+s2] =	stream.linear.scatter [tilespmem:s17], [sflag:$0xE], $0x4000, $0x38;
	[tilespmem:$0x1CC80] =	vst v63  }
0x28a: {  	_ =	swait.ge [sflag:s22], $0x4000  }
0x28b: {  	s30 =	sld [smem:$0x7FA]  }
0x28c: {  	[sflag:s22] =	ssyncset.done $0x0  }
0x28d: {  	[sflag:s22] =	ssyncadd.s32 $0xFFFFC000  }
0x28e: {  	[tilespmem:s20], [sflag:$0x5] =	stream.indirect.gather [hbm4b:s3+s9], $0x80, s30, s9, $0xb8;
	[tilespmem:$0x1CC80] =	vst v63  }
0x28f: {  	_ =	swait.ge [sflag:s13], $0x4000  }
0x290: {  	[sflag:s13] =	ssyncset.done $0x0  }
0x291: {  	s31 =	rddreg [dreg:$0x14];
	[sflag:s13] =	ssyncadd.s32 $0xFFFFC000  }
0x292: {  	[hbm4b:s31+s2] =	stream.linear.scatter [tilespmem:s7], [sflag:$0x8], $0x4000, $0x38;
	[tilespmem:$0x1CC80] =	vst v63  }
0x293: {  	_ =	swait.ge [sflag:s21], $0x4000  }
0x294: {  	s1 =	sld [smem:$0x7FB]  }
0x295: {  	[sflag:s21] =	ssyncset.done $0x0  }
0x296: {  	[sflag:s21] =	ssyncadd.s32 $0xFFFFC000  }
0x297: {  	[tilespmem:s18], [sflag:$0x6] =	stream.indirect.gather [hbm4b:s3+s9], $0x80, s1, s9, $0xb8;
	[tilespmem:$0x1CC80] =	vst v63  }
0x298: {  	_ =	swait.ge [sflag:s14], $0x4000  }
0x299: {  	[sflag:s14] =	ssyncset.done $0x0  }
0x29a: {  	s30 =	rddreg [dreg:$0x15];
	[sflag:s14] =	ssyncadd.s32 $0xFFFFC000  }
0x29b: {  	[hbm4b:s30+s2] =	stream.linear.scatter [tilespmem:s6], [sflag:$0x9], $0x4000, $0x38;
	[tilespmem:$0x1CC80] =	vst v63  }
0x29c: {  	_ =	swait.ge [sflag:s19], $0x4000  }
0x29d: {  	s31 =	sld [smem:$0x7FC]  }
0x29e: {  	[sflag:s19] =	ssyncset.done $0x0  }
0x29f: {  	[sflag:s19] =	ssyncadd.s32 $0xFFFFC000  }
0x2a0: {  	[tilespmem:s17], [sflag:$0x7] =	stream.indirect.gather [hbm4b:s3+s9], $0x80, s31, s9, $0xb8;
	[tilespmem:$0x1CC80] =	vst v63  }
0x2a1: {  	_ =	swait.ge [sflag:s15], $0x4000  }
0x2a2: {  	[sflag:s15] =	ssyncset.done $0x0  }
0x2a3: {  	s1 =	rddreg [dreg:$0x16];
	[sflag:s15] =	ssyncadd.s32 $0xFFFFC000  }
0x2a4: {  	[hbm4b:s1+s2] =	stream.linear.scatter [tilespmem:s5], [sflag:$0xA], $0x4000, $0x38;
	[tilespmem:$0x1CC80] =	vst v63  }
0x2a5: {  	_ =	swait.ge [sflag:s8], $0x4000  }
0x2a6: {  	s30 =	sld [smem:$0x7FD]  }
0x2a7: {  	[sflag:s8] =	ssyncset.done $0x0  }
0x2a8: {  	[sflag:s8] =	ssyncadd.s32 $0xFFFFC000  }
0x2a9: {  	[tilespmem:s7], [sflag:$0x1] =	stream.indirect.gather [hbm4b:s3+s9], $0x80, s30, s9, $0xb8;
	[tilespmem:$0x1CC80] =	vst v63  }
0x2aa: {  	_ =	swait.ge [sflag:s16], $0x4000  }
0x2ab: {  	[sflag:s16] =	ssyncset.done $0x0  }
0x2ac: {  	s31 =	rddreg [dreg:$0x17];
	[sflag:s16] =	ssyncadd.s32 $0xFFFFC000  }
0x2ad: {  	[hbm4b:s31+s2] =	stream.linear.scatter [tilespmem:s4], [sflag:$0xB], $0x4000, $0x38;
	[tilespmem:$0x1CC80] =	vst v63  }
0x2ae: {  	_ =	swait.ge [sflag:s10], $0x4000  }
0x2af: {  	[sflag:s10] =	ssyncset.done $0x0  }
0x2b0: {  	[sflag:s10] =	ssyncadd.s32 $0xFFFFC000  }
0x2b1: {  	[tilespmem:s6], [sflag:$0x2] =	stream.indirect.gather [hbm4b:s3+s9], $0x80, s28, s9, $0xb8;
	[tilespmem:$0x1CC80] =	vst v63  }
0x2b2: {  	_ =	swait.ge [sflag:s25], $0x4000  }
0x2b3: {  	[sflag:s25] =	ssyncset.done $0x0  }
0x2b4: {  	s1 =	rddreg [dreg:$0x18];
	[sflag:s25] =	ssyncadd.s32 $0xFFFFC000  }
0x2b5: {  	[hbm4b:s1+s2] =	stream.linear.scatter [tilespmem:s20], [sflag:$0xC], $0x4000, $0x38;
	[tilespmem:$0x1CC80] =	vst v63  }
0x2b6: {  	_ =	swait.ge [sflag:s11], $0x4000  }
0x2b7: {  	[sflag:s11] =	ssyncset.done $0x0  }
0x2b8: {  	[sflag:s11] =	ssyncadd.s32 $0xFFFFC000  }
0x2b9: {  	[tilespmem:s5], [sflag:$0x3] =	stream.indirect.gather [hbm4b:s3+s9], $0x80, s29, s9, $0xb8;
	[tilespmem:$0x1CC80] =	vst v63  }
0x2ba: {  	_ =	swait.ge [sflag:s24], $0x4000  }
0x2bb: {  	[sflag:s24] =	ssyncset.done $0x0  }
0x2bc: {  	s20 =	rddreg [dreg:$0x19];
	[sflag:s24] =	ssyncadd.s32 $0xFFFFC000  }
0x2bd: {  	[hbm4b:s20+s2] =	stream.linear.scatter [tilespmem:s18], [sflag:$0xD], $0x4000, $0x38;
	[tilespmem:$0x1CC80] =	vst v63  }
0x2be: {  	_ =	swait.ge [sflag:s12], $0x4000  }
0x2bf: {  	[sflag:s12] =	ssyncset.done $0x0  }
0x2c0: {  	s24 =	simm.s32 $0xC00;
	[sflag:s12] =	ssyncadd.s32 $0xFFFFC000  }
0x2c1: {  	[tilespmem:s4], [sflag:$0x4] =	stream.indirect.gather [hbm4b:s3+s9], $0x80, s24, s9, $0xb8;
	[tilespmem:$0x1CC80] =	vst v63  }
0x2c2: {  	_ =	swait.ge [sflag:s23], $0x4000  }
0x2c3: {  	[sflag:s23] =	ssyncset.done $0x0  }
0x2c4: {  	s25 =	rddreg [dreg:$0x1a];
	[sflag:s23] =	ssyncadd.s32 $0xFFFFC000  }
0x2c5: {  	[hbm4b:s25+s2] =	stream.linear.scatter [tilespmem:s17], [sflag:$0xE], $0x4000, $0x38;
	[tilespmem:$0x1CC80] =	vst v63  }
0x2c6: {  	_ =	swait.ge [sflag:s13], $0x4000  }
0x2c7: {  	[sflag:s13] =	ssyncset.done $0x0  }
0x2c8: {  	s28 =	rddreg [dreg:$0x1b];
	[sflag:s13] =	ssyncadd.s32 $0xFFFFC000  }
0x2c9: {  	[hbm4b:s28+s2] =	stream.linear.scatter [tilespmem:s7], [sflag:$0x8], $0x4000, $0x38;
	[tilespmem:$0x1CC80] =	vst v63  }
0x2ca: {  	_ =	swait.ge [sflag:s14], $0x4000  }
0x2cb: {  	[sflag:s14] =	ssyncset.done $0x0  }
0x2cc: {  	s29 =	rddreg [dreg:$0x1c];
	[sflag:s14] =	ssyncadd.s32 $0xFFFFC000  }
0x2cd: {  	[hbm4b:s29+s2] =	stream.linear.scatter [tilespmem:s6], [sflag:$0x9], $0x4000, $0x38;
	[tilespmem:$0x1CC80] =	vst v63  }
0x2ce: {  	_ =	swait.ge [sflag:s15], $0x4000  }
0x2cf: {  	[sflag:s15] =	ssyncset.done $0x0  }
0x2d0: {  	s30 =	rddreg [dreg:$0x1d];
	[sflag:s15] =	ssyncadd.s32 $0xFFFFC000  }
0x2d1: {  	[hbm4b:s30+s2] =	stream.linear.scatter [tilespmem:s5], [sflag:$0xA], $0x4000, $0x38;
	[tilespmem:$0x1CC80] =	vst v63  }
0x2d2: {  	_ =	swait.ge [sflag:s16], $0x4000  }
0x2d3: {  	[sflag:s16] =	ssyncset.done $0x0  }
0x2d4: {  	s31 =	rddreg [dreg:$0x1e];
	[sflag:s16] =	ssyncadd.s32 $0xFFFFC000  }
0x2d5: {  	[hbm4b:s31+s2] =	stream.linear.scatter [tilespmem:s4], [sflag:$0xB], $0x4000, $0x38;
	[tilespmem:$0x1CC80] =	vst v63  }
0x2d6: {  	_ =	swait.ge [sflag:s22], $0x4000  }
0x2d7: {  	[sflag:s22] =	ssyncset.done $0x0  }
0x2d8: {  	[sflag:s22] =	ssyncadd.s32 $0xFFFFC000  }
0x2d9: {  	_ =	swait.ge [sflag:s21], $0x4000  }
0x2da: {  	[sflag:s21] =	ssyncset.done $0x0  }
0x2db: {  	[sflag:s21] =	ssyncadd.s32 $0xFFFFC000  }
0x2dc: {  	_ =	swait.ge [sflag:s19], $0x4000  }
0x2dd: {  	[sflag:s19] =	ssyncset.done $0x0  }
0x2de: {  	[sflag:s19] =	ssyncadd.s32 $0xFFFFC000  }
0x2df: {  	_ =	swait.ge [sflag:s8], $0x4000  }
0x2e0: {  	[sflag:s8] =	ssyncset.done $0x0  }
0x2e1: {  	[sflag:s8] =	ssyncadd.s32 $0xFFFFC000  }
0x2e2: {  	_ =	swait.ge [sflag:s10], $0x4000  }
0x2e3: {  	[sflag:s10] =	ssyncset.done $0x0  }
0x2e4: {  	[sflag:s10] =	ssyncadd.s32 $0xFFFFC000  }
0x2e5: {  	_ =	swait.ge [sflag:s11], $0x4000  }
0x2e6: {  	[sflag:s11] =	ssyncset.done $0x0  }
0x2e7: {  	[sflag:s11] =	ssyncadd.s32 $0xFFFFC000  }
0x2e8: {  	_ =	swait.ge [sflag:s12], $0x4000  }
0x2e9: {  	[sflag:s12] =	ssyncset.done $0x0  }
0x2ea: {  	[sflag:s12] =	ssyncadd.s32 $0xFFFFC000  }
0x2eb: {  	_ =	sfence.sel $0x180000  }
0x2ec: {  	[bflag:$0x0] =	sbarrier.arrive $0xFFFF  }
0x2ed: {  	_ =	strace $0x90000047  }
0x2ee: {  	[bflag:$0x2] =	sbarrier.arrive $0xFFFF  }
0x2ef: {  	p0 =	sne.s32 s26, $0x0;
	s0 =	rddreg [dreg:$0x3]  }
0x2f0: {  	s0 =	sadd.s32 @!p0 $0x100000, s0  }
0x2f1: {  	[sflag:s0] =	ssyncadd.tile.s32 @!p0 $0x1;
	_ =	shalt  }
.LBB2_1:
.Ltmp3:
0x2f2: {  	(pc) =	sbr.rel .LBB2_6-.Ltmp3, $2  }
0x2f3: {  	_ =	sdelay $0x2  }
0x2f4: {  	s28 =	simm.s32 $0xB00;
	s29 =	simm.s32 $0xB80  }
.LBB2_3:
.Ltmp4:
0x2f5: {  	(pc) =	sbr.rel .LBB2_6-.Ltmp4, $2  }
0x2f6: {  	_ =	sdelay $0x2  }
0x2f7: {  	s28 =	simm.s32 $0xB00;
	s29 =	simm.s32 $0xB80;
	s26 =	stileid.u32  }
.Lfunc_end2:
_tile_overlayer_lowered:
.L_overlay_start_2:
0x2f8: {  	(tag) =	ssettag $0x2  }
0x2f9: {  	s0 =	rddreg [dreg:$0x0];
	s2 =	stileid.u32  }
0x2fa: {  	s1 =	rddreg [dreg:$0x1];
	p0 =	sne.s32 s2, $0x0  }
0x2fb: {  	s3 =	rddreg [dreg:$0x2];
	[bflag:$0x3] =	sbarrier.arrive $0xFFFF;
	s2 =	simm.s32 @!p0 $0x1C0F  }
0x2fc: {  	[timem:s3], [sflag:s2] =	dma.local @!p0 [hbm:s0], s1  }
0x2fd: {  	s0 =	simm.s32 @!p0 $0xF  }
0x2fe: {  	_ =	swait.ge @!p0 [sflag:s0], s1  }
0x2ff: {  	s1 =	ssub.s32 @!p0 $0x0, s1;
	[sflag:s0] =	ssyncset.done @!p0 $0x0  }
0x300: {  	[sflag:s0] =	ssyncadd.s32 @!p0 s1  }
0x301: {  	[bflag:$0x3] =	sbarrier.arrive $0xFFFF  }
0x302: {  	_ =	shalt  }

</sc_bundles>
